<compile_context>
chip_gen: v7x
topology: tpu7x:2x2x1
jax: 0.10.2.dev20260603
libtpu: 0.0.44.dev20260713+nightly
codegen_flags: <defaults>
</compile_context>

<pallas_src>
import functools

import jax
import jax.numpy as jnp
from jax import lax
from jax.experimental import pallas as pl
from jax.experimental.pallas import tpu as pltpu
from jax.experimental.pallas import tpu_sc as plsc

N_NODES = 10000
N_EDGES = 320000
NC = 2
NS = 16
NW = NC * NS
K = 125
STEPS = N_EDGES // (NW * K)
ROWS_PER_TILE = N_NODES // NS

_mesh = plsc.VectorSubcoreMesh(core_axis_name="c", subcore_axis_name="s")
_sc_params = pltpu.CompilerParams(use_tc_tiling_on_sc=False)


def _zero_vmem(ref, n_rows, width):
    zero = jnp.zeros((16,), jnp.float32)

    def row(i, _):
        def col(j, _):
            ref[i, pl.ds(j * 16, 16)] = zero
            return 0
        return lax.fori_loop(0, width // 16, col, 0)

    lax.fori_loop(0, n_rows, row, 0)




@functools.partial(
    pl.kernel,
    mesh=_mesh,
    compiler_params=_sc_params,
    out_type=jax.ShapeDtypeStruct((NC, N_NODES, 16), jnp.float32),
    scratch_types=[
        pltpu.VMEM((STEPS, K), jnp.int32),
        pltpu.VMEM((STEPS, K), jnp.int32),
        pltpu.VMEM((K, 16), jnp.float32),
        pltpu.VMEM((K, 16), jnp.float32),
        pltpu.VMEM((ROWS_PER_TILE, 16), jnp.float32),
        pltpu.VMEM_SHARED((N_NODES, 16), jnp.float32),
    ],
)
def _sc_degrees(src2d, dst2d, pat_s, pat_d, out, sidx, didx, ones_s, ones_d,
                zeros, acc):
    c = lax.axis_index("c")
    s = lax.axis_index("s")
    wid = c * NS + s

    _zero_vmem(zeros, ROWS_PER_TILE, 16)
    pltpu.sync_copy(zeros, acc.at[pl.ds(s * ROWS_PER_TILE, ROWS_PER_TILE)])
    pltpu.sync_copy(pat_s, ones_s)
    pltpu.sync_copy(pat_d, ones_d)
    plsc.subcore_barrier()

    base = wid * STEPS
    pltpu.sync_copy(src2d.at[pl.ds(base, STEPS)], sidx)
    pltpu.sync_copy(dst2d.at[pl.ds(base, STEPS)], didx)

    def step(j, _):
        pltpu.sync_copy(ones_s, acc.at[sidx.at[j]], add=True)
        pltpu.sync_copy(ones_d, acc.at[didx.at[j]], add=True)
        return 0

    lax.fori_loop(0, STEPS, step, 0)
    plsc.subcore_barrier()

    row0 = s * ROWS_PER_TILE
    pltpu.sync_copy(acc.at[pl.ds(row0, ROWS_PER_TILE)],
                    out.at[c, pl.ds(row0, ROWS_PER_TILE)])


def _make_sc_aggregate(width, stage_table):
    tbl_scratch = (
        [pltpu.VMEM_SHARED((N_NODES, width), jnp.float32)] if stage_table
        else [])

    @functools.partial(
        pl.kernel,
        mesh=_mesh,
        compiler_params=_sc_params,
        out_type=jax.ShapeDtypeStruct((NC, N_NODES, width), jnp.float32),
        scratch_types=[
            pltpu.VMEM((STEPS // 2, K), jnp.int32),
            pltpu.VMEM((STEPS // 2, K), jnp.int32),
            pltpu.VMEM((K, width), jnp.float32),
            pltpu.VMEM((K, width), jnp.float32),
            pltpu.VMEM_SHARED((N_NODES, width), jnp.float32),
        ] + tbl_scratch + [
            pltpu.SemaphoreType.DMA,
            pltpu.SemaphoreType.DMA,
        ],
    )
    def agg(table, src2d, dst2d, out, sidx, didx, rows_a, rows_b, acc,
            *rest):
        if stage_table:
            tbl, sem_a, sem_b = rest
        else:
            sem_a, sem_b = rest
            tbl = table
        c = lax.axis_index("c")
        s = lax.axis_index("s")
        wid = c * NS + s
        half = STEPS // 2

        if stage_table:
            row0 = s * ROWS_PER_TILE
            pltpu.sync_copy(table.at[pl.ds(row0, ROWS_PER_TILE)],
                            tbl.at[pl.ds(row0, ROWS_PER_TILE)])

        _zero_vmem(rows_a, K, width)
        for r in range(ROWS_PER_TILE // K):
            off = s * ROWS_PER_TILE + r * K
            pltpu.sync_copy(rows_a, acc.at[pl.ds(off, K)])
        plsc.subcore_barrier()

        for h in range(2):
            base = wid * STEPS + h * half
            pltpu.sync_copy(src2d.at[pl.ds(base, half)], sidx)
            pltpu.sync_copy(dst2d.at[pl.ds(base, half)], didx)

            pltpu.async_copy(tbl.at[sidx.at[0]], rows_a, sem_a)

            def step(i, _):
                ja = 2 * i
                jb = ja + 1
                pltpu.make_async_copy(tbl.at[sidx.at[ja]], rows_a,
                                      sem_a).wait()
                pltpu.async_copy(tbl.at[sidx.at[jb]], rows_b, sem_a)
                pltpu.sync_copy(rows_a, acc.at[didx.at[ja]], add=True)
                pltpu.make_async_copy(tbl.at[sidx.at[jb]], rows_b,
                                      sem_a).wait()
                pltpu.async_copy(tbl.at[sidx.at[jb + 1]], rows_a, sem_a)
                pltpu.sync_copy(rows_b, acc.at[didx.at[jb]], add=True)
                return 0

            lax.fori_loop(0, half // 2 - 1, step, 0)
            ja = half - 2
            jb = half - 1
            pltpu.make_async_copy(tbl.at[sidx.at[ja]], rows_a, sem_a).wait()
            pltpu.async_copy(tbl.at[sidx.at[jb]], rows_b, sem_a)
            pltpu.sync_copy(rows_a, acc.at[didx.at[ja]], add=True)
            pltpu.make_async_copy(tbl.at[sidx.at[jb]], rows_b, sem_a).wait()
            pltpu.sync_copy(rows_b, acc.at[didx.at[jb]], add=True)
        plsc.subcore_barrier()

        row0 = s * ROWS_PER_TILE
        pltpu.sync_copy(acc.at[pl.ds(row0, ROWS_PER_TILE)],
                        out.at[c, pl.ds(row0, ROWS_PER_TILE)])

    return agg


_sc_agg128 = _make_sc_aggregate(128, stage_table=False)
_sc_agg64 = _make_sc_aggregate(64, stage_table=True)


_BLK = 1000


def _rsqrt_deg(dref, col):
    d = dref[0, :, col:col + 1] + dref[1, :, col:col + 1]
    return lax.rsqrt(jnp.maximum(d, 1.0))


def _scale_body(x_ref, deg_ref, o_ref):
    o_ref[...] = x_ref[...] * _rsqrt_deg(deg_ref, 0)


def _mid_body(p_ref, deg_ref, w1_ref, b1_ref, w2_ref, o_ref):
    rin = _rsqrt_deg(deg_ref, 8)
    rout = _rsqrt_deg(deg_ref, 0)
    agg = (p_ref[0] + p_ref[1]) * rin
    h = jnp.dot(agg, w1_ref[...], preferred_element_type=jnp.float32)
    h = jnp.maximum(h + b1_ref[...], 0.0) * rout
    o_ref[...] = jnp.dot(h, w2_ref[...], preferred_element_type=jnp.float32)


def _out_body(p_ref, deg_ref, b2_ref, o_ref):
    o_ref[...] = (p_ref[0] + p_ref[1]) * _rsqrt_deg(deg_ref, 8) + b2_ref[...]


def _deg_spec():
    return pl.BlockSpec((2, _BLK, 16), lambda i: (0, i, 0))


def _tc_scale(x, deg):
    return pl.pallas_call(
        _scale_body,
        grid=(N_NODES // _BLK,),
        in_specs=[pl.BlockSpec((_BLK, 128), lambda i: (i, 0)), _deg_spec()],
        out_specs=pl.BlockSpec((_BLK, 128), lambda i: (i, 0)),
        out_shape=jax.ShapeDtypeStruct((N_NODES, 128), jnp.float32),
    )(x, deg)


def _tc_mid(p1, deg, w1, b1, w2):
    return pl.pallas_call(
        _mid_body,
        grid=(N_NODES // _BLK,),
        in_specs=[
            pl.BlockSpec((2, _BLK, 128), lambda i: (0, i, 0)),
            _deg_spec(),
            pl.BlockSpec((128, 128), lambda i: (0, 0)),
            pl.BlockSpec((1, 128), lambda i: (0, 0)),
            pl.BlockSpec((128, 64), lambda i: (0, 0)),
        ],
        out_specs=pl.BlockSpec((_BLK, 64), lambda i: (i, 0)),
        out_shape=jax.ShapeDtypeStruct((N_NODES, 64), jnp.float32),
    )(p1, deg, w1, b1, w2)


def _tc_out(p2, deg, b2):
    return pl.pallas_call(
        _out_body,
        grid=(N_NODES // _BLK,),
        in_specs=[
            pl.BlockSpec((2, _BLK, 64), lambda i: (0, i, 0)),
            _deg_spec(),
            pl.BlockSpec((1, 64), lambda i: (0, 0)),
        ],
        out_specs=pl.BlockSpec((_BLK, 64), lambda i: (i, 0)),
        out_shape=jax.ShapeDtypeStruct((N_NODES, 64), jnp.float32),
    )(p2, deg, b2)


def kernel(x, edge_index, W1, b1, W2, b2):
    ei = edge_index.astype(jnp.int32)
    src2d = ei[0].reshape(NW * STEPS, K)
    dst2d = ei[1].reshape(NW * STEPS, K)

    col = lax.broadcasted_iota(jnp.float32, (K, 16), 1)
    pat_s = (col < 8).astype(jnp.float32)
    pat_d = 1.0 - pat_s

    deg = _sc_degrees(src2d, dst2d, pat_s, pat_d)
    hs = _tc_scale(x, deg)
    p1 = _sc_agg128(hs, src2d, dst2d)
    y2 = _tc_mid(p1, deg, W1, b1.reshape(1, -1), W2)
    p2 = _sc_agg64(y2, src2d, dst2d)
    return _tc_out(p2, deg, b2.reshape(1, -1))

# --- scband reference (transcript-rebuilt; emitter-appended) ---
"""Pipeline reference for scband-backbone-gnn-83846351552637 (READ-ONLY COPY).

The authoritative reference and input builder live on the scoring server;
editing this copy changes nothing except your own understanding.
"""

import jax, jax.numpy as jnp
import numpy as np

N_NODES = 10000
N_EDGES = 320000
D_FEAT = 128
D_HID = 128
N_CLASSES = 64


def setup_inputs(seed: int = 0) -> dict:
    key = jax.random.key(seed)
    k1, k2, k3, k4, k5, k6 = jax.random.split(key, 6)
    x = jax.random.normal(k1, (N_NODES, D_FEAT), dtype=jnp.float32)
    edge_index = jax.random.randint(k2, (2, N_EDGES), 0, N_NODES, dtype=jnp.int64)
    # GraphConv layer 1: in=D_FEAT, out=D_HID
    W1 = jax.random.normal(k3, (D_FEAT, D_HID), dtype=jnp.float32) * (1.0 / np.sqrt(D_FEAT))
    b1 = jnp.zeros((D_HID,), dtype=jnp.float32)
    # GraphConv layer 2: in=D_HID, out=N_CLASSES
    W2 = jax.random.normal(k4, (D_HID, N_CLASSES), dtype=jnp.float32) * (1.0 / np.sqrt(D_HID))
    b2 = jnp.zeros((N_CLASSES,), dtype=jnp.float32)
    return {"x": x, "edge_index": edge_index, "W1": W1, "b1": b1, "W2": W2, "b2": b2}


def _gcn_layer(x, src, dst, W, b, n_nodes):
    # DGL GraphConv with norm='both': symmetric degree normalization
    deg_out = jnp.clip(jnp.bincount(src, length=n_nodes), 1, None).astype(x.dtype)
    deg_in = jnp.clip(jnp.bincount(dst, length=n_nodes), 1, None).astype(x.dtype)
    h = x * (1.0 / jnp.sqrt(deg_out))[:, None]
    msg = jnp.take(h, src, axis=0)              # gather over edges
    agg = jax.ops.segment_sum(msg, dst, num_segments=n_nodes)  # scatter-add
    agg = agg * (1.0 / jnp.sqrt(deg_in))[:, None]
    return agg @ W + b


def reference(x, edge_index, W1, b1, W2, b2):
    src = edge_index[0]
    dst = edge_index[1]
    # BackboneGNN forward (eval mode: dropout is identity)
    h = _gcn_layer(x, src, dst, W1, b1, N_NODES)
    h = jax.nn.relu(h)
    out = _gcn_layer(h, src, dst, W2, b2, N_NODES)
    return out

if __name__ == "__main__":
    import jax
    _d = setup_inputs()
    print(jax.jit(kernel)(*tuple(_d.values())))

</pallas_src>

<mosaic_0001>
#map = affine_map<(d0, d1) -> (0, 0)>
#map1 = affine_map<(d0, d1) -> (0, 0, 0)>
module attributes {stable_mosaic.version = 14 : i64} {
  func.func @_sc_degrees(%arg0: i32, %arg1: i32, %arg2: memref<2560x125xi32, #tpu.memory_space<hbm>>, %arg3: memref<2560x125xi32, #tpu.memory_space<hbm>>, %arg4: memref<125x16xf32, #tpu.memory_space<hbm>>, %arg5: memref<125x16xf32, #tpu.memory_space<hbm>>, %arg6: memref<2x10000x16xf32, #tpu.memory_space<hbm>>, %arg7: memref<80x125xi32, #tpu.memory_space<vmem>>, %arg8: memref<80x125xi32, #tpu.memory_space<vmem>>, %arg9: memref<125x16xf32, #tpu.memory_space<vmem>>, %arg10: memref<125x16xf32, #tpu.memory_space<vmem>>, %arg11: memref<625x16xf32, #tpu.memory_space<vmem>>, %arg12: memref<10000x16xf32, #tpu.memory_space<vmem_shared>>) attributes {dimension_semantics = [#tpu.dimension_semantics<core_parallel>, #tpu.dimension_semantics<subcore_parallel>], iteration_bounds = array<i64: 2, 16>, scalar_prefetch = 0 : i64, scratch_operands = 6 : i64, tpu.core_type = #tpu.core_type<sc_vector_subcore>, window_params = [{transform_indices = #map}, {transform_indices = #map}, {transform_indices = #map}, {transform_indices = #map}, {transform_indices = #map1}]} {
    %mul3A = arith.constant 16 : i32
    %mul3A_0 = arith.muli %arg0, %mul3A : i32
    %add3A = arith.addi %mul3A_0, %arg1 : i32
    %broadcast_in_dim3A = arith.constant 0.000000e+00 : f32
    %broadcast_in_dim3A_1 = vector.broadcast %broadcast_in_dim3A : f32 to vector<16xf32>
    %scan3A = arith.constant 0 : i32
    %scan3A_2 = arith.constant 0 : i32
    %scan3A_3 = arith.constant 625 : i32
    %scan3A_4 = arith.addi %scan3A_2, %scan3A_3 : i32
    %scan3A_5 = arith.constant 1 : i32
    %scan3A_6 = scf.for %scan3A_22 = %scan3A_2 to %scan3A_4 step %scan3A_5 iter_args(%scan3A_23 = %scan3A) -> (i32)  : i32 {
      %scan3A_24 = arith.constant 0 : i32
      %scan3A_25 = arith.constant 0 : i32
      %mul3A_26 = arith.constant 16 : i32
      %mul3A_27 = arith.muli %scan3A_25, %mul3A_26 : i32
      %swap3A = arith.index_cast %scan3A_22 : i32 to index
      %swap3A_28 = arith.index_cast %mul3A_27 : i32 to index
      %swap3A_29 = tpu.vector_load %arg11[%swap3A, %swap3A_28] {strides = array<i32>} : memref<625x16xf32, #tpu.memory_space<vmem>>, vector<1x16xf32>,
      %swap3A_30 = vector.shape_cast %swap3A_29 : vector<1x16xf32> to vector<16xf32>
      %swap3A_31 = vector.shape_cast %broadcast_in_dim3A_1 : vector<16xf32> to vector<1x16xf32>
      tpu.vector_store %arg11[%swap3A, %swap3A_28], %swap3A_31 {strides = array<i32>} : memref<625x16xf32, #tpu.memory_space<vmem>>, vector<1x16xf32>,
      %scan3A_32 = arith.constant 0 : i32
      %scan3A_33 = arith.constant 1 : i32
      scf.yield %scan3A_32 : i32
    }
    %scan3A_7 = arith.constant 625 : i32
    %mul3A_8 = arith.constant 625 : i32
    %mul3A_9 = arith.muli %arg1, %mul3A_8 : i32
    "tpu.region"() ({
      %run_scoped3A = tpu.sem_alloc : memref<!tpu.dma_semaphore, #tpu.memory_space<semaphore_mem>>
      %dma_start3A = arith.constant 0 : i32
      %dma_start3A_22 = tpu.memref_slice %arg12[%mul3A_9, %dma_start3A] : memref<10000x16xf32, #tpu.memory_space<vmem_shared>> -> memref<625x16xf32, #tpu.memory_space<vmem_shared>>
      %dma_start3A_23 = arith.constant 0 : i32
      %dma_start3A_24 = tpu.memref_slice %arg12[%mul3A_9, %dma_start3A_23] : memref<10000x16xf32, #tpu.memory_space<vmem_shared>> -> memref<625x16xf32, #tpu.memory_space<vmem_shared>>
      tpu.enqueue_dma source(%arg11 : memref<625x16xf32, #tpu.memory_space<vmem>>) target(%dma_start3A_24 : memref<625x16xf32, #tpu.memory_space<vmem_shared>>) target_semaphore(%run_scoped3A : memref<!tpu.dma_semaphore, #tpu.memory_space<semaphore_mem>>)
      %dma_wait3A = arith.constant 0 : i32
      %dma_wait3A_25 = tpu.memref_slice %arg12[%mul3A_9, %dma_wait3A] : memref<10000x16xf32, #tpu.memory_space<vmem_shared>> -> memref<625x16xf32, #tpu.memory_space<vmem_shared>>
      %dma_wait3A_26 = arith.constant 0 : i32
      %dma_wait3A_27 = tpu.memref_slice %arg12[%mul3A_9, %dma_wait3A_26] : memref<10000x16xf32, #tpu.memory_space<vmem_shared>> -> memref<625x16xf32, #tpu.memory_space<vmem_shared>>
      tpu.wait_dma2 semaphore(%run_scoped3A : memref<!tpu.dma_semaphore, #tpu.memory_space<semaphore_mem>>) src(%arg11 : memref<625x16xf32, #tpu.memory_space<vmem>>) dst(%dma_wait3A_27 : memref<625x16xf32, #tpu.memory_space<vmem_shared>>)
      tpu.yield
    }) : () -> ()
    "tpu.region"() ({
      %run_scoped3A = tpu.sem_alloc : memref<!tpu.dma_semaphore, #tpu.memory_space<semaphore_mem>>
      tpu.enqueue_dma source(%arg4 : memref<125x16xf32, #tpu.memory_space<hbm>>) target(%arg9 : memref<125x16xf32, #tpu.memory_space<vmem>>) target_semaphore(%run_scoped3A : memref<!tpu.dma_semaphore, #tpu.memory_space<semaphore_mem>>)
      tpu.wait_dma2 semaphore(%run_scoped3A : memref<!tpu.dma_semaphore, #tpu.memory_space<semaphore_mem>>) src(%arg4 : memref<125x16xf32, #tpu.memory_space<hbm>>) dst(%arg9 : memref<125x16xf32, #tpu.memory_space<vmem>>)
      tpu.yield
    }) : () -> ()
    "tpu.region"() ({
      %run_scoped3A = tpu.sem_alloc : memref<!tpu.dma_semaphore, #tpu.memory_space<semaphore_mem>>
      tpu.enqueue_dma source(%arg5 : memref<125x16xf32, #tpu.memory_space<hbm>>) target(%arg10 : memref<125x16xf32, #tpu.memory_space<vmem>>) target_semaphore(%run_scoped3A : memref<!tpu.dma_semaphore, #tpu.memory_space<semaphore_mem>>)
      tpu.wait_dma2 semaphore(%run_scoped3A : memref<!tpu.dma_semaphore, #tpu.memory_space<semaphore_mem>>) src(%arg5 : memref<125x16xf32, #tpu.memory_space<hbm>>) dst(%arg10 : memref<125x16xf32, #tpu.memory_space<vmem>>)
      tpu.yield
    }) : () -> ()
    %barrier3A = arith.constant 0 : index
    tpu.barrier barrier_id(%barrier3A)
    %mul3A_10 = arith.constant 80 : i32
    %mul3A_11 = arith.muli %add3A, %mul3A_10 : i32
    "tpu.region"() ({
      %run_scoped3A = tpu.sem_alloc : memref<!tpu.dma_semaphore, #tpu.memory_space<semaphore_mem>>
      %dma_start3A = arith.constant 0 : i32
      %dma_start3A_22 = tpu.memref_slice %arg2[%mul3A_11, %dma_start3A] : memref<2560x125xi32, #tpu.memory_space<hbm>> -> memref<80x125xi32, #tpu.memory_space<hbm>>
      %dma_start3A_23 = arith.constant 0 : i32
      %dma_start3A_24 = tpu.memref_slice %arg2[%mul3A_11, %dma_start3A_23] : memref<2560x125xi32, #tpu.memory_space<hbm>> -> memref<80x125xi32, #tpu.memory_space<hbm>>
      tpu.enqueue_dma source(%dma_start3A_24 : memref<80x125xi32, #tpu.memory_space<hbm>>) target(%arg7 : memref<80x125xi32, #tpu.memory_space<vmem>>) target_semaphore(%run_scoped3A : memref<!tpu.dma_semaphore, #tpu.memory_space<semaphore_mem>>)
      %dma_wait3A = arith.constant 0 : i32
      %dma_wait3A_25 = tpu.memref_slice %arg2[%mul3A_11, %dma_wait3A] : memref<2560x125xi32, #tpu.memory_space<hbm>> -> memref<80x125xi32, #tpu.memory_space<hbm>>
      %dma_wait3A_26 = arith.constant 0 : i32
      %dma_wait3A_27 = tpu.memref_slice %arg2[%mul3A_11, %dma_wait3A_26] : memref<2560x125xi32, #tpu.memory_space<hbm>> -> memref<80x125xi32, #tpu.memory_space<hbm>>
      tpu.wait_dma2 semaphore(%run_scoped3A : memref<!tpu.dma_semaphore, #tpu.memory_space<semaphore_mem>>) src(%dma_wait3A_27 : memref<80x125xi32, #tpu.memory_space<hbm>>) dst(%arg7 : memref<80x125xi32, #tpu.memory_space<vmem>>)
      tpu.yield
    }) : () -> ()
    "tpu.region"() ({
      %run_scoped3A = tpu.sem_alloc : memref<!tpu.dma_semaphore, #tpu.memory_space<semaphore_mem>>
      %dma_start3A = arith.constant 0 : i32
      %dma_start3A_22 = tpu.memref_slice %arg3[%mul3A_11, %dma_start3A] : memref<2560x125xi32, #tpu.memory_space<hbm>> -> memref<80x125xi32, #tpu.memory_space<hbm>>
      %dma_start3A_23 = arith.constant 0 : i32
      %dma_start3A_24 = tpu.memref_slice %arg3[%mul3A_11, %dma_start3A_23] : memref<2560x125xi32, #tpu.memory_space<hbm>> -> memref<80x125xi32, #tpu.memory_space<hbm>>
      tpu.enqueue_dma source(%dma_start3A_24 : memref<80x125xi32, #tpu.memory_space<hbm>>) target(%arg8 : memref<80x125xi32, #tpu.memory_space<vmem>>) target_semaphore(%run_scoped3A : memref<!tpu.dma_semaphore, #tpu.memory_space<semaphore_mem>>)
      %dma_wait3A = arith.constant 0 : i32
      %dma_wait3A_25 = tpu.memref_slice %arg3[%mul3A_11, %dma_wait3A] : memref<2560x125xi32, #tpu.memory_space<hbm>> -> memref<80x125xi32, #tpu.memory_space<hbm>>
      %dma_wait3A_26 = arith.constant 0 : i32
      %dma_wait3A_27 = tpu.memref_slice %arg3[%mul3A_11, %dma_wait3A_26] : memref<2560x125xi32, #tpu.memory_space<hbm>> -> memref<80x125xi32, #tpu.memory_space<hbm>>
      tpu.wait_dma2 semaphore(%run_scoped3A : memref<!tpu.dma_semaphore, #tpu.memory_space<semaphore_mem>>) src(%dma_wait3A_27 : memref<80x125xi32, #tpu.memory_space<hbm>>) dst(%arg8 : memref<80x125xi32, #tpu.memory_space<vmem>>)
      tpu.yield
    }) : () -> ()
    %scan3A_12 = arith.constant 0 : i32
    %scan3A_13 = arith.constant 0 : i32
    %scan3A_14 = arith.constant 80 : i32
    %scan3A_15 = arith.addi %scan3A_13, %scan3A_14 : i32
    %scan3A_16 = arith.constant 1 : i32
    %scan3A_17 = scf.for %scan3A_22 = %scan3A_13 to %scan3A_15 step %scan3A_16 iter_args(%scan3A_23 = %scan3A_12) -> (i32)  : i32 {
      "tpu.region"() ({
        %run_scoped3A = tpu.sem_alloc : memref<!tpu.dma_semaphore, #tpu.memory_space<semaphore_mem>>
        %dma_start3A = arith.constant 0 : i32
        %dma_start3A_25 = tpu.memref_slice %arg7[%scan3A_22, %dma_start3A] : memref<80x125xi32, #tpu.memory_space<vmem>> -> memref<1x125xi32, #tpu.memory_space<vmem>>
        %dma_start3A_26 = tpu.memref_squeeze %dma_start3A_25 : memref<1x125xi32, #tpu.memory_space<vmem>> -> memref<125xi32, #tpu.memory_space<vmem>>
        %dma_start3A_27 = arith.constant 0 : i32
        %dma_start3A_28 = arith.constant 0 : i32
        %dma_start3A_29 = tpu.memref_slice %arg12[%dma_start3A_27, %dma_start3A_28] : memref<10000x16xf32, #tpu.memory_space<vmem_shared>> -> memref<10000x16xf32, #tpu.memory_space<vmem_shared>>
        tpu.enqueue_indirect_dma source(%arg9 : memref<125x16xf32, #tpu.memory_space<vmem>>) target(%dma_start3A_29 : memref<10000x16xf32, #tpu.memory_space<vmem_shared>>) offsets(%dma_start3A_26 : memref<125xi32, #tpu.memory_space<vmem>>) semaphore(%run_scoped3A : memref<!tpu.dma_semaphore, #tpu.memory_space<semaphore_mem>>) {add = true}
        %dma_wait3A = arith.constant 0 : i32
        %dma_wait3A_30 = tpu.memref_slice %arg7[%scan3A_22, %dma_wait3A] : memref<80x125xi32, #tpu.memory_space<vmem>> -> memref<1x125xi32, #tpu.memory_space<vmem>>
        %dma_wait3A_31 = tpu.memref_squeeze %dma_wait3A_30 : memref<1x125xi32, #tpu.memory_space<vmem>> -> memref<125xi32, #tpu.memory_space<vmem>>
        %dma_wait3A_32 = arith.constant 0 : i32
        %dma_wait3A_33 = arith.constant 0 : i32
        %dma_wait3A_34 = tpu.memref_slice %arg12[%dma_wait3A_32, %dma_wait3A_33] : memref<10000x16xf32, #tpu.memory_space<vmem_shared>> -> memref<10000x16xf32, #tpu.memory_space<vmem_shared>>
        tpu.wait_indirect_dma semaphore(%run_scoped3A : memref<!tpu.dma_semaphore, #tpu.memory_space<semaphore_mem>>) src(%arg9 : memref<125x16xf32, #tpu.memory_space<vmem>>) dst(%dma_wait3A_34 : memref<10000x16xf32, #tpu.memory_space<vmem_shared>>)
        tpu.yield
      }) : () -> ()
      "tpu.region"() ({
        %run_scoped3A = tpu.sem_alloc : memref<!tpu.dma_semaphore, #tpu.memory_space<semaphore_mem>>
        %dma_start3A = arith.constant 0 : i32
        %dma_start3A_25 = tpu.memref_slice %arg8[%scan3A_22, %dma_start3A] : memref<80x125xi32, #tpu.memory_space<vmem>> -> memref<1x125xi32, #tpu.memory_space<vmem>>
        %dma_start3A_26 = tpu.memref_squeeze %dma_start3A_25 : memref<1x125xi32, #tpu.memory_space<vmem>> -> memref<125xi32, #tpu.memory_space<vmem>>
        %dma_start3A_27 = arith.constant 0 : i32
        %dma_start3A_28 = arith.constant 0 : i32
        %dma_start3A_29 = tpu.memref_slice %arg12[%dma_start3A_27, %dma_start3A_28] : memref<10000x16xf32, #tpu.memory_space<vmem_shared>> -> memref<10000x16xf32, #tpu.memory_space<vmem_shared>>
        tpu.enqueue_indirect_dma source(%arg10 : memref<125x16xf32, #tpu.memory_space<vmem>>) target(%dma_start3A_29 : memref<10000x16xf32, #tpu.memory_space<vmem_shared>>) offsets(%dma_start3A_26 : memref<125xi32, #tpu.memory_space<vmem>>) semaphore(%run_scoped3A : memref<!tpu.dma_semaphore, #tpu.memory_space<semaphore_mem>>) {add = true}
        %dma_wait3A = arith.constant 0 : i32
        %dma_wait3A_30 = tpu.memref_slice %arg8[%scan3A_22, %dma_wait3A] : memref<80x125xi32, #tpu.memory_space<vmem>> -> memref<1x125xi32, #tpu.memory_space<vmem>>
        %dma_wait3A_31 = tpu.memref_squeeze %dma_wait3A_30 : memref<1x125xi32, #tpu.memory_space<vmem>> -> memref<125xi32, #tpu.memory_space<vmem>>
        %dma_wait3A_32 = arith.constant 0 : i32
        %dma_wait3A_33 = arith.constant 0 : i32
        %dma_wait3A_34 = tpu.memref_slice %arg12[%dma_wait3A_32, %dma_wait3A_33] : memref<10000x16xf32, #tpu.memory_space<vmem_shared>> -> memref<10000x16xf32, #tpu.memory_space<vmem_shared>>
        tpu.wait_indirect_dma semaphore(%run_scoped3A : memref<!tpu.dma_semaphore, #tpu.memory_space<semaphore_mem>>) src(%arg10 : memref<125x16xf32, #tpu.memory_space<vmem>>) dst(%dma_wait3A_34 : memref<10000x16xf32, #tpu.memory_space<vmem_shared>>)
        tpu.yield
      }) : () -> ()
      %scan3A_24 = arith.constant 0 : i32
      scf.yield %scan3A_24 : i32
    }
    %scan3A_18 = arith.constant 80 : i32
    %barrier3A_19 = arith.constant 0 : index
    tpu.barrier barrier_id(%barrier3A_19)
    %mul3A_20 = arith.constant 625 : i32
    %mul3A_21 = arith.muli %arg1, %mul3A_20 : i32
    "tpu.region"() ({
      %run_scoped3A = tpu.sem_alloc : memref<!tpu.dma_semaphore, #tpu.memory_space<semaphore_mem>>
      %dma_start3A = arith.constant 0 : i32
      %dma_start3A_22 = tpu.memref_slice %arg6[%arg0, %mul3A_21, %dma_start3A] : memref<2x10000x16xf32, #tpu.memory_space<hbm>> -> memref<1x625x16xf32, #tpu.memory_space<hbm>>
      %dma_start3A_23 = tpu.memref_squeeze %dma_start3A_22 : memref<1x625x16xf32, #tpu.memory_space<hbm>> -> memref<625x16xf32, #tpu.memory_space<hbm>>
      %dma_start3A_24 = arith.constant 0 : i32
      %dma_start3A_25 = tpu.memref_slice %arg12[%mul3A_21, %dma_start3A_24] : memref<10000x16xf32, #tpu.memory_space<vmem_shared>> -> memref<625x16xf32, #tpu.memory_space<vmem_shared>>
      tpu.enqueue_dma source(%dma_start3A_25 : memref<625x16xf32, #tpu.memory_space<vmem_shared>>) target(%dma_start3A_23 : memref<625x16xf32, #tpu.memory_space<hbm>>) target_semaphore(%run_scoped3A : memref<!tpu.dma_semaphore, #tpu.memory_space<semaphore_mem>>)
      %dma_wait3A = arith.constant 0 : i32
      %dma_wait3A_26 = tpu.memref_slice %arg6[%arg0, %mul3A_21, %dma_wait3A] : memref<2x10000x16xf32, #tpu.memory_space<hbm>> -> memref<1x625x16xf32, #tpu.memory_space<hbm>>
      %dma_wait3A_27 = tpu.memref_squeeze %dma_wait3A_26 : memref<1x625x16xf32, #tpu.memory_space<hbm>> -> memref<625x16xf32, #tpu.memory_space<hbm>>
      %dma_wait3A_28 = arith.constant 0 : i32
      %dma_wait3A_29 = tpu.memref_slice %arg12[%mul3A_21, %dma_wait3A_28] : memref<10000x16xf32, #tpu.memory_space<vmem_shared>> -> memref<625x16xf32, #tpu.memory_space<vmem_shared>>
      tpu.wait_dma2 semaphore(%run_scoped3A : memref<!tpu.dma_semaphore, #tpu.memory_space<semaphore_mem>>) src(%dma_wait3A_29 : memref<625x16xf32, #tpu.memory_space<vmem_shared>>) dst(%dma_wait3A_27 : memref<625x16xf32, #tpu.memory_space<hbm>>)
      tpu.yield
    }) : () -> ()
    return
  }
}

#map = affine_map<(d0, d1) -> (0, 0)>
#map1 = affine_map<(d0, d1) -> (0, 0, 0)>
module attributes {stable_mosaic.version = 14 : i64} {
  func.func @agg(%arg0: i32, %arg1: i32, %arg2: memref<10000x64xf32, #tpu.memory_space<hbm>>, %arg3: memref<2560x125xi32, #tpu.memory_space<hbm>>, %arg4: memref<2560x125xi32, #tpu.memory_space<hbm>>, %arg5: memref<2x10000x64xf32, #tpu.memory_space<hbm>>, %arg6: memref<40x125xi32, #tpu.memory_space<vmem>>, %arg7: memref<40x125xi32, #tpu.memory_space<vmem>>, %arg8: memref<125x64xf32, #tpu.memory_space<vmem>>, %arg9: memref<125x64xf32, #tpu.memory_space<vmem>>, %arg10: memref<10000x64xf32, #tpu.memory_space<vmem_shared>>, %arg11: memref<10000x64xf32, #tpu.memory_space<vmem_shared>>, %arg12: memref<!tpu.dma_semaphore, #tpu.memory_space<semaphore_mem>>, %arg13: memref<!tpu.dma_semaphore, #tpu.memory_space<semaphore_mem>>) attributes {dimension_semantics = [#tpu.dimension_semantics<core_parallel>, #tpu.dimension_semantics<subcore_parallel>], iteration_bounds = array<i64: 2, 16>, scalar_prefetch = 0 : i64, scratch_operands = 8 : i64, tpu.core_type = #tpu.core_type<sc_vector_subcore>, window_params = [{transform_indices = #map}, {transform_indices = #map}, {transform_indices = #map}, {transform_indices = #map1}]} {
    %mul3A = arith.constant 16 : i32
    %mul3A_0 = arith.muli %arg0, %mul3A : i32
    %add3A = arith.addi %mul3A_0, %arg1 : i32
    %mul3A_1 = arith.constant 625 : i32
    %mul3A_2 = arith.muli %arg1, %mul3A_1 : i32
    "tpu.region"() ({
      %run_scoped3A_112 = tpu.sem_alloc : memref<!tpu.dma_semaphore, #tpu.memory_space<semaphore_mem>>
      %dma_start3A_113 = arith.constant 0 : i32
      %dma_start3A_114 = tpu.memref_slice %arg11[%mul3A_2, %dma_start3A_113] : memref<10000x64xf32, #tpu.memory_space<vmem_shared>> -> memref<625x64xf32, #tpu.memory_space<vmem_shared>>
      %dma_start3A_115 = arith.constant 0 : i32
      %dma_start3A_116 = tpu.memref_slice %arg2[%mul3A_2, %dma_start3A_115] : memref<10000x64xf32, #tpu.memory_space<hbm>> -> memref<625x64xf32, #tpu.memory_space<hbm>>
      tpu.enqueue_dma source(%dma_start3A_116 : memref<625x64xf32, #tpu.memory_space<hbm>>) target(%dma_start3A_114 : memref<625x64xf32, #tpu.memory_space<vmem_shared>>) target_semaphore(%run_scoped3A_112 : memref<!tpu.dma_semaphore, #tpu.memory_space<semaphore_mem>>)
      %dma_wait3A_117 = arith.constant 0 : i32
      %dma_wait3A_118 = tpu.memref_slice %arg11[%mul3A_2, %dma_wait3A_117] : memref<10000x64xf32, #tpu.memory_space<vmem_shared>> -> memref<625x64xf32, #tpu.memory_space<vmem_shared>>
      %dma_wait3A_119 = arith.constant 0 : i32
      %dma_wait3A_120 = tpu.memref_slice %arg2[%mul3A_2, %dma_wait3A_119] : memref<10000x64xf32, #tpu.memory_space<hbm>> -> memref<625x64xf32, #tpu.memory_space<hbm>>
      tpu.wait_dma2 semaphore(%run_scoped3A_112 : memref<!tpu.dma_semaphore, #tpu.memory_space<semaphore_mem>>) src(%dma_wait3A_120 : memref<625x64xf32, #tpu.memory_space<hbm>>) dst(%dma_wait3A_118 : memref<625x64xf32, #tpu.memory_space<vmem_shared>>)
      tpu.yield
    }) : () -> ()
    %broadcast_in_dim3A = arith.constant 0.000000e+00 : f32
    %broadcast_in_dim3A_3 = vector.broadcast %broadcast_in_dim3A : f32 to vector<16xf32>
    %scan3A = arith.constant 0 : i32
    %scan3A_4 = arith.constant 0 : i32
    %scan3A_5 = arith.constant 125 : i32
    %scan3A_6 = arith.addi %scan3A_4, %scan3A_5 : i32
    %scan3A_7 = arith.constant 1 : i32
    %scan3A_8 = scf.for %scan3A_112 = %scan3A_4 to %scan3A_6 step %scan3A_7 iter_args(%scan3A_113 = %scan3A) -> (i32)  : i32 {
      %scan3A_114 = arith.constant 0 : i32
      %scan3A_115 = arith.constant 0 : i32
      %scan3A_116 = arith.constant 4 : i32
      %scan3A_117 = arith.addi %scan3A_115, %scan3A_116 : i32
      %scan3A_118 = arith.constant 1 : i32
      %scan3A_119 = scf.for %scan3A_121 = %scan3A_115 to %scan3A_117 step %scan3A_118 iter_args(%scan3A_122 = %scan3A_114) -> (i32)  : i32 {
        %mul3A_123 = arith.constant 16 : i32
        %mul3A_124 = arith.muli %scan3A_121, %mul3A_123 : i32
        %swap3A = arith.index_cast %scan3A_112 : i32 to index
        %swap3A_125 = arith.index_cast %mul3A_124 : i32 to index
        %swap3A_126 = tpu.vector_load %arg8[%swap3A, %swap3A_125] {strides = array<i32>} : memref<125x64xf32, #tpu.memory_space<vmem>>, vector<1x16xf32>,
        %swap3A_127 = vector.shape_cast %swap3A_126 : vector<1x16xf32> to vector<16xf32>
        %swap3A_128 = vector.shape_cast %broadcast_in_dim3A_3 : vector<16xf32> to vector<1x16xf32>
        tpu.vector_store %arg8[%swap3A, %swap3A_125], %swap3A_128 {strides = array<i32>} : memref<125x64xf32, #tpu.memory_space<vmem>>, vector<1x16xf32>,
        %scan3A_129 = arith.constant 0 : i32
        scf.yield %scan3A_129 : i32
      }
      %scan3A_120 = arith.constant 4 : i32
      scf.yield %scan3A_119 : i32
    }
    %scan3A_9 = arith.constant 125 : i32
    %mul3A_10 = arith.constant 625 : i32
    %mul3A_11 = arith.muli %arg1, %mul3A_10 : i32
    %add3A_12 = arith.constant 0 : i32
    %add3A_13 = arith.addi %mul3A_11, %add3A_12 : i32
    "tpu.region"() ({
      %run_scoped3A_112 = tpu.sem_alloc : memref<!tpu.dma_semaphore, #tpu.memory_space<semaphore_mem>>
      %dma_start3A_113 = arith.constant 0 : i32
      %dma_start3A_114 = tpu.memref_slice %arg10[%add3A_13, %dma_start3A_113] : memref<10000x64xf32, #tpu.memory_space<vmem_shared>> -> memref<125x64xf32, #tpu.memory_space<vmem_shared>>
      %dma_start3A_115 = arith.constant 0 : i32
      %dma_start3A_116 = tpu.memref_slice %arg10[%add3A_13, %dma_start3A_115] : memref<10000x64xf32, #tpu.memory_space<vmem_shared>> -> memref<125x64xf32, #tpu.memory_space<vmem_shared>>
      tpu.enqueue_dma source(%arg8 : memref<125x64xf32, #tpu.memory_space<vmem>>) target(%dma_start3A_116 : memref<125x64xf32, #tpu.memory_space<vmem_shared>>) target_semaphore(%run_scoped3A_112 : memref<!tpu.dma_semaphore, #tpu.memory_space<semaphore_mem>>)
      %dma_wait3A_117 = arith.constant 0 : i32
      %dma_wait3A_118 = tpu.memref_slice %arg10[%add3A_13, %dma_wait3A_117] : memref<10000x64xf32, #tpu.memory_space<vmem_shared>> -> memref<125x64xf32, #tpu.memory_space<vmem_shared>>
      %dma_wait3A_119 = arith.constant 0 : i32
      %dma_wait3A_120 = tpu.memref_slice %arg10[%add3A_13, %dma_wait3A_119] : memref<10000x64xf32, #tpu.memory_space<vmem_shared>> -> memref<125x64xf32, #tpu.memory_space<vmem_shared>>
      tpu.wait_dma2 semaphore(%run_scoped3A_112 : memref<!tpu.dma_semaphore, #tpu.memory_space<semaphore_mem>>) src(%arg8 : memref<125x64xf32, #tpu.memory_space<vmem>>) dst(%dma_wait3A_120 : memref<125x64xf32, #tpu.memory_space<vmem_shared>>)
      tpu.yield
    }) : () -> ()
    %mul3A_14 = arith.constant 625 : i32
    %mul3A_15 = arith.muli %arg1, %mul3A_14 : i32
    %add3A_16 = arith.constant 125 : i32
    %add3A_17 = arith.addi %mul3A_15, %add3A_16 : i32
    "tpu.region"() ({
      %run_scoped3A_112 = tpu.sem_alloc : memref<!tpu.dma_semaphore, #tpu.memory_space<semaphore_mem>>
      %dma_start3A_113 = arith.constant 0 : i32
      %dma_start3A_114 = tpu.memref_slice %arg10[%add3A_17, %dma_start3A_113] : memref<10000x64xf32, #tpu.memory_space<vmem_shared>> -> memref<125x64xf32, #tpu.memory_space<vmem_shared>>
      %dma_start3A_115 = arith.constant 0 : i32
      %dma_start3A_116 = tpu.memref_slice %arg10[%add3A_17, %dma_start3A_115] : memref<10000x64xf32, #tpu.memory_space<vmem_shared>> -> memref<125x64xf32, #tpu.memory_space<vmem_shared>>
      tpu.enqueue_dma source(%arg8 : memref<125x64xf32, #tpu.memory_space<vmem>>) target(%dma_start3A_116 : memref<125x64xf32, #tpu.memory_space<vmem_shared>>) target_semaphore(%run_scoped3A_112 : memref<!tpu.dma_semaphore, #tpu.memory_space<semaphore_mem>>)
      %dma_wait3A_117 = arith.constant 0 : i32
      %dma_wait3A_118 = tpu.memref_slice %arg10[%add3A_17, %dma_wait3A_117] : memref<10000x64xf32, #tpu.memory_space<vmem_shared>> -> memref<125x64xf32, #tpu.memory_space<vmem_shared>>
      %dma_wait3A_119 = arith.constant 0 : i32
      %dma_wait3A_120 = tpu.memref_slice %arg10[%add3A_17, %dma_wait3A_119] : memref<10000x64xf32, #tpu.memory_space<vmem_shared>> -> memref<125x64xf32, #tpu.memory_space<vmem_shared>>
      tpu.wait_dma2 semaphore(%run_scoped3A_112 : memref<!tpu.dma_semaphore, #tpu.memory_space<semaphore_mem>>) src(%arg8 : memref<125x64xf32, #tpu.memory_space<vmem>>) dst(%dma_wait3A_120 : memref<125x64xf32, #tpu.memory_space<vmem_shared>>)
      tpu.yield
    }) : () -> ()
    %mul3A_18 = arith.constant 625 : i32
    %mul3A_19 = arith.muli %arg1, %mul3A_18 : i32
    %add3A_20 = arith.constant 250 : i32
    %add3A_21 = arith.addi %mul3A_19, %add3A_20 : i32
    "tpu.region"() ({
      %run_scoped3A_112 = tpu.sem_alloc : memref<!tpu.dma_semaphore, #tpu.memory_space<semaphore_mem>>
      %dma_start3A_113 = arith.constant 0 : i32
      %dma_start3A_114 = tpu.memref_slice %arg10[%add3A_21, %dma_start3A_113] : memref<10000x64xf32, #tpu.memory_space<vmem_shared>> -> memref<125x64xf32, #tpu.memory_space<vmem_shared>>
      %dma_start3A_115 = arith.constant 0 : i32
      %dma_start3A_116 = tpu.memref_slice %arg10[%add3A_21, %dma_start3A_115] : memref<10000x64xf32, #tpu.memory_space<vmem_shared>> -> memref<125x64xf32, #tpu.memory_space<vmem_shared>>
      tpu.enqueue_dma source(%arg8 : memref<125x64xf32, #tpu.memory_space<vmem>>) target(%dma_start3A_116 : memref<125x64xf32, #tpu.memory_space<vmem_shared>>) target_semaphore(%run_scoped3A_112 : memref<!tpu.dma_semaphore, #tpu.memory_space<semaphore_mem>>)
      %dma_wait3A_117 = arith.constant 0 : i32
      %dma_wait3A_118 = tpu.memref_slice %arg10[%add3A_21, %dma_wait3A_117] : memref<10000x64xf32, #tpu.memory_space<vmem_shared>> -> memref<125x64xf32, #tpu.memory_space<vmem_shared>>
      %dma_wait3A_119 = arith.constant 0 : i32
      %dma_wait3A_120 = tpu.memref_slice %arg10[%add3A_21, %dma_wait3A_119] : memref<10000x64xf32, #tpu.memory_space<vmem_shared>> -> memref<125x64xf32, #tpu.memory_space<vmem_shared>>
      tpu.wait_dma2 semaphore(%run_scoped3A_112 : memref<!tpu.dma_semaphore, #tpu.memory_space<semaphore_mem>>) src(%arg8 : memref<125x64xf32, #tpu.memory_space<vmem>>) dst(%dma_wait3A_120 : memref<125x64xf32, #tpu.memory_space<vmem_shared>>)
      tpu.yield
    }) : () -> ()
    %mul3A_22 = arith.constant 625 : i32
    %mul3A_23 = arith.muli %arg1, %mul3A_22 : i32
    %add3A_24 = arith.constant 375 : i32
    %add3A_25 = arith.addi %mul3A_23, %add3A_24 : i32
    "tpu.region"() ({
      %run_scoped3A_112 = tpu.sem_alloc : memref<!tpu.dma_semaphore, #tpu.memory_space<semaphore_mem>>
      %dma_start3A_113 = arith.constant 0 : i32
      %dma_start3A_114 = tpu.memref_slice %arg10[%add3A_25, %dma_start3A_113] : memref<10000x64xf32, #tpu.memory_space<vmem_shared>> -> memref<125x64xf32, #tpu.memory_space<vmem_shared>>
      %dma_start3A_115 = arith.constant 0 : i32
      %dma_start3A_116 = tpu.memref_slice %arg10[%add3A_25, %dma_start3A_115] : memref<10000x64xf32, #tpu.memory_space<vmem_shared>> -> memref<125x64xf32, #tpu.memory_space<vmem_shared>>
      tpu.enqueue_dma source(%arg8 : memref<125x64xf32, #tpu.memory_space<vmem>>) target(%dma_start3A_116 : memref<125x64xf32, #tpu.memory_space<vmem_shared>>) target_semaphore(%run_scoped3A_112 : memref<!tpu.dma_semaphore, #tpu.memory_space<semaphore_mem>>)
      %dma_wait3A_117 = arith.constant 0 : i32
      %dma_wait3A_118 = tpu.memref_slice %arg10[%add3A_25, %dma_wait3A_117] : memref<10000x64xf32, #tpu.memory_space<vmem_shared>> -> memref<125x64xf32, #tpu.memory_space<vmem_shared>>
      %dma_wait3A_119 = arith.constant 0 : i32
      %dma_wait3A_120 = tpu.memref_slice %arg10[%add3A_25, %dma_wait3A_119] : memref<10000x64xf32, #tpu.memory_space<vmem_shared>> -> memref<125x64xf32, #tpu.memory_space<vmem_shared>>
      tpu.wait_dma2 semaphore(%run_scoped3A_112 : memref<!tpu.dma_semaphore, #tpu.memory_space<semaphore_mem>>) src(%arg8 : memref<125x64xf32, #tpu.memory_space<vmem>>) dst(%dma_wait3A_120 : memref<125x64xf32, #tpu.memory_space<vmem_shared>>)
      tpu.yield
    }) : () -> ()
    %mul3A_26 = arith.constant 625 : i32
    %mul3A_27 = arith.muli %arg1, %mul3A_26 : i32
    %add3A_28 = arith.constant 500 : i32
    %add3A_29 = arith.addi %mul3A_27, %add3A_28 : i32
    "tpu.region"() ({
      %run_scoped3A_112 = tpu.sem_alloc : memref<!tpu.dma_semaphore, #tpu.memory_space<semaphore_mem>>
      %dma_start3A_113 = arith.constant 0 : i32
      %dma_start3A_114 = tpu.memref_slice %arg10[%add3A_29, %dma_start3A_113] : memref<10000x64xf32, #tpu.memory_space<vmem_shared>> -> memref<125x64xf32, #tpu.memory_space<vmem_shared>>
      %dma_start3A_115 = arith.constant 0 : i32
      %dma_start3A_116 = tpu.memref_slice %arg10[%add3A_29, %dma_start3A_115] : memref<10000x64xf32, #tpu.memory_space<vmem_shared>> -> memref<125x64xf32, #tpu.memory_space<vmem_shared>>
      tpu.enqueue_dma source(%arg8 : memref<125x64xf32, #tpu.memory_space<vmem>>) target(%dma_start3A_116 : memref<125x64xf32, #tpu.memory_space<vmem_shared>>) target_semaphore(%run_scoped3A_112 : memref<!tpu.dma_semaphore, #tpu.memory_space<semaphore_mem>>)
      %dma_wait3A_117 = arith.constant 0 : i32
      %dma_wait3A_118 = tpu.memref_slice %arg10[%add3A_29, %dma_wait3A_117] : memref<10000x64xf32, #tpu.memory_space<vmem_shared>> -> memref<125x64xf32, #tpu.memory_space<vmem_shared>>
      %dma_wait3A_119 = arith.constant 0 : i32
      %dma_wait3A_120 = tpu.memref_slice %arg10[%add3A_29, %dma_wait3A_119] : memref<10000x64xf32, #tpu.memory_space<vmem_shared>> -> memref<125x64xf32, #tpu.memory_space<vmem_shared>>
      tpu.wait_dma2 semaphore(%run_scoped3A_112 : memref<!tpu.dma_semaphore, #tpu.memory_space<semaphore_mem>>) src(%arg8 : memref<125x64xf32, #tpu.memory_space<vmem>>) dst(%dma_wait3A_120 : memref<125x64xf32, #tpu.memory_space<vmem_shared>>)
      tpu.yield
    }) : () -> ()
    %barrier3A = arith.constant 0 : index
    tpu.barrier barrier_id(%barrier3A)
    %mul3A_30 = arith.constant 80 : i32
    %mul3A_31 = arith.muli %add3A, %mul3A_30 : i32
    %add3A_32 = arith.constant 0 : i32
    %add3A_33 = arith.addi %mul3A_31, %add3A_32 : i32
    "tpu.region"() ({
      %run_scoped3A_112 = tpu.sem_alloc : memref<!tpu.dma_semaphore, #tpu.memory_space<semaphore_mem>>
      %dma_start3A_113 = arith.constant 0 : i32
      %dma_start3A_114 = tpu.memref_slice %arg3[%add3A_33, %dma_start3A_113] : memref<2560x125xi32, #tpu.memory_space<hbm>> -> memref<40x125xi32, #tpu.memory_space<hbm>>
      %dma_start3A_115 = arith.constant 0 : i32
      %dma_start3A_116 = tpu.memref_slice %arg3[%add3A_33, %dma_start3A_115] : memref<2560x125xi32, #tpu.memory_space<hbm>> -> memref<40x125xi32, #tpu.memory_space<hbm>>
      tpu.enqueue_dma source(%dma_start3A_116 : memref<40x125xi32, #tpu.memory_space<hbm>>) target(%arg6 : memref<40x125xi32, #tpu.memory_space<vmem>>) target_semaphore(%run_scoped3A_112 : memref<!tpu.dma_semaphore, #tpu.memory_space<semaphore_mem>>)
      %dma_wait3A_117 = arith.constant 0 : i32
      %dma_wait3A_118 = tpu.memref_slice %arg3[%add3A_33, %dma_wait3A_117] : memref<2560x125xi32, #tpu.memory_space<hbm>> -> memref<40x125xi32, #tpu.memory_space<hbm>>
      %dma_wait3A_119 = arith.constant 0 : i32
      %dma_wait3A_120 = tpu.memref_slice %arg3[%add3A_33, %dma_wait3A_119] : memref<2560x125xi32, #tpu.memory_space<hbm>> -> memref<40x125xi32, #tpu.memory_space<hbm>>
      tpu.wait_dma2 semaphore(%run_scoped3A_112 : memref<!tpu.dma_semaphore, #tpu.memory_space<semaphore_mem>>) src(%dma_wait3A_120 : memref<40x125xi32, #tpu.memory_space<hbm>>) dst(%arg6 : memref<40x125xi32, #tpu.memory_space<vmem>>)
      tpu.yield
    }) : () -> ()
    "tpu.region"() ({
      %run_scoped3A_112 = tpu.sem_alloc : memref<!tpu.dma_semaphore, #tpu.memory_space<semaphore_mem>>
      %dma_start3A_113 = arith.constant 0 : i32
      %dma_start3A_114 = tpu.memref_slice %arg4[%add3A_33, %dma_start3A_113] : memref<2560x125xi32, #tpu.memory_space<hbm>> -> memref<40x125xi32, #tpu.memory_space<hbm>>
      %dma_start3A_115 = arith.constant 0 : i32
      %dma_start3A_116 = tpu.memref_slice %arg4[%add3A_33, %dma_start3A_115] : memref<2560x125xi32, #tpu.memory_space<hbm>> -> memref<40x125xi32, #tpu.memory_space<hbm>>
      tpu.enqueue_dma source(%dma_start3A_116 : memref<40x125xi32, #tpu.memory_space<hbm>>) target(%arg7 : memref<40x125xi32, #tpu.memory_space<vmem>>) target_semaphore(%run_scoped3A_112 : memref<!tpu.dma_semaphore, #tpu.memory_space<semaphore_mem>>)
      %dma_wait3A_117 = arith.constant 0 : i32
      %dma_wait3A_118 = tpu.memref_slice %arg4[%add3A_33, %dma_wait3A_117] : memref<2560x125xi32, #tpu.memory_space<hbm>> -> memref<40x125xi32, #tpu.memory_space<hbm>>
      %dma_wait3A_119 = arith.constant 0 : i32
      %dma_wait3A_120 = tpu.memref_slice %arg4[%add3A_33, %dma_wait3A_119] : memref<2560x125xi32, #tpu.memory_space<hbm>> -> memref<40x125xi32, #tpu.memory_space<hbm>>
      tpu.wait_dma2 semaphore(%run_scoped3A_112 : memref<!tpu.dma_semaphore, #tpu.memory_space<semaphore_mem>>) src(%dma_wait3A_120 : memref<40x125xi32, #tpu.memory_space<hbm>>) dst(%arg7 : memref<40x125xi32, #tpu.memory_space<vmem>>)
      tpu.yield
    }) : () -> ()
    %dma_start3A = arith.constant 0 : i32
    %dma_start3A_34 = arith.constant 0 : i32
    %dma_start3A_35 = tpu.memref_slice %arg6[%dma_start3A, %dma_start3A_34] : memref<40x125xi32, #tpu.memory_space<vmem>> -> memref<1x125xi32, #tpu.memory_space<vmem>>
    %dma_start3A_36 = tpu.memref_squeeze %dma_start3A_35 : memref<1x125xi32, #tpu.memory_space<vmem>> -> memref<125xi32, #tpu.memory_space<vmem>>
    %dma_start3A_37 = arith.constant 0 : i32
    %dma_start3A_38 = arith.constant 0 : i32
    %dma_start3A_39 = tpu.memref_slice %arg11[%dma_start3A_37, %dma_start3A_38] : memref<10000x64xf32, #tpu.memory_space<vmem_shared>> -> memref<10000x64xf32, #tpu.memory_space<vmem_shared>>
    tpu.enqueue_indirect_dma source(%dma_start3A_39 : memref<10000x64xf32, #tpu.memory_space<vmem_shared>>) target(%arg8 : memref<125x64xf32, #tpu.memory_space<vmem>>) offsets(%dma_start3A_36 : memref<125xi32, #tpu.memory_space<vmem>>) semaphore(%arg12 : memref<!tpu.dma_semaphore, #tpu.memory_space<semaphore_mem>>)
    %scan3A_40 = arith.constant 0 : i32
    %scan3A_41 = arith.constant 0 : i32
    %scan3A_42 = arith.constant 19 : i32
    %scan3A_43 = arith.addi %scan3A_41, %scan3A_42 : i32
    %scan3A_44 = arith.constant 1 : i32
    %scan3A_45 = scf.for %scan3A_112 = %scan3A_41 to %scan3A_43 step %scan3A_44 iter_args(%scan3A_113 = %scan3A_40) -> (i32)  : i32 {
      %mul3A_114 = arith.constant 2 : i32
      %mul3A_115 = arith.muli %mul3A_114, %scan3A_112 : i32
      %add3A_116 = arith.constant 1 : i32
      %add3A_117 = arith.addi %mul3A_115, %add3A_116 : i32
      %dma_wait3A_118 = arith.constant 0 : i32
      %dma_wait3A_119 = tpu.memref_slice %arg6[%mul3A_115, %dma_wait3A_118] : memref<40x125xi32, #tpu.memory_space<vmem>> -> memref<1x125xi32, #tpu.memory_space<vmem>>
      %dma_wait3A_120 = tpu.memref_squeeze %dma_wait3A_119 : memref<1x125xi32, #tpu.memory_space<vmem>> -> memref<125xi32, #tpu.memory_space<vmem>>
      %dma_wait3A_121 = arith.constant 0 : i32
      %dma_wait3A_122 = arith.constant 0 : i32
      %dma_wait3A_123 = tpu.memref_slice %arg11[%dma_wait3A_121, %dma_wait3A_122] : memref<10000x64xf32, #tpu.memory_space<vmem_shared>> -> memref<10000x64xf32, #tpu.memory_space<vmem_shared>>
      tpu.wait_indirect_dma semaphore(%arg12 : memref<!tpu.dma_semaphore, #tpu.memory_space<semaphore_mem>>) src(%dma_wait3A_123 : memref<10000x64xf32, #tpu.memory_space<vmem_shared>>) dst(%arg8 : memref<125x64xf32, #tpu.memory_space<vmem>>)
      %dma_start3A_124 = arith.constant 0 : i32
      %dma_start3A_125 = tpu.memref_slice %arg6[%add3A_117, %dma_start3A_124] : memref<40x125xi32, #tpu.memory_space<vmem>> -> memref<1x125xi32, #tpu.memory_space<vmem>>
      %dma_start3A_126 = tpu.memref_squeeze %dma_start3A_125 : memref<1x125xi32, #tpu.memory_space<vmem>> -> memref<125xi32, #tpu.memory_space<vmem>>
      %dma_start3A_127 = arith.constant 0 : i32
      %dma_start3A_128 = arith.constant 0 : i32
      %dma_start3A_129 = tpu.memref_slice %arg11[%dma_start3A_127, %dma_start3A_128] : memref<10000x64xf32, #tpu.memory_space<vmem_shared>> -> memref<10000x64xf32, #tpu.memory_space<vmem_shared>>
      tpu.enqueue_indirect_dma source(%dma_start3A_129 : memref<10000x64xf32, #tpu.memory_space<vmem_shared>>) target(%arg9 : memref<125x64xf32, #tpu.memory_space<vmem>>) offsets(%dma_start3A_126 : memref<125xi32, #tpu.memory_space<vmem>>) semaphore(%arg12 : memref<!tpu.dma_semaphore, #tpu.memory_space<semaphore_mem>>)
      "tpu.region"() ({
        %run_scoped3A_145 = tpu.sem_alloc : memref<!tpu.dma_semaphore, #tpu.memory_space<semaphore_mem>>
        %dma_start3A_146 = arith.constant 0 : i32
        %dma_start3A_147 = tpu.memref_slice %arg7[%mul3A_115, %dma_start3A_146] : memref<40x125xi32, #tpu.memory_space<vmem>> -> memref<1x125xi32, #tpu.memory_space<vmem>>
        %dma_start3A_148 = tpu.memref_squeeze %dma_start3A_147 : memref<1x125xi32, #tpu.memory_space<vmem>> -> memref<125xi32, #tpu.memory_space<vmem>>
        %dma_start3A_149 = arith.constant 0 : i32
        %dma_start3A_150 = arith.constant 0 : i32
        %dma_start3A_151 = tpu.memref_slice %arg10[%dma_start3A_149, %dma_start3A_150] : memref<10000x64xf32, #tpu.memory_space<vmem_shared>> -> memref<10000x64xf32, #tpu.memory_space<vmem_shared>>
        tpu.enqueue_indirect_dma source(%arg8 : memref<125x64xf32, #tpu.memory_space<vmem>>) target(%dma_start3A_151 : memref<10000x64xf32, #tpu.memory_space<vmem_shared>>) offsets(%dma_start3A_148 : memref<125xi32, #tpu.memory_space<vmem>>) semaphore(%run_scoped3A_145 : memref<!tpu.dma_semaphore, #tpu.memory_space<semaphore_mem>>) {add = true}
        %dma_wait3A_152 = arith.constant 0 : i32
        %dma_wait3A_153 = tpu.memref_slice %arg7[%mul3A_115, %dma_wait3A_152] : memref<40x125xi32, #tpu.memory_space<vmem>> -> memref<1x125xi32, #tpu.memory_space<vmem>>
        %dma_wait3A_154 = tpu.memref_squeeze %dma_wait3A_153 : memref<1x125xi32, #tpu.memory_space<vmem>> -> memref<125xi32, #tpu.memory_space<vmem>>
        %dma_wait3A_155 = arith.constant 0 : i32
        %dma_wait3A_156 = arith.constant 0 : i32
        %dma_wait3A_157 = tpu.memref_slice %arg10[%dma_wait3A_155, %dma_wait3A_156] : memref<10000x64xf32, #tpu.memory_space<vmem_shared>> -> memref<10000x64xf32, #tpu.memory_space<vmem_shared>>
        tpu.wait_indirect_dma semaphore(%run_scoped3A_145 : memref<!tpu.dma_semaphore, #tpu.memory_space<semaphore_mem>>) src(%arg8 : memref<125x64xf32, #tpu.memory_space<vmem>>) dst(%dma_wait3A_157 : memref<10000x64xf32, #tpu.memory_space<vmem_shared>>)
        tpu.yield
      }) : () -> ()
      %dma_wait3A_130 = arith.constant 0 : i32
      %dma_wait3A_131 = tpu.memref_slice %arg6[%add3A_117, %dma_wait3A_130] : memref<40x125xi32, #tpu.memory_space<vmem>> -> memref<1x125xi32, #tpu.memory_space<vmem>>
      %dma_wait3A_132 = tpu.memref_squeeze %dma_wait3A_131 : memref<1x125xi32, #tpu.memory_space<vmem>> -> memref<125xi32, #tpu.memory_space<vmem>>
      %dma_wait3A_133 = arith.constant 0 : i32
      %dma_wait3A_134 = arith.constant 0 : i32
      %dma_wait3A_135 = tpu.memref_slice %arg11[%dma_wait3A_133, %dma_wait3A_134] : memref<10000x64xf32, #tpu.memory_space<vmem_shared>> -> memref<10000x64xf32, #tpu.memory_space<vmem_shared>>
      tpu.wait_indirect_dma semaphore(%arg12 : memref<!tpu.dma_semaphore, #tpu.memory_space<semaphore_mem>>) src(%dma_wait3A_135 : memref<10000x64xf32, #tpu.memory_space<vmem_shared>>) dst(%arg9 : memref<125x64xf32, #tpu.memory_space<vmem>>)
      %add3A_136 = arith.constant 1 : i32
      %add3A_137 = arith.addi %add3A_117, %add3A_136 : i32
      %dma_start3A_138 = arith.constant 0 : i32
      %dma_start3A_139 = tpu.memref_slice %arg6[%add3A_137, %dma_start3A_138] : memref<40x125xi32, #tpu.memory_space<vmem>> -> memref<1x125xi32, #tpu.memory_space<vmem>>
      %dma_start3A_140 = tpu.memref_squeeze %dma_start3A_139 : memref<1x125xi32, #tpu.memory_space<vmem>> -> memref<125xi32, #tpu.memory_space<vmem>>
      %dma_start3A_141 = arith.constant 0 : i32
      %dma_start3A_142 = arith.constant 0 : i32
      %dma_start3A_143 = tpu.memref_slice %arg11[%dma_start3A_141, %dma_start3A_142] : memref<10000x64xf32, #tpu.memory_space<vmem_shared>> -> memref<10000x64xf32, #tpu.memory_space<vmem_shared>>
      tpu.enqueue_indirect_dma source(%dma_start3A_143 : memref<10000x64xf32, #tpu.memory_space<vmem_shared>>) target(%arg8 : memref<125x64xf32, #tpu.memory_space<vmem>>) offsets(%dma_start3A_140 : memref<125xi32, #tpu.memory_space<vmem>>) semaphore(%arg12 : memref<!tpu.dma_semaphore, #tpu.memory_space<semaphore_mem>>)
      "tpu.region"() ({
        %run_scoped3A_145 = tpu.sem_alloc : memref<!tpu.dma_semaphore, #tpu.memory_space<semaphore_mem>>
        %dma_start3A_146 = arith.constant 0 : i32
        %dma_start3A_147 = tpu.memref_slice %arg7[%add3A_117, %dma_start3A_146] : memref<40x125xi32, #tpu.memory_space<vmem>> -> memref<1x125xi32, #tpu.memory_space<vmem>>
        %dma_start3A_148 = tpu.memref_squeeze %dma_start3A_147 : memref<1x125xi32, #tpu.memory_space<vmem>> -> memref<125xi32, #tpu.memory_space<vmem>>
        %dma_start3A_149 = arith.constant 0 : i32
        %dma_start3A_150 = arith.constant 0 : i32
        %dma_start3A_151 = tpu.memref_slice %arg10[%dma_start3A_149, %dma_start3A_150] : memref<10000x64xf32, #tpu.memory_space<vmem_shared>> -> memref<10000x64xf32, #tpu.memory_space<vmem_shared>>
        tpu.enqueue_indirect_dma source(%arg9 : memref<125x64xf32, #tpu.memory_space<vmem>>) target(%dma_start3A_151 : memref<10000x64xf32, #tpu.memory_space<vmem_shared>>) offsets(%dma_start3A_148 : memref<125xi32, #tpu.memory_space<vmem>>) semaphore(%run_scoped3A_145 : memref<!tpu.dma_semaphore, #tpu.memory_space<semaphore_mem>>) {add = true}
        %dma_wait3A_152 = arith.constant 0 : i32
        %dma_wait3A_153 = tpu.memref_slice %arg7[%add3A_117, %dma_wait3A_152] : memref<40x125xi32, #tpu.memory_space<vmem>> -> memref<1x125xi32, #tpu.memory_space<vmem>>
        %dma_wait3A_154 = tpu.memref_squeeze %dma_wait3A_153 : memref<1x125xi32, #tpu.memory_space<vmem>> -> memref<125xi32, #tpu.memory_space<vmem>>
        %dma_wait3A_155 = arith.constant 0 : i32
        %dma_wait3A_156 = arith.constant 0 : i32
        %dma_wait3A_157 = tpu.memref_slice %arg10[%dma_wait3A_155, %dma_wait3A_156] : memref<10000x64xf32, #tpu.memory_space<vmem_shared>> -> memref<10000x64xf32, #tpu.memory_space<vmem_shared>>
        tpu.wait_indirect_dma semaphore(%run_scoped3A_145 : memref<!tpu.dma_semaphore, #tpu.memory_space<semaphore_mem>>) src(%arg9 : memref<125x64xf32, #tpu.memory_space<vmem>>) dst(%dma_wait3A_157 : memref<10000x64xf32, #tpu.memory_space<vmem_shared>>)
        tpu.yield
      }) : () -> ()
      %scan3A_144 = arith.constant 0 : i32
      scf.yield %scan3A_144 : i32
    }
    %scan3A_46 = arith.constant 19 : i32
    %dma_wait3A = arith.constant 38 : i32
    %dma_wait3A_47 = arith.constant 0 : i32
    %dma_wait3A_48 = tpu.memref_slice %arg6[%dma_wait3A, %dma_wait3A_47] : memref<40x125xi32, #tpu.memory_space<vmem>> -> memref<1x125xi32, #tpu.memory_space<vmem>>
    %dma_wait3A_49 = tpu.memref_squeeze %dma_wait3A_48 : memref<1x125xi32, #tpu.memory_space<vmem>> -> memref<125xi32, #tpu.memory_space<vmem>>
    %dma_wait3A_50 = arith.constant 0 : i32
    %dma_wait3A_51 = arith.constant 0 : i32
    %dma_wait3A_52 = tpu.memref_slice %arg11[%dma_wait3A_50, %dma_wait3A_51] : memref<10000x64xf32, #tpu.memory_space<vmem_shared>> -> memref<10000x64xf32, #tpu.memory_space<vmem_shared>>
    tpu.wait_indirect_dma semaphore(%arg12 : memref<!tpu.dma_semaphore, #tpu.memory_space<semaphore_mem>>) src(%dma_wait3A_52 : memref<10000x64xf32, #tpu.memory_space<vmem_shared>>) dst(%arg8 : memref<125x64xf32, #tpu.memory_space<vmem>>)
    %dma_start3A_53 = arith.constant 39 : i32
    %dma_start3A_54 = arith.constant 0 : i32
    %dma_start3A_55 = tpu.memref_slice %arg6[%dma_start3A_53, %dma_start3A_54] : memref<40x125xi32, #tpu.memory_space<vmem>> -> memref<1x125xi32, #tpu.memory_space<vmem>>
    %dma_start3A_56 = tpu.memref_squeeze %dma_start3A_55 : memref<1x125xi32, #tpu.memory_space<vmem>> -> memref<125xi32, #tpu.memory_space<vmem>>
    %dma_start3A_57 = arith.constant 0 : i32
    %dma_start3A_58 = arith.constant 0 : i32
    %dma_start3A_59 = tpu.memref_slice %arg11[%dma_start3A_57, %dma_start3A_58] : memref<10000x64xf32, #tpu.memory_space<vmem_shared>> -> memref<10000x64xf32, #tpu.memory_space<vmem_shared>>
    tpu.enqueue_indirect_dma source(%dma_start3A_59 : memref<10000x64xf32, #tpu.memory_space<vmem_shared>>) target(%arg9 : memref<125x64xf32, #tpu.memory_space<vmem>>) offsets(%dma_start3A_56 : memref<125xi32, #tpu.memory_space<vmem>>) semaphore(%arg12 : memref<!tpu.dma_semaphore, #tpu.memory_space<semaphore_mem>>)
    %run_scoped3A = arith.constant 38 : i32
    "tpu.region"() ({
      %run_scoped3A_112 = tpu.sem_alloc : memref<!tpu.dma_semaphore, #tpu.memory_space<semaphore_mem>>
      %dma_start3A_113 = arith.constant 0 : i32
      %dma_start3A_114 = tpu.memref_slice %arg7[%run_scoped3A, %dma_start3A_113] : memref<40x125xi32, #tpu.memory_space<vmem>> -> memref<1x125xi32, #tpu.memory_space<vmem>>
      %dma_start3A_115 = tpu.memref_squeeze %dma_start3A_114 : memref<1x125xi32, #tpu.memory_space<vmem>> -> memref<125xi32, #tpu.memory_space<vmem>>
      %dma_start3A_116 = arith.constant 0 : i32
      %dma_start3A_117 = arith.constant 0 : i32
      %dma_start3A_118 = tpu.memref_slice %arg10[%dma_start3A_116, %dma_start3A_117] : memref<10000x64xf32, #tpu.memory_space<vmem_shared>> -> memref<10000x64xf32, #tpu.memory_space<vmem_shared>>
      tpu.enqueue_indirect_dma source(%arg8 : memref<125x64xf32, #tpu.memory_space<vmem>>) target(%dma_start3A_118 : memref<10000x64xf32, #tpu.memory_space<vmem_shared>>) offsets(%dma_start3A_115 : memref<125xi32, #tpu.memory_space<vmem>>) semaphore(%run_scoped3A_112 : memref<!tpu.dma_semaphore, #tpu.memory_space<semaphore_mem>>) {add = true}
      %dma_wait3A_119 = arith.constant 0 : i32
      %dma_wait3A_120 = tpu.memref_slice %arg7[%run_scoped3A, %dma_wait3A_119] : memref<40x125xi32, #tpu.memory_space<vmem>> -> memref<1x125xi32, #tpu.memory_space<vmem>>
      %dma_wait3A_121 = tpu.memref_squeeze %dma_wait3A_120 : memref<1x125xi32, #tpu.memory_space<vmem>> -> memref<125xi32, #tpu.memory_space<vmem>>
      %dma_wait3A_122 = arith.constant 0 : i32
      %dma_wait3A_123 = arith.constant 0 : i32
      %dma_wait3A_124 = tpu.memref_slice %arg10[%dma_wait3A_122, %dma_wait3A_123] : memref<10000x64xf32, #tpu.memory_space<vmem_shared>> -> memref<10000x64xf32, #tpu.memory_space<vmem_shared>>
      tpu.wait_indirect_dma semaphore(%run_scoped3A_112 : memref<!tpu.dma_semaphore, #tpu.memory_space<semaphore_mem>>) src(%arg8 : memref<125x64xf32, #tpu.memory_space<vmem>>) dst(%dma_wait3A_124 : memref<10000x64xf32, #tpu.memory_space<vmem_shared>>)
      tpu.yield
    }) : () -> ()
    %dma_wait3A_60 = arith.constant 39 : i32
    %dma_wait3A_61 = arith.constant 0 : i32
    %dma_wait3A_62 = tpu.memref_slice %arg6[%dma_wait3A_60, %dma_wait3A_61] : memref<40x125xi32, #tpu.memory_space<vmem>> -> memref<1x125xi32, #tpu.memory_space<vmem>>
    %dma_wait3A_63 = tpu.memref_squeeze %dma_wait3A_62 : memref<1x125xi32, #tpu.memory_space<vmem>> -> memref<125xi32, #tpu.memory_space<vmem>>
    %dma_wait3A_64 = arith.constant 0 : i32
    %dma_wait3A_65 = arith.constant 0 : i32
    %dma_wait3A_66 = tpu.memref_slice %arg11[%dma_wait3A_64, %dma_wait3A_65] : memref<10000x64xf32, #tpu.memory_space<vmem_shared>> -> memref<10000x64xf32, #tpu.memory_space<vmem_shared>>
    tpu.wait_indirect_dma semaphore(%arg12 : memref<!tpu.dma_semaphore, #tpu.memory_space<semaphore_mem>>) src(%dma_wait3A_66 : memref<10000x64xf32, #tpu.memory_space<vmem_shared>>) dst(%arg9 : memref<125x64xf32, #tpu.memory_space<vmem>>)
    %run_scoped3A_67 = arith.constant 39 : i32
    "tpu.region"() ({
      %run_scoped3A_112 = tpu.sem_alloc : memref<!tpu.dma_semaphore, #tpu.memory_space<semaphore_mem>>
      %dma_start3A_113 = arith.constant 0 : i32
      %dma_start3A_114 = tpu.memref_slice %arg7[%run_scoped3A_67, %dma_start3A_113] : memref<40x125xi32, #tpu.memory_space<vmem>> -> memref<1x125xi32, #tpu.memory_space<vmem>>
      %dma_start3A_115 = tpu.memref_squeeze %dma_start3A_114 : memref<1x125xi32, #tpu.memory_space<vmem>> -> memref<125xi32, #tpu.memory_space<vmem>>
      %dma_start3A_116 = arith.constant 0 : i32
      %dma_start3A_117 = arith.constant 0 : i32
      %dma_start3A_118 = tpu.memref_slice %arg10[%dma_start3A_116, %dma_start3A_117] : memref<10000x64xf32, #tpu.memory_space<vmem_shared>> -> memref<10000x64xf32, #tpu.memory_space<vmem_shared>>
      tpu.enqueue_indirect_dma source(%arg9 : memref<125x64xf32, #tpu.memory_space<vmem>>) target(%dma_start3A_118 : memref<10000x64xf32, #tpu.memory_space<vmem_shared>>) offsets(%dma_start3A_115 : memref<125xi32, #tpu.memory_space<vmem>>) semaphore(%run_scoped3A_112 : memref<!tpu.dma_semaphore, #tpu.memory_space<semaphore_mem>>) {add = true}
      %dma_wait3A_119 = arith.constant 0 : i32
      %dma_wait3A_120 = tpu.memref_slice %arg7[%run_scoped3A_67, %dma_wait3A_119] : memref<40x125xi32, #tpu.memory_space<vmem>> -> memref<1x125xi32, #tpu.memory_space<vmem>>
      %dma_wait3A_121 = tpu.memref_squeeze %dma_wait3A_120 : memref<1x125xi32, #tpu.memory_space<vmem>> -> memref<125xi32, #tpu.memory_space<vmem>>
      %dma_wait3A_122 = arith.constant 0 : i32
      %dma_wait3A_123 = arith.constant 0 : i32
      %dma_wait3A_124 = tpu.memref_slice %arg10[%dma_wait3A_122, %dma_wait3A_123] : memref<10000x64xf32, #tpu.memory_space<vmem_shared>> -> memref<10000x64xf32, #tpu.memory_space<vmem_shared>>
      tpu.wait_indirect_dma semaphore(%run_scoped3A_112 : memref<!tpu.dma_semaphore, #tpu.memory_space<semaphore_mem>>) src(%arg9 : memref<125x64xf32, #tpu.memory_space<vmem>>) dst(%dma_wait3A_124 : memref<10000x64xf32, #tpu.memory_space<vmem_shared>>)
      tpu.yield
    }) : () -> ()
    %mul3A_68 = arith.constant 80 : i32
    %mul3A_69 = arith.muli %add3A, %mul3A_68 : i32
    %add3A_70 = arith.constant 40 : i32
    %add3A_71 = arith.addi %mul3A_69, %add3A_70 : i32
    "tpu.region"() ({
      %run_scoped3A_112 = tpu.sem_alloc : memref<!tpu.dma_semaphore, #tpu.memory_space<semaphore_mem>>
      %dma_start3A_113 = arith.constant 0 : i32
      %dma_start3A_114 = tpu.memref_slice %arg3[%add3A_71, %dma_start3A_113] : memref<2560x125xi32, #tpu.memory_space<hbm>> -> memref<40x125xi32, #tpu.memory_space<hbm>>
      %dma_start3A_115 = arith.constant 0 : i32
      %dma_start3A_116 = tpu.memref_slice %arg3[%add3A_71, %dma_start3A_115] : memref<2560x125xi32, #tpu.memory_space<hbm>> -> memref<40x125xi32, #tpu.memory_space<hbm>>
      tpu.enqueue_dma source(%dma_start3A_116 : memref<40x125xi32, #tpu.memory_space<hbm>>) target(%arg6 : memref<40x125xi32, #tpu.memory_space<vmem>>) target_semaphore(%run_scoped3A_112 : memref<!tpu.dma_semaphore, #tpu.memory_space<semaphore_mem>>)
      %dma_wait3A_117 = arith.constant 0 : i32
      %dma_wait3A_118 = tpu.memref_slice %arg3[%add3A_71, %dma_wait3A_117] : memref<2560x125xi32, #tpu.memory_space<hbm>> -> memref<40x125xi32, #tpu.memory_space<hbm>>
      %dma_wait3A_119 = arith.constant 0 : i32
      %dma_wait3A_120 = tpu.memref_slice %arg3[%add3A_71, %dma_wait3A_119] : memref<2560x125xi32, #tpu.memory_space<hbm>> -> memref<40x125xi32, #tpu.memory_space<hbm>>
      tpu.wait_dma2 semaphore(%run_scoped3A_112 : memref<!tpu.dma_semaphore, #tpu.memory_space<semaphore_mem>>) src(%dma_wait3A_120 : memref<40x125xi32, #tpu.memory_space<hbm>>) dst(%arg6 : memref<40x125xi32, #tpu.memory_space<vmem>>)
      tpu.yield
    }) : () -> ()
    "tpu.region"() ({
      %run_scoped3A_112 = tpu.sem_alloc : memref<!tpu.dma_semaphore, #tpu.memory_space<semaphore_mem>>
      %dma_start3A_113 = arith.constant 0 : i32
      %dma_start3A_114 = tpu.memref_slice %arg4[%add3A_71, %dma_start3A_113] : memref<2560x125xi32, #tpu.memory_space<hbm>> -> memref<40x125xi32, #tpu.memory_space<hbm>>
      %dma_start3A_115 = arith.constant 0 : i32
      %dma_start3A_116 = tpu.memref_slice %arg4[%add3A_71, %dma_start3A_115] : memref<2560x125xi32, #tpu.memory_space<hbm>> -> memref<40x125xi32, #tpu.memory_space<hbm>>
      tpu.enqueue_dma source(%dma_start3A_116 : memref<40x125xi32, #tpu.memory_space<hbm>>) target(%arg7 : memref<40x125xi32, #tpu.memory_space<vmem>>) target_semaphore(%run_scoped3A_112 : memref<!tpu.dma_semaphore, #tpu.memory_space<semaphore_mem>>)
      %dma_wait3A_117 = arith.constant 0 : i32
      %dma_wait3A_118 = tpu.memref_slice %arg4[%add3A_71, %dma_wait3A_117] : memref<2560x125xi32, #tpu.memory_space<hbm>> -> memref<40x125xi32, #tpu.memory_space<hbm>>
      %dma_wait3A_119 = arith.constant 0 : i32
      %dma_wait3A_120 = tpu.memref_slice %arg4[%add3A_71, %dma_wait3A_119] : memref<2560x125xi32, #tpu.memory_space<hbm>> -> memref<40x125xi32, #tpu.memory_space<hbm>>
      tpu.wait_dma2 semaphore(%run_scoped3A_112 : memref<!tpu.dma_semaphore, #tpu.memory_space<semaphore_mem>>) src(%dma_wait3A_120 : memref<40x125xi32, #tpu.memory_space<hbm>>) dst(%arg7 : memref<40x125xi32, #tpu.memory_space<vmem>>)
      tpu.yield
    }) : () -> ()
    %dma_start3A_72 = arith.constant 0 : i32
    %dma_start3A_73 = arith.constant 0 : i32
    %dma_start3A_74 = tpu.memref_slice %arg6[%dma_start3A_72, %dma_start3A_73] : memref<40x125xi32, #tpu.memory_space<vmem>> -> memref<1x125xi32, #tpu.memory_space<vmem>>
    %dma_start3A_75 = tpu.memref_squeeze %dma_start3A_74 : memref<1x125xi32, #tpu.memory_space<vmem>> -> memref<125xi32, #tpu.memory_space<vmem>>
    %dma_start3A_76 = arith.constant 0 : i32
    %dma_start3A_77 = arith.constant 0 : i32
    %dma_start3A_78 = tpu.memref_slice %arg11[%dma_start3A_76, %dma_start3A_77] : memref<10000x64xf32, #tpu.memory_space<vmem_shared>> -> memref<10000x64xf32, #tpu.memory_space<vmem_shared>>
    tpu.enqueue_indirect_dma source(%dma_start3A_78 : memref<10000x64xf32, #tpu.memory_space<vmem_shared>>) target(%arg8 : memref<125x64xf32, #tpu.memory_space<vmem>>) offsets(%dma_start3A_75 : memref<125xi32, #tpu.memory_space<vmem>>) semaphore(%arg12 : memref<!tpu.dma_semaphore, #tpu.memory_space<semaphore_mem>>)
    %scan3A_79 = arith.constant 0 : i32
    %scan3A_80 = arith.constant 0 : i32
    %scan3A_81 = arith.constant 19 : i32
    %scan3A_82 = arith.addi %scan3A_80, %scan3A_81 : i32
    %scan3A_83 = arith.constant 1 : i32
    %scan3A_84 = scf.for %scan3A_112 = %scan3A_80 to %scan3A_82 step %scan3A_83 iter_args(%scan3A_113 = %scan3A_79) -> (i32)  : i32 {
      %mul3A_114 = arith.constant 2 : i32
      %mul3A_115 = arith.muli %mul3A_114, %scan3A_112 : i32
      %add3A_116 = arith.constant 1 : i32
      %add3A_117 = arith.addi %mul3A_115, %add3A_116 : i32
      %dma_wait3A_118 = arith.constant 0 : i32
      %dma_wait3A_119 = tpu.memref_slice %arg6[%mul3A_115, %dma_wait3A_118] : memref<40x125xi32, #tpu.memory_space<vmem>> -> memref<1x125xi32, #tpu.memory_space<vmem>>
      %dma_wait3A_120 = tpu.memref_squeeze %dma_wait3A_119 : memref<1x125xi32, #tpu.memory_space<vmem>> -> memref<125xi32, #tpu.memory_space<vmem>>
      %dma_wait3A_121 = arith.constant 0 : i32
      %dma_wait3A_122 = arith.constant 0 : i32
      %dma_wait3A_123 = tpu.memref_slice %arg11[%dma_wait3A_121, %dma_wait3A_122] : memref<10000x64xf32, #tpu.memory_space<vmem_shared>> -> memref<10000x64xf32, #tpu.memory_space<vmem_shared>>
      tpu.wait_indirect_dma semaphore(%arg12 : memref<!tpu.dma_semaphore, #tpu.memory_space<semaphore_mem>>) src(%dma_wait3A_123 : memref<10000x64xf32, #tpu.memory_space<vmem_shared>>) dst(%arg8 : memref<125x64xf32, #tpu.memory_space<vmem>>)
      %dma_start3A_124 = arith.constant 0 : i32
      %dma_start3A_125 = tpu.memref_slice %arg6[%add3A_117, %dma_start3A_124] : memref<40x125xi32, #tpu.memory_space<vmem>> -> memref<1x125xi32, #tpu.memory_space<vmem>>
      %dma_start3A_126 = tpu.memref_squeeze %dma_start3A_125 : memref<1x125xi32, #tpu.memory_space<vmem>> -> memref<125xi32, #tpu.memory_space<vmem>>
      %dma_start3A_127 = arith.constant 0 : i32
      %dma_start3A_128 = arith.constant 0 : i32
      %dma_start3A_129 = tpu.memref_slice %arg11[%dma_start3A_127, %dma_start3A_128] : memref<10000x64xf32, #tpu.memory_space<vmem_shared>> -> memref<10000x64xf32, #tpu.memory_space<vmem_shared>>
      tpu.enqueue_indirect_dma source(%dma_start3A_129 : memref<10000x64xf32, #tpu.memory_space<vmem_shared>>) target(%arg9 : memref<125x64xf32, #tpu.memory_space<vmem>>) offsets(%dma_start3A_126 : memref<125xi32, #tpu.memory_space<vmem>>) semaphore(%arg12 : memref<!tpu.dma_semaphore, #tpu.memory_space<semaphore_mem>>)
      "tpu.region"() ({
        %run_scoped3A_145 = tpu.sem_alloc : memref<!tpu.dma_semaphore, #tpu.memory_space<semaphore_mem>>
        %dma_start3A_146 = arith.constant 0 : i32
        %dma_start3A_147 = tpu.memref_slice %arg7[%mul3A_115, %dma_start3A_146] : memref<40x125xi32, #tpu.memory_space<vmem>> -> memref<1x125xi32, #tpu.memory_space<vmem>>
        %dma_start3A_148 = tpu.memref_squeeze %dma_start3A_147 : memref<1x125xi32, #tpu.memory_space<vmem>> -> memref<125xi32, #tpu.memory_space<vmem>>
        %dma_start3A_149 = arith.constant 0 : i32
        %dma_start3A_150 = arith.constant 0 : i32
        %dma_start3A_151 = tpu.memref_slice %arg10[%dma_start3A_149, %dma_start3A_150] : memref<10000x64xf32, #tpu.memory_space<vmem_shared>> -> memref<10000x64xf32, #tpu.memory_space<vmem_shared>>
        tpu.enqueue_indirect_dma source(%arg8 : memref<125x64xf32, #tpu.memory_space<vmem>>) target(%dma_start3A_151 : memref<10000x64xf32, #tpu.memory_space<vmem_shared>>) offsets(%dma_start3A_148 : memref<125xi32, #tpu.memory_space<vmem>>) semaphore(%run_scoped3A_145 : memref<!tpu.dma_semaphore, #tpu.memory_space<semaphore_mem>>) {add = true}
        %dma_wait3A_152 = arith.constant 0 : i32
        %dma_wait3A_153 = tpu.memref_slice %arg7[%mul3A_115, %dma_wait3A_152] : memref<40x125xi32, #tpu.memory_space<vmem>> -> memref<1x125xi32, #tpu.memory_space<vmem>>
        %dma_wait3A_154 = tpu.memref_squeeze %dma_wait3A_153 : memref<1x125xi32, #tpu.memory_space<vmem>> -> memref<125xi32, #tpu.memory_space<vmem>>
        %dma_wait3A_155 = arith.constant 0 : i32
        %dma_wait3A_156 = arith.constant 0 : i32
        %dma_wait3A_157 = tpu.memref_slice %arg10[%dma_wait3A_155, %dma_wait3A_156] : memref<10000x64xf32, #tpu.memory_space<vmem_shared>> -> memref<10000x64xf32, #tpu.memory_space<vmem_shared>>
        tpu.wait_indirect_dma semaphore(%run_scoped3A_145 : memref<!tpu.dma_semaphore, #tpu.memory_space<semaphore_mem>>) src(%arg8 : memref<125x64xf32, #tpu.memory_space<vmem>>) dst(%dma_wait3A_157 : memref<10000x64xf32, #tpu.memory_space<vmem_shared>>)
        tpu.yield
      }) : () -> ()
      %dma_wait3A_130 = arith.constant 0 : i32
      %dma_wait3A_131 = tpu.memref_slice %arg6[%add3A_117, %dma_wait3A_130] : memref<40x125xi32, #tpu.memory_space<vmem>> -> memref<1x125xi32, #tpu.memory_space<vmem>>
      %dma_wait3A_132 = tpu.memref_squeeze %dma_wait3A_131 : memref<1x125xi32, #tpu.memory_space<vmem>> -> memref<125xi32, #tpu.memory_space<vmem>>
      %dma_wait3A_133 = arith.constant 0 : i32
      %dma_wait3A_134 = arith.constant 0 : i32
      %dma_wait3A_135 = tpu.memref_slice %arg11[%dma_wait3A_133, %dma_wait3A_134] : memref<10000x64xf32, #tpu.memory_space<vmem_shared>> -> memref<10000x64xf32, #tpu.memory_space<vmem_shared>>
      tpu.wait_indirect_dma semaphore(%arg12 : memref<!tpu.dma_semaphore, #tpu.memory_space<semaphore_mem>>) src(%dma_wait3A_135 : memref<10000x64xf32, #tpu.memory_space<vmem_shared>>) dst(%arg9 : memref<125x64xf32, #tpu.memory_space<vmem>>)
      %add3A_136 = arith.constant 1 : i32
      %add3A_137 = arith.addi %add3A_117, %add3A_136 : i32
      %dma_start3A_138 = arith.constant 0 : i32
      %dma_start3A_139 = tpu.memref_slice %arg6[%add3A_137, %dma_start3A_138] : memref<40x125xi32, #tpu.memory_space<vmem>> -> memref<1x125xi32, #tpu.memory_space<vmem>>
      %dma_start3A_140 = tpu.memref_squeeze %dma_start3A_139 : memref<1x125xi32, #tpu.memory_space<vmem>> -> memref<125xi32, #tpu.memory_space<vmem>>
      %dma_start3A_141 = arith.constant 0 : i32
      %dma_start3A_142 = arith.constant 0 : i32
      %dma_start3A_143 = tpu.memref_slice %arg11[%dma_start3A_141, %dma_start3A_142] : memref<10000x64xf32, #tpu.memory_space<vmem_shared>> -> memref<10000x64xf32, #tpu.memory_space<vmem_shared>>
      tpu.enqueue_indirect_dma source(%dma_start3A_143 : memref<10000x64xf32, #tpu.memory_space<vmem_shared>>) target(%arg8 : memref<125x64xf32, #tpu.memory_space<vmem>>) offsets(%dma_start3A_140 : memref<125xi32, #tpu.memory_space<vmem>>) semaphore(%arg12 : memref<!tpu.dma_semaphore, #tpu.memory_space<semaphore_mem>>)
      "tpu.region"() ({
        %run_scoped3A_145 = tpu.sem_alloc : memref<!tpu.dma_semaphore, #tpu.memory_space<semaphore_mem>>
        %dma_start3A_146 = arith.constant 0 : i32
        %dma_start3A_147 = tpu.memref_slice %arg7[%add3A_117, %dma_start3A_146] : memref<40x125xi32, #tpu.memory_space<vmem>> -> memref<1x125xi32, #tpu.memory_space<vmem>>
        %dma_start3A_148 = tpu.memref_squeeze %dma_start3A_147 : memref<1x125xi32, #tpu.memory_space<vmem>> -> memref<125xi32, #tpu.memory_space<vmem>>
        %dma_start3A_149 = arith.constant 0 : i32
        %dma_start3A_150 = arith.constant 0 : i32
        %dma_start3A_151 = tpu.memref_slice %arg10[%dma_start3A_149, %dma_start3A_150] : memref<10000x64xf32, #tpu.memory_space<vmem_shared>> -> memref<10000x64xf32, #tpu.memory_space<vmem_shared>>
        tpu.enqueue_indirect_dma source(%arg9 : memref<125x64xf32, #tpu.memory_space<vmem>>) target(%dma_start3A_151 : memref<10000x64xf32, #tpu.memory_space<vmem_shared>>) offsets(%dma_start3A_148 : memref<125xi32, #tpu.memory_space<vmem>>) semaphore(%run_scoped3A_145 : memref<!tpu.dma_semaphore, #tpu.memory_space<semaphore_mem>>) {add = true}
        %dma_wait3A_152 = arith.constant 0 : i32
        %dma_wait3A_153 = tpu.memref_slice %arg7[%add3A_117, %dma_wait3A_152] : memref<40x125xi32, #tpu.memory_space<vmem>> -> memref<1x125xi32, #tpu.memory_space<vmem>>
        %dma_wait3A_154 = tpu.memref_squeeze %dma_wait3A_153 : memref<1x125xi32, #tpu.memory_space<vmem>> -> memref<125xi32, #tpu.memory_space<vmem>>
        %dma_wait3A_155 = arith.constant 0 : i32
        %dma_wait3A_156 = arith.constant 0 : i32
        %dma_wait3A_157 = tpu.memref_slice %arg10[%dma_wait3A_155, %dma_wait3A_156] : memref<10000x64xf32, #tpu.memory_space<vmem_shared>> -> memref<10000x64xf32, #tpu.memory_space<vmem_shared>>
        tpu.wait_indirect_dma semaphore(%run_scoped3A_145 : memref<!tpu.dma_semaphore, #tpu.memory_space<semaphore_mem>>) src(%arg9 : memref<125x64xf32, #tpu.memory_space<vmem>>) dst(%dma_wait3A_157 : memref<10000x64xf32, #tpu.memory_space<vmem_shared>>)
        tpu.yield
      }) : () -> ()
      %scan3A_144 = arith.constant 0 : i32
      scf.yield %scan3A_144 : i32
    }
    %scan3A_85 = arith.constant 19 : i32
    %dma_wait3A_86 = arith.constant 38 : i32
    %dma_wait3A_87 = arith.constant 0 : i32
    %dma_wait3A_88 = tpu.memref_slice %arg6[%dma_wait3A_86, %dma_wait3A_87] : memref<40x125xi32, #tpu.memory_space<vmem>> -> memref<1x125xi32, #tpu.memory_space<vmem>>
    %dma_wait3A_89 = tpu.memref_squeeze %dma_wait3A_88 : memref<1x125xi32, #tpu.memory_space<vmem>> -> memref<125xi32, #tpu.memory_space<vmem>>
    %dma_wait3A_90 = arith.constant 0 : i32
    %dma_wait3A_91 = arith.constant 0 : i32
    %dma_wait3A_92 = tpu.memref_slice %arg11[%dma_wait3A_90, %dma_wait3A_91] : memref<10000x64xf32, #tpu.memory_space<vmem_shared>> -> memref<10000x64xf32, #tpu.memory_space<vmem_shared>>
    tpu.wait_indirect_dma semaphore(%arg12 : memref<!tpu.dma_semaphore, #tpu.memory_space<semaphore_mem>>) src(%dma_wait3A_92 : memref<10000x64xf32, #tpu.memory_space<vmem_shared>>) dst(%arg8 : memref<125x64xf32, #tpu.memory_space<vmem>>)
    %dma_start3A_93 = arith.constant 39 : i32
    %dma_start3A_94 = arith.constant 0 : i32
    %dma_start3A_95 = tpu.memref_slice %arg6[%dma_start3A_93, %dma_start3A_94] : memref<40x125xi32, #tpu.memory_space<vmem>> -> memref<1x125xi32, #tpu.memory_space<vmem>>
    %dma_start3A_96 = tpu.memref_squeeze %dma_start3A_95 : memref<1x125xi32, #tpu.memory_space<vmem>> -> memref<125xi32, #tpu.memory_space<vmem>>
    %dma_start3A_97 = arith.constant 0 : i32
    %dma_start3A_98 = arith.constant 0 : i32
    %dma_start3A_99 = tpu.memref_slice %arg11[%dma_start3A_97, %dma_start3A_98] : memref<10000x64xf32, #tpu.memory_space<vmem_shared>> -> memref<10000x64xf32, #tpu.memory_space<vmem_shared>>
    tpu.enqueue_indirect_dma source(%dma_start3A_99 : memref<10000x64xf32, #tpu.memory_space<vmem_shared>>) target(%arg9 : memref<125x64xf32, #tpu.memory_space<vmem>>) offsets(%dma_start3A_96 : memref<125xi32, #tpu.memory_space<vmem>>) semaphore(%arg12 : memref<!tpu.dma_semaphore, #tpu.memory_space<semaphore_mem>>)
    %run_scoped3A_100 = arith.constant 38 : i32
    "tpu.region"() ({
      %run_scoped3A_112 = tpu.sem_alloc : memref<!tpu.dma_semaphore, #tpu.memory_space<semaphore_mem>>
      %dma_start3A_113 = arith.constant 0 : i32
      %dma_start3A_114 = tpu.memref_slice %arg7[%run_scoped3A_100, %dma_start3A_113] : memref<40x125xi32, #tpu.memory_space<vmem>> -> memref<1x125xi32, #tpu.memory_space<vmem>>
      %dma_start3A_115 = tpu.memref_squeeze %dma_start3A_114 : memref<1x125xi32, #tpu.memory_space<vmem>> -> memref<125xi32, #tpu.memory_space<vmem>>
      %dma_start3A_116 = arith.constant 0 : i32
      %dma_start3A_117 = arith.constant 0 : i32
      %dma_start3A_118 = tpu.memref_slice %arg10[%dma_start3A_116, %dma_start3A_117] : memref<10000x64xf32, #tpu.memory_space<vmem_shared>> -> memref<10000x64xf32, #tpu.memory_space<vmem_shared>>
      tpu.enqueue_indirect_dma source(%arg8 : memref<125x64xf32, #tpu.memory_space<vmem>>) target(%dma_start3A_118 : memref<10000x64xf32, #tpu.memory_space<vmem_shared>>) offsets(%dma_start3A_115 : memref<125xi32, #tpu.memory_space<vmem>>) semaphore(%run_scoped3A_112 : memref<!tpu.dma_semaphore, #tpu.memory_space<semaphore_mem>>) {add = true}
      %dma_wait3A_119 = arith.constant 0 : i32
      %dma_wait3A_120 = tpu.memref_slice %arg7[%run_scoped3A_100, %dma_wait3A_119] : memref<40x125xi32, #tpu.memory_space<vmem>> -> memref<1x125xi32, #tpu.memory_space<vmem>>
      %dma_wait3A_121 = tpu.memref_squeeze %dma_wait3A_120 : memref<1x125xi32, #tpu.memory_space<vmem>> -> memref<125xi32, #tpu.memory_space<vmem>>
      %dma_wait3A_122 = arith.constant 0 : i32
      %dma_wait3A_123 = arith.constant 0 : i32
      %dma_wait3A_124 = tpu.memref_slice %arg10[%dma_wait3A_122, %dma_wait3A_123] : memref<10000x64xf32, #tpu.memory_space<vmem_shared>> -> memref<10000x64xf32, #tpu.memory_space<vmem_shared>>
      tpu.wait_indirect_dma semaphore(%run_scoped3A_112 : memref<!tpu.dma_semaphore, #tpu.memory_space<semaphore_mem>>) src(%arg8 : memref<125x64xf32, #tpu.memory_space<vmem>>) dst(%dma_wait3A_124 : memref<10000x64xf32, #tpu.memory_space<vmem_shared>>)
      tpu.yield
    }) : () -> ()
    %dma_wait3A_101 = arith.constant 39 : i32
    %dma_wait3A_102 = arith.constant 0 : i32
    %dma_wait3A_103 = tpu.memref_slice %arg6[%dma_wait3A_101, %dma_wait3A_102] : memref<40x125xi32, #tpu.memory_space<vmem>> -> memref<1x125xi32, #tpu.memory_space<vmem>>
    %dma_wait3A_104 = tpu.memref_squeeze %dma_wait3A_103 : memref<1x125xi32, #tpu.memory_space<vmem>> -> memref<125xi32, #tpu.memory_space<vmem>>
    %dma_wait3A_105 = arith.constant 0 : i32
    %dma_wait3A_106 = arith.constant 0 : i32
    %dma_wait3A_107 = tpu.memref_slice %arg11[%dma_wait3A_105, %dma_wait3A_106] : memref<10000x64xf32, #tpu.memory_space<vmem_shared>> -> memref<10000x64xf32, #tpu.memory_space<vmem_shared>>
    tpu.wait_indirect_dma semaphore(%arg12 : memref<!tpu.dma_semaphore, #tpu.memory_space<semaphore_mem>>) src(%dma_wait3A_107 : memref<10000x64xf32, #tpu.memory_space<vmem_shared>>) dst(%arg9 : memref<125x64xf32, #tpu.memory_space<vmem>>)
    %run_scoped3A_108 = arith.constant 39 : i32
    "tpu.region"() ({
      %run_scoped3A_112 = tpu.sem_alloc : memref<!tpu.dma_semaphore, #tpu.memory_space<semaphore_mem>>
      %dma_start3A_113 = arith.constant 0 : i32
      %dma_start3A_114 = tpu.memref_slice %arg7[%run_scoped3A_108, %dma_start3A_113] : memref<40x125xi32, #tpu.memory_space<vmem>> -> memref<1x125xi32, #tpu.memory_space<vmem>>
      %dma_start3A_115 = tpu.memref_squeeze %dma_start3A_114 : memref<1x125xi32, #tpu.memory_space<vmem>> -> memref<125xi32, #tpu.memory_space<vmem>>
      %dma_start3A_116 = arith.constant 0 : i32
      %dma_start3A_117 = arith.constant 0 : i32
      %dma_start3A_118 = tpu.memref_slice %arg10[%dma_start3A_116, %dma_start3A_117] : memref<10000x64xf32, #tpu.memory_space<vmem_shared>> -> memref<10000x64xf32, #tpu.memory_space<vmem_shared>>
      tpu.enqueue_indirect_dma source(%arg9 : memref<125x64xf32, #tpu.memory_space<vmem>>) target(%dma_start3A_118 : memref<10000x64xf32, #tpu.memory_space<vmem_shared>>) offsets(%dma_start3A_115 : memref<125xi32, #tpu.memory_space<vmem>>) semaphore(%run_scoped3A_112 : memref<!tpu.dma_semaphore, #tpu.memory_space<semaphore_mem>>) {add = true}
      %dma_wait3A_119 = arith.constant 0 : i32
      %dma_wait3A_120 = tpu.memref_slice %arg7[%run_scoped3A_108, %dma_wait3A_119] : memref<40x125xi32, #tpu.memory_space<vmem>> -> memref<1x125xi32, #tpu.memory_space<vmem>>
      %dma_wait3A_121 = tpu.memref_squeeze %dma_wait3A_120 : memref<1x125xi32, #tpu.memory_space<vmem>> -> memref<125xi32, #tpu.memory_space<vmem>>
      %dma_wait3A_122 = arith.constant 0 : i32
      %dma_wait3A_123 = arith.constant 0 : i32
      %dma_wait3A_124 = tpu.memref_slice %arg10[%dma_wait3A_122, %dma_wait3A_123] : memref<10000x64xf32, #tpu.memory_space<vmem_shared>> -> memref<10000x64xf32, #tpu.memory_space<vmem_shared>>
      tpu.wait_indirect_dma semaphore(%run_scoped3A_112 : memref<!tpu.dma_semaphore, #tpu.memory_space<semaphore_mem>>) src(%arg9 : memref<125x64xf32, #tpu.memory_space<vmem>>) dst(%dma_wait3A_124 : memref<10000x64xf32, #tpu.memory_space<vmem_shared>>)
      tpu.yield
    }) : () -> ()
    %barrier3A_109 = arith.constant 0 : index
    tpu.barrier barrier_id(%barrier3A_109)
    %mul3A_110 = arith.constant 625 : i32
    %mul3A_111 = arith.muli %arg1, %mul3A_110 : i32
    "tpu.region"() ({
      %run_scoped3A_112 = tpu.sem_alloc : memref<!tpu.dma_semaphore, #tpu.memory_space<semaphore_mem>>
      %dma_start3A_113 = arith.constant 0 : i32
      %dma_start3A_114 = tpu.memref_slice %arg5[%arg0, %mul3A_111, %dma_start3A_113] : memref<2x10000x64xf32, #tpu.memory_space<hbm>> -> memref<1x625x64xf32, #tpu.memory_space<hbm>>
      %dma_start3A_115 = tpu.memref_squeeze %dma_start3A_114 : memref<1x625x64xf32, #tpu.memory_space<hbm>> -> memref<625x64xf32, #tpu.memory_space<hbm>>
      %dma_start3A_116 = arith.constant 0 : i32
      %dma_start3A_117 = tpu.memref_slice %arg10[%mul3A_111, %dma_start3A_116] : memref<10000x64xf32, #tpu.memory_space<vmem_shared>> -> memref<625x64xf32, #tpu.memory_space<vmem_shared>>
      tpu.enqueue_dma source(%dma_start3A_117 : memref<625x64xf32, #tpu.memory_space<vmem_shared>>) target(%dma_start3A_115 : memref<625x64xf32, #tpu.memory_space<hbm>>) target_semaphore(%run_scoped3A_112 : memref<!tpu.dma_semaphore, #tpu.memory_space<semaphore_mem>>)
      %dma_wait3A_118 = arith.constant 0 : i32
      %dma_wait3A_119 = tpu.memref_slice %arg5[%arg0, %mul3A_111, %dma_wait3A_118] : memref<2x10000x64xf32, #tpu.memory_space<hbm>> -> memref<1x625x64xf32, #tpu.memory_space<hbm>>
      %dma_wait3A_120 = tpu.memref_squeeze %dma_wait3A_119 : memref<1x625x64xf32, #tpu.memory_space<hbm>> -> memref<625x64xf32, #tpu.memory_space<hbm>>
      %dma_wait3A_121 = arith.constant 0 : i32
      %dma_wait3A_122 = tpu.memref_slice %arg10[%mul3A_111, %dma_wait3A_121] : memref<10000x64xf32, #tpu.memory_space<vmem_shared>> -> memref<625x64xf32, #tpu.memory_space<vmem_shared>>
      tpu.wait_dma2 semaphore(%run_scoped3A_112 : memref<!tpu.dma_semaphore, #tpu.memory_space<semaphore_mem>>) src(%dma_wait3A_122 : memref<625x64xf32, #tpu.memory_space<vmem_shared>>) dst(%dma_wait3A_120 : memref<625x64xf32, #tpu.memory_space<hbm>>)
      tpu.yield
    }) : () -> ()
    return
  }
}

#map = affine_map<(d0, d1) -> (0, 0)>
#map1 = affine_map<(d0, d1) -> (0, 0, 0)>
module attributes {stable_mosaic.version = 14 : i64} {
  func.func @agg(%arg0: i32, %arg1: i32, %arg2: memref<10000x128xf32, #tpu.memory_space<hbm>>, %arg3: memref<2560x125xi32, #tpu.memory_space<hbm>>, %arg4: memref<2560x125xi32, #tpu.memory_space<hbm>>, %arg5: memref<2x10000x128xf32, #tpu.memory_space<hbm>>, %arg6: memref<40x125xi32, #tpu.memory_space<vmem>>, %arg7: memref<40x125xi32, #tpu.memory_space<vmem>>, %arg8: memref<125x128xf32, #tpu.memory_space<vmem>>, %arg9: memref<125x128xf32, #tpu.memory_space<vmem>>, %arg10: memref<10000x128xf32, #tpu.memory_space<vmem_shared>>, %arg11: memref<!tpu.dma_semaphore, #tpu.memory_space<semaphore_mem>>, %arg12: memref<!tpu.dma_semaphore, #tpu.memory_space<semaphore_mem>>) attributes {dimension_semantics = [#tpu.dimension_semantics<core_parallel>, #tpu.dimension_semantics<subcore_parallel>], iteration_bounds = array<i64: 2, 16>, scalar_prefetch = 0 : i64, scratch_operands = 7 : i64, tpu.core_type = #tpu.core_type<sc_vector_subcore>, window_params = [{transform_indices = #map}, {transform_indices = #map}, {transform_indices = #map}, {transform_indices = #map1}]} {
    %mul3A = arith.constant 16 : i32
    %mul3A_0 = arith.muli %arg0, %mul3A : i32
    %add3A = arith.addi %mul3A_0, %arg1 : i32
    %broadcast_in_dim3A = arith.constant 0.000000e+00 : f32
    %broadcast_in_dim3A_1 = vector.broadcast %broadcast_in_dim3A : f32 to vector<16xf32>
    %scan3A = arith.constant 0 : i32
    %scan3A_2 = arith.constant 0 : i32
    %scan3A_3 = arith.constant 125 : i32
    %scan3A_4 = arith.addi %scan3A_2, %scan3A_3 : i32
    %scan3A_5 = arith.constant 1 : i32
    %scan3A_6 = scf.for %scan3A_110 = %scan3A_2 to %scan3A_4 step %scan3A_5 iter_args(%scan3A_111 = %scan3A) -> (i32)  : i32 {
      %scan3A_112 = arith.constant 0 : i32
      %scan3A_113 = arith.constant 0 : i32
      %scan3A_114 = arith.constant 8 : i32
      %scan3A_115 = arith.addi %scan3A_113, %scan3A_114 : i32
      %scan3A_116 = arith.constant 1 : i32
      %scan3A_117 = scf.for %scan3A_119 = %scan3A_113 to %scan3A_115 step %scan3A_116 iter_args(%scan3A_120 = %scan3A_112) -> (i32)  : i32 {
        %mul3A_121 = arith.constant 16 : i32
        %mul3A_122 = arith.muli %scan3A_119, %mul3A_121 : i32
        %swap3A = arith.index_cast %scan3A_110 : i32 to index
        %swap3A_123 = arith.index_cast %mul3A_122 : i32 to index
        %swap3A_124 = tpu.vector_load %arg8[%swap3A, %swap3A_123] {strides = array<i32>} : memref<125x128xf32, #tpu.memory_space<vmem>>, vector<1x16xf32>,
        %swap3A_125 = vector.shape_cast %swap3A_124 : vector<1x16xf32> to vector<16xf32>
        %swap3A_126 = vector.shape_cast %broadcast_in_dim3A_1 : vector<16xf32> to vector<1x16xf32>
        tpu.vector_store %arg8[%swap3A, %swap3A_123], %swap3A_126 {strides = array<i32>} : memref<125x128xf32, #tpu.memory_space<vmem>>, vector<1x16xf32>,
        %scan3A_127 = arith.constant 0 : i32
        scf.yield %scan3A_127 : i32
      }
      %scan3A_118 = arith.constant 8 : i32
      scf.yield %scan3A_117 : i32
    }
    %scan3A_7 = arith.constant 125 : i32
    %mul3A_8 = arith.constant 625 : i32
    %mul3A_9 = arith.muli %arg1, %mul3A_8 : i32
    %add3A_10 = arith.constant 0 : i32
    %add3A_11 = arith.addi %mul3A_9, %add3A_10 : i32
    "tpu.region"() ({
      %run_scoped3A_110 = tpu.sem_alloc : memref<!tpu.dma_semaphore, #tpu.memory_space<semaphore_mem>>
      %dma_start3A_111 = arith.constant 0 : i32
      %dma_start3A_112 = tpu.memref_slice %arg10[%add3A_11, %dma_start3A_111] : memref<10000x128xf32, #tpu.memory_space<vmem_shared>> -> memref<125x128xf32, #tpu.memory_space<vmem_shared>>
      %dma_start3A_113 = arith.constant 0 : i32
      %dma_start3A_114 = tpu.memref_slice %arg10[%add3A_11, %dma_start3A_113] : memref<10000x128xf32, #tpu.memory_space<vmem_shared>> -> memref<125x128xf32, #tpu.memory_space<vmem_shared>>
      tpu.enqueue_dma source(%arg8 : memref<125x128xf32, #tpu.memory_space<vmem>>) target(%dma_start3A_114 : memref<125x128xf32, #tpu.memory_space<vmem_shared>>) target_semaphore(%run_scoped3A_110 : memref<!tpu.dma_semaphore, #tpu.memory_space<semaphore_mem>>)
      %dma_wait3A_115 = arith.constant 0 : i32
      %dma_wait3A_116 = tpu.memref_slice %arg10[%add3A_11, %dma_wait3A_115] : memref<10000x128xf32, #tpu.memory_space<vmem_shared>> -> memref<125x128xf32, #tpu.memory_space<vmem_shared>>
      %dma_wait3A_117 = arith.constant 0 : i32
      %dma_wait3A_118 = tpu.memref_slice %arg10[%add3A_11, %dma_wait3A_117] : memref<10000x128xf32, #tpu.memory_space<vmem_shared>> -> memref<125x128xf32, #tpu.memory_space<vmem_shared>>
      tpu.wait_dma2 semaphore(%run_scoped3A_110 : memref<!tpu.dma_semaphore, #tpu.memory_space<semaphore_mem>>) src(%arg8 : memref<125x128xf32, #tpu.memory_space<vmem>>) dst(%dma_wait3A_118 : memref<125x128xf32, #tpu.memory_space<vmem_shared>>)
      tpu.yield
    }) : () -> ()
    %mul3A_12 = arith.constant 625 : i32
    %mul3A_13 = arith.muli %arg1, %mul3A_12 : i32
    %add3A_14 = arith.constant 125 : i32
    %add3A_15 = arith.addi %mul3A_13, %add3A_14 : i32
    "tpu.region"() ({
      %run_scoped3A_110 = tpu.sem_alloc : memref<!tpu.dma_semaphore, #tpu.memory_space<semaphore_mem>>
      %dma_start3A_111 = arith.constant 0 : i32
      %dma_start3A_112 = tpu.memref_slice %arg10[%add3A_15, %dma_start3A_111] : memref<10000x128xf32, #tpu.memory_space<vmem_shared>> -> memref<125x128xf32, #tpu.memory_space<vmem_shared>>
      %dma_start3A_113 = arith.constant 0 : i32
      %dma_start3A_114 = tpu.memref_slice %arg10[%add3A_15, %dma_start3A_113] : memref<10000x128xf32, #tpu.memory_space<vmem_shared>> -> memref<125x128xf32, #tpu.memory_space<vmem_shared>>
      tpu.enqueue_dma source(%arg8 : memref<125x128xf32, #tpu.memory_space<vmem>>) target(%dma_start3A_114 : memref<125x128xf32, #tpu.memory_space<vmem_shared>>) target_semaphore(%run_scoped3A_110 : memref<!tpu.dma_semaphore, #tpu.memory_space<semaphore_mem>>)
      %dma_wait3A_115 = arith.constant 0 : i32
      %dma_wait3A_116 = tpu.memref_slice %arg10[%add3A_15, %dma_wait3A_115] : memref<10000x128xf32, #tpu.memory_space<vmem_shared>> -> memref<125x128xf32, #tpu.memory_space<vmem_shared>>
      %dma_wait3A_117 = arith.constant 0 : i32
      %dma_wait3A_118 = tpu.memref_slice %arg10[%add3A_15, %dma_wait3A_117] : memref<10000x128xf32, #tpu.memory_space<vmem_shared>> -> memref<125x128xf32, #tpu.memory_space<vmem_shared>>
      tpu.wait_dma2 semaphore(%run_scoped3A_110 : memref<!tpu.dma_semaphore, #tpu.memory_space<semaphore_mem>>) src(%arg8 : memref<125x128xf32, #tpu.memory_space<vmem>>) dst(%dma_wait3A_118 : memref<125x128xf32, #tpu.memory_space<vmem_shared>>)
      tpu.yield
    }) : () -> ()
    %mul3A_16 = arith.constant 625 : i32
    %mul3A_17 = arith.muli %arg1, %mul3A_16 : i32
    %add3A_18 = arith.constant 250 : i32
    %add3A_19 = arith.addi %mul3A_17, %add3A_18 : i32
    "tpu.region"() ({
      %run_scoped3A_110 = tpu.sem_alloc : memref<!tpu.dma_semaphore, #tpu.memory_space<semaphore_mem>>
      %dma_start3A_111 = arith.constant 0 : i32
      %dma_start3A_112 = tpu.memref_slice %arg10[%add3A_19, %dma_start3A_111] : memref<10000x128xf32, #tpu.memory_space<vmem_shared>> -> memref<125x128xf32, #tpu.memory_space<vmem_shared>>
      %dma_start3A_113 = arith.constant 0 : i32
      %dma_start3A_114 = tpu.memref_slice %arg10[%add3A_19, %dma_start3A_113] : memref<10000x128xf32, #tpu.memory_space<vmem_shared>> -> memref<125x128xf32, #tpu.memory_space<vmem_shared>>
      tpu.enqueue_dma source(%arg8 : memref<125x128xf32, #tpu.memory_space<vmem>>) target(%dma_start3A_114 : memref<125x128xf32, #tpu.memory_space<vmem_shared>>) target_semaphore(%run_scoped3A_110 : memref<!tpu.dma_semaphore, #tpu.memory_space<semaphore_mem>>)
      %dma_wait3A_115 = arith.constant 0 : i32
      %dma_wait3A_116 = tpu.memref_slice %arg10[%add3A_19, %dma_wait3A_115] : memref<10000x128xf32, #tpu.memory_space<vmem_shared>> -> memref<125x128xf32, #tpu.memory_space<vmem_shared>>
      %dma_wait3A_117 = arith.constant 0 : i32
      %dma_wait3A_118 = tpu.memref_slice %arg10[%add3A_19, %dma_wait3A_117] : memref<10000x128xf32, #tpu.memory_space<vmem_shared>> -> memref<125x128xf32, #tpu.memory_space<vmem_shared>>
      tpu.wait_dma2 semaphore(%run_scoped3A_110 : memref<!tpu.dma_semaphore, #tpu.memory_space<semaphore_mem>>) src(%arg8 : memref<125x128xf32, #tpu.memory_space<vmem>>) dst(%dma_wait3A_118 : memref<125x128xf32, #tpu.memory_space<vmem_shared>>)
      tpu.yield
    }) : () -> ()
    %mul3A_20 = arith.constant 625 : i32
    %mul3A_21 = arith.muli %arg1, %mul3A_20 : i32
    %add3A_22 = arith.constant 375 : i32
    %add3A_23 = arith.addi %mul3A_21, %add3A_22 : i32
    "tpu.region"() ({
      %run_scoped3A_110 = tpu.sem_alloc : memref<!tpu.dma_semaphore, #tpu.memory_space<semaphore_mem>>
      %dma_start3A_111 = arith.constant 0 : i32
      %dma_start3A_112 = tpu.memref_slice %arg10[%add3A_23, %dma_start3A_111] : memref<10000x128xf32, #tpu.memory_space<vmem_shared>> -> memref<125x128xf32, #tpu.memory_space<vmem_shared>>
      %dma_start3A_113 = arith.constant 0 : i32
      %dma_start3A_114 = tpu.memref_slice %arg10[%add3A_23, %dma_start3A_113] : memref<10000x128xf32, #tpu.memory_space<vmem_shared>> -> memref<125x128xf32, #tpu.memory_space<vmem_shared>>
      tpu.enqueue_dma source(%arg8 : memref<125x128xf32, #tpu.memory_space<vmem>>) target(%dma_start3A_114 : memref<125x128xf32, #tpu.memory_space<vmem_shared>>) target_semaphore(%run_scoped3A_110 : memref<!tpu.dma_semaphore, #tpu.memory_space<semaphore_mem>>)
      %dma_wait3A_115 = arith.constant 0 : i32
      %dma_wait3A_116 = tpu.memref_slice %arg10[%add3A_23, %dma_wait3A_115] : memref<10000x128xf32, #tpu.memory_space<vmem_shared>> -> memref<125x128xf32, #tpu.memory_space<vmem_shared>>
      %dma_wait3A_117 = arith.constant 0 : i32
      %dma_wait3A_118 = tpu.memref_slice %arg10[%add3A_23, %dma_wait3A_117] : memref<10000x128xf32, #tpu.memory_space<vmem_shared>> -> memref<125x128xf32, #tpu.memory_space<vmem_shared>>
      tpu.wait_dma2 semaphore(%run_scoped3A_110 : memref<!tpu.dma_semaphore, #tpu.memory_space<semaphore_mem>>) src(%arg8 : memref<125x128xf32, #tpu.memory_space<vmem>>) dst(%dma_wait3A_118 : memref<125x128xf32, #tpu.memory_space<vmem_shared>>)
      tpu.yield
    }) : () -> ()
    %mul3A_24 = arith.constant 625 : i32
    %mul3A_25 = arith.muli %arg1, %mul3A_24 : i32
    %add3A_26 = arith.constant 500 : i32
    %add3A_27 = arith.addi %mul3A_25, %add3A_26 : i32
    "tpu.region"() ({
      %run_scoped3A_110 = tpu.sem_alloc : memref<!tpu.dma_semaphore, #tpu.memory_space<semaphore_mem>>
      %dma_start3A_111 = arith.constant 0 : i32
      %dma_start3A_112 = tpu.memref_slice %arg10[%add3A_27, %dma_start3A_111] : memref<10000x128xf32, #tpu.memory_space<vmem_shared>> -> memref<125x128xf32, #tpu.memory_space<vmem_shared>>
      %dma_start3A_113 = arith.constant 0 : i32
      %dma_start3A_114 = tpu.memref_slice %arg10[%add3A_27, %dma_start3A_113] : memref<10000x128xf32, #tpu.memory_space<vmem_shared>> -> memref<125x128xf32, #tpu.memory_space<vmem_shared>>
      tpu.enqueue_dma source(%arg8 : memref<125x128xf32, #tpu.memory_space<vmem>>) target(%dma_start3A_114 : memref<125x128xf32, #tpu.memory_space<vmem_shared>>) target_semaphore(%run_scoped3A_110 : memref<!tpu.dma_semaphore, #tpu.memory_space<semaphore_mem>>)
      %dma_wait3A_115 = arith.constant 0 : i32
      %dma_wait3A_116 = tpu.memref_slice %arg10[%add3A_27, %dma_wait3A_115] : memref<10000x128xf32, #tpu.memory_space<vmem_shared>> -> memref<125x128xf32, #tpu.memory_space<vmem_shared>>
      %dma_wait3A_117 = arith.constant 0 : i32
      %dma_wait3A_118 = tpu.memref_slice %arg10[%add3A_27, %dma_wait3A_117] : memref<10000x128xf32, #tpu.memory_space<vmem_shared>> -> memref<125x128xf32, #tpu.memory_space<vmem_shared>>
      tpu.wait_dma2 semaphore(%run_scoped3A_110 : memref<!tpu.dma_semaphore, #tpu.memory_space<semaphore_mem>>) src(%arg8 : memref<125x128xf32, #tpu.memory_space<vmem>>) dst(%dma_wait3A_118 : memref<125x128xf32, #tpu.memory_space<vmem_shared>>)
      tpu.yield
    }) : () -> ()
    %barrier3A = arith.constant 0 : index
    tpu.barrier barrier_id(%barrier3A)
    %mul3A_28 = arith.constant 80 : i32
    %mul3A_29 = arith.muli %add3A, %mul3A_28 : i32
    %add3A_30 = arith.constant 0 : i32
    %add3A_31 = arith.addi %mul3A_29, %add3A_30 : i32
    "tpu.region"() ({
      %run_scoped3A_110 = tpu.sem_alloc : memref<!tpu.dma_semaphore, #tpu.memory_space<semaphore_mem>>
      %dma_start3A_111 = arith.constant 0 : i32
      %dma_start3A_112 = tpu.memref_slice %arg3[%add3A_31, %dma_start3A_111] : memref<2560x125xi32, #tpu.memory_space<hbm>> -> memref<40x125xi32, #tpu.memory_space<hbm>>
      %dma_start3A_113 = arith.constant 0 : i32
      %dma_start3A_114 = tpu.memref_slice %arg3[%add3A_31, %dma_start3A_113] : memref<2560x125xi32, #tpu.memory_space<hbm>> -> memref<40x125xi32, #tpu.memory_space<hbm>>
      tpu.enqueue_dma source(%dma_start3A_114 : memref<40x125xi32, #tpu.memory_space<hbm>>) target(%arg6 : memref<40x125xi32, #tpu.memory_space<vmem>>) target_semaphore(%run_scoped3A_110 : memref<!tpu.dma_semaphore, #tpu.memory_space<semaphore_mem>>)
      %dma_wait3A_115 = arith.constant 0 : i32
      %dma_wait3A_116 = tpu.memref_slice %arg3[%add3A_31, %dma_wait3A_115] : memref<2560x125xi32, #tpu.memory_space<hbm>> -> memref<40x125xi32, #tpu.memory_space<hbm>>
      %dma_wait3A_117 = arith.constant 0 : i32
      %dma_wait3A_118 = tpu.memref_slice %arg3[%add3A_31, %dma_wait3A_117] : memref<2560x125xi32, #tpu.memory_space<hbm>> -> memref<40x125xi32, #tpu.memory_space<hbm>>
      tpu.wait_dma2 semaphore(%run_scoped3A_110 : memref<!tpu.dma_semaphore, #tpu.memory_space<semaphore_mem>>) src(%dma_wait3A_118 : memref<40x125xi32, #tpu.memory_space<hbm>>) dst(%arg6 : memref<40x125xi32, #tpu.memory_space<vmem>>)
      tpu.yield
    }) : () -> ()
    "tpu.region"() ({
      %run_scoped3A_110 = tpu.sem_alloc : memref<!tpu.dma_semaphore, #tpu.memory_space<semaphore_mem>>
      %dma_start3A_111 = arith.constant 0 : i32
      %dma_start3A_112 = tpu.memref_slice %arg4[%add3A_31, %dma_start3A_111] : memref<2560x125xi32, #tpu.memory_space<hbm>> -> memref<40x125xi32, #tpu.memory_space<hbm>>
      %dma_start3A_113 = arith.constant 0 : i32
      %dma_start3A_114 = tpu.memref_slice %arg4[%add3A_31, %dma_start3A_113] : memref<2560x125xi32, #tpu.memory_space<hbm>> -> memref<40x125xi32, #tpu.memory_space<hbm>>
      tpu.enqueue_dma source(%dma_start3A_114 : memref<40x125xi32, #tpu.memory_space<hbm>>) target(%arg7 : memref<40x125xi32, #tpu.memory_space<vmem>>) target_semaphore(%run_scoped3A_110 : memref<!tpu.dma_semaphore, #tpu.memory_space<semaphore_mem>>)
      %dma_wait3A_115 = arith.constant 0 : i32
      %dma_wait3A_116 = tpu.memref_slice %arg4[%add3A_31, %dma_wait3A_115] : memref<2560x125xi32, #tpu.memory_space<hbm>> -> memref<40x125xi32, #tpu.memory_space<hbm>>
      %dma_wait3A_117 = arith.constant 0 : i32
      %dma_wait3A_118 = tpu.memref_slice %arg4[%add3A_31, %dma_wait3A_117] : memref<2560x125xi32, #tpu.memory_space<hbm>> -> memref<40x125xi32, #tpu.memory_space<hbm>>
      tpu.wait_dma2 semaphore(%run_scoped3A_110 : memref<!tpu.dma_semaphore, #tpu.memory_space<semaphore_mem>>) src(%dma_wait3A_118 : memref<40x125xi32, #tpu.memory_space<hbm>>) dst(%arg7 : memref<40x125xi32, #tpu.memory_space<vmem>>)
      tpu.yield
    }) : () -> ()
    %dma_start3A = arith.constant 0 : i32
    %dma_start3A_32 = arith.constant 0 : i32
    %dma_start3A_33 = tpu.memref_slice %arg6[%dma_start3A, %dma_start3A_32] : memref<40x125xi32, #tpu.memory_space<vmem>> -> memref<1x125xi32, #tpu.memory_space<vmem>>
    %dma_start3A_34 = tpu.memref_squeeze %dma_start3A_33 : memref<1x125xi32, #tpu.memory_space<vmem>> -> memref<125xi32, #tpu.memory_space<vmem>>
    %dma_start3A_35 = arith.constant 0 : i32
    %dma_start3A_36 = arith.constant 0 : i32
    %dma_start3A_37 = tpu.memref_slice %arg2[%dma_start3A_35, %dma_start3A_36] : memref<10000x128xf32, #tpu.memory_space<hbm>> -> memref<10000x128xf32, #tpu.memory_space<hbm>>
    tpu.enqueue_indirect_dma source(%dma_start3A_37 : memref<10000x128xf32, #tpu.memory_space<hbm>>) target(%arg8 : memref<125x128xf32, #tpu.memory_space<vmem>>) offsets(%dma_start3A_34 : memref<125xi32, #tpu.memory_space<vmem>>) semaphore(%arg11 : memref<!tpu.dma_semaphore, #tpu.memory_space<semaphore_mem>>)
    %scan3A_38 = arith.constant 0 : i32
    %scan3A_39 = arith.constant 0 : i32
    %scan3A_40 = arith.constant 19 : i32
    %scan3A_41 = arith.addi %scan3A_39, %scan3A_40 : i32
    %scan3A_42 = arith.constant 1 : i32
    %scan3A_43 = scf.for %scan3A_110 = %scan3A_39 to %scan3A_41 step %scan3A_42 iter_args(%scan3A_111 = %scan3A_38) -> (i32)  : i32 {
      %mul3A_112 = arith.constant 2 : i32
      %mul3A_113 = arith.muli %mul3A_112, %scan3A_110 : i32
      %add3A_114 = arith.constant 1 : i32
      %add3A_115 = arith.addi %mul3A_113, %add3A_114 : i32
      %dma_wait3A_116 = arith.constant 0 : i32
      %dma_wait3A_117 = tpu.memref_slice %arg6[%mul3A_113, %dma_wait3A_116] : memref<40x125xi32, #tpu.memory_space<vmem>> -> memref<1x125xi32, #tpu.memory_space<vmem>>
      %dma_wait3A_118 = tpu.memref_squeeze %dma_wait3A_117 : memref<1x125xi32, #tpu.memory_space<vmem>> -> memref<125xi32, #tpu.memory_space<vmem>>
      %dma_wait3A_119 = arith.constant 0 : i32
      %dma_wait3A_120 = arith.constant 0 : i32
      %dma_wait3A_121 = tpu.memref_slice %arg2[%dma_wait3A_119, %dma_wait3A_120] : memref<10000x128xf32, #tpu.memory_space<hbm>> -> memref<10000x128xf32, #tpu.memory_space<hbm>>
      tpu.wait_indirect_dma semaphore(%arg11 : memref<!tpu.dma_semaphore, #tpu.memory_space<semaphore_mem>>) src(%dma_wait3A_121 : memref<10000x128xf32, #tpu.memory_space<hbm>>) dst(%arg8 : memref<125x128xf32, #tpu.memory_space<vmem>>)
      %dma_start3A_122 = arith.constant 0 : i32
      %dma_start3A_123 = tpu.memref_slice %arg6[%add3A_115, %dma_start3A_122] : memref<40x125xi32, #tpu.memory_space<vmem>> -> memref<1x125xi32, #tpu.memory_space<vmem>>
      %dma_start3A_124 = tpu.memref_squeeze %dma_start3A_123 : memref<1x125xi32, #tpu.memory_space<vmem>> -> memref<125xi32, #tpu.memory_space<vmem>>
      %dma_start3A_125 = arith.constant 0 : i32
      %dma_start3A_126 = arith.constant 0 : i32
      %dma_start3A_127 = tpu.memref_slice %arg2[%dma_start3A_125, %dma_start3A_126] : memref<10000x128xf32, #tpu.memory_space<hbm>> -> memref<10000x128xf32, #tpu.memory_space<hbm>>
      tpu.enqueue_indirect_dma source(%dma_start3A_127 : memref<10000x128xf32, #tpu.memory_space<hbm>>) target(%arg9 : memref<125x128xf32, #tpu.memory_space<vmem>>) offsets(%dma_start3A_124 : memref<125xi32, #tpu.memory_space<vmem>>) semaphore(%arg11 : memref<!tpu.dma_semaphore, #tpu.memory_space<semaphore_mem>>)
      "tpu.region"() ({
        %run_scoped3A_143 = tpu.sem_alloc : memref<!tpu.dma_semaphore, #tpu.memory_space<semaphore_mem>>
        %dma_start3A_144 = arith.constant 0 : i32
        %dma_start3A_145 = tpu.memref_slice %arg7[%mul3A_113, %dma_start3A_144] : memref<40x125xi32, #tpu.memory_space<vmem>> -> memref<1x125xi32, #tpu.memory_space<vmem>>
        %dma_start3A_146 = tpu.memref_squeeze %dma_start3A_145 : memref<1x125xi32, #tpu.memory_space<vmem>> -> memref<125xi32, #tpu.memory_space<vmem>>
        %dma_start3A_147 = arith.constant 0 : i32
        %dma_start3A_148 = arith.constant 0 : i32
        %dma_start3A_149 = tpu.memref_slice %arg10[%dma_start3A_147, %dma_start3A_148] : memref<10000x128xf32, #tpu.memory_space<vmem_shared>> -> memref<10000x128xf32, #tpu.memory_space<vmem_shared>>
        tpu.enqueue_indirect_dma source(%arg8 : memref<125x128xf32, #tpu.memory_space<vmem>>) target(%dma_start3A_149 : memref<10000x128xf32, #tpu.memory_space<vmem_shared>>) offsets(%dma_start3A_146 : memref<125xi32, #tpu.memory_space<vmem>>) semaphore(%run_scoped3A_143 : memref<!tpu.dma_semaphore, #tpu.memory_space<semaphore_mem>>) {add = true}
        %dma_wait3A_150 = arith.constant 0 : i32
        %dma_wait3A_151 = tpu.memref_slice %arg7[%mul3A_113, %dma_wait3A_150] : memref<40x125xi32, #tpu.memory_space<vmem>> -> memref<1x125xi32, #tpu.memory_space<vmem>>
        %dma_wait3A_152 = tpu.memref_squeeze %dma_wait3A_151 : memref<1x125xi32, #tpu.memory_space<vmem>> -> memref<125xi32, #tpu.memory_space<vmem>>
        %dma_wait3A_153 = arith.constant 0 : i32
        %dma_wait3A_154 = arith.constant 0 : i32
        %dma_wait3A_155 = tpu.memref_slice %arg10[%dma_wait3A_153, %dma_wait3A_154] : memref<10000x128xf32, #tpu.memory_space<vmem_shared>> -> memref<10000x128xf32, #tpu.memory_space<vmem_shared>>
        tpu.wait_indirect_dma semaphore(%run_scoped3A_143 : memref<!tpu.dma_semaphore, #tpu.memory_space<semaphore_mem>>) src(%arg8 : memref<125x128xf32, #tpu.memory_space<vmem>>) dst(%dma_wait3A_155 : memref<10000x128xf32, #tpu.memory_space<vmem_shared>>)
        tpu.yield
      }) : () -> ()
      %dma_wait3A_128 = arith.constant 0 : i32
      %dma_wait3A_129 = tpu.memref_slice %arg6[%add3A_115, %dma_wait3A_128] : memref<40x125xi32, #tpu.memory_space<vmem>> -> memref<1x125xi32, #tpu.memory_space<vmem>>
      %dma_wait3A_130 = tpu.memref_squeeze %dma_wait3A_129 : memref<1x125xi32, #tpu.memory_space<vmem>> -> memref<125xi32, #tpu.memory_space<vmem>>
      %dma_wait3A_131 = arith.constant 0 : i32
      %dma_wait3A_132 = arith.constant 0 : i32
      %dma_wait3A_133 = tpu.memref_slice %arg2[%dma_wait3A_131, %dma_wait3A_132] : memref<10000x128xf32, #tpu.memory_space<hbm>> -> memref<10000x128xf32, #tpu.memory_space<hbm>>
      tpu.wait_indirect_dma semaphore(%arg11 : memref<!tpu.dma_semaphore, #tpu.memory_space<semaphore_mem>>) src(%dma_wait3A_133 : memref<10000x128xf32, #tpu.memory_space<hbm>>) dst(%arg9 : memref<125x128xf32, #tpu.memory_space<vmem>>)
      %add3A_134 = arith.constant 1 : i32
      %add3A_135 = arith.addi %add3A_115, %add3A_134 : i32
      %dma_start3A_136 = arith.constant 0 : i32
      %dma_start3A_137 = tpu.memref_slice %arg6[%add3A_135, %dma_start3A_136] : memref<40x125xi32, #tpu.memory_space<vmem>> -> memref<1x125xi32, #tpu.memory_space<vmem>>
      %dma_start3A_138 = tpu.memref_squeeze %dma_start3A_137 : memref<1x125xi32, #tpu.memory_space<vmem>> -> memref<125xi32, #tpu.memory_space<vmem>>
      %dma_start3A_139 = arith.constant 0 : i32
      %dma_start3A_140 = arith.constant 0 : i32
      %dma_start3A_141 = tpu.memref_slice %arg2[%dma_start3A_139, %dma_start3A_140] : memref<10000x128xf32, #tpu.memory_space<hbm>> -> memref<10000x128xf32, #tpu.memory_space<hbm>>
      tpu.enqueue_indirect_dma source(%dma_start3A_141 : memref<10000x128xf32, #tpu.memory_space<hbm>>) target(%arg8 : memref<125x128xf32, #tpu.memory_space<vmem>>) offsets(%dma_start3A_138 : memref<125xi32, #tpu.memory_space<vmem>>) semaphore(%arg11 : memref<!tpu.dma_semaphore, #tpu.memory_space<semaphore_mem>>)
      "tpu.region"() ({
        %run_scoped3A_143 = tpu.sem_alloc : memref<!tpu.dma_semaphore, #tpu.memory_space<semaphore_mem>>
        %dma_start3A_144 = arith.constant 0 : i32
        %dma_start3A_145 = tpu.memref_slice %arg7[%add3A_115, %dma_start3A_144] : memref<40x125xi32, #tpu.memory_space<vmem>> -> memref<1x125xi32, #tpu.memory_space<vmem>>
        %dma_start3A_146 = tpu.memref_squeeze %dma_start3A_145 : memref<1x125xi32, #tpu.memory_space<vmem>> -> memref<125xi32, #tpu.memory_space<vmem>>
        %dma_start3A_147 = arith.constant 0 : i32
        %dma_start3A_148 = arith.constant 0 : i32
        %dma_start3A_149 = tpu.memref_slice %arg10[%dma_start3A_147, %dma_start3A_148] : memref<10000x128xf32, #tpu.memory_space<vmem_shared>> -> memref<10000x128xf32, #tpu.memory_space<vmem_shared>>
        tpu.enqueue_indirect_dma source(%arg9 : memref<125x128xf32, #tpu.memory_space<vmem>>) target(%dma_start3A_149 : memref<10000x128xf32, #tpu.memory_space<vmem_shared>>) offsets(%dma_start3A_146 : memref<125xi32, #tpu.memory_space<vmem>>) semaphore(%run_scoped3A_143 : memref<!tpu.dma_semaphore, #tpu.memory_space<semaphore_mem>>) {add = true}
        %dma_wait3A_150 = arith.constant 0 : i32
        %dma_wait3A_151 = tpu.memref_slice %arg7[%add3A_115, %dma_wait3A_150] : memref<40x125xi32, #tpu.memory_space<vmem>> -> memref<1x125xi32, #tpu.memory_space<vmem>>
        %dma_wait3A_152 = tpu.memref_squeeze %dma_wait3A_151 : memref<1x125xi32, #tpu.memory_space<vmem>> -> memref<125xi32, #tpu.memory_space<vmem>>
        %dma_wait3A_153 = arith.constant 0 : i32
        %dma_wait3A_154 = arith.constant 0 : i32
        %dma_wait3A_155 = tpu.memref_slice %arg10[%dma_wait3A_153, %dma_wait3A_154] : memref<10000x128xf32, #tpu.memory_space<vmem_shared>> -> memref<10000x128xf32, #tpu.memory_space<vmem_shared>>
        tpu.wait_indirect_dma semaphore(%run_scoped3A_143 : memref<!tpu.dma_semaphore, #tpu.memory_space<semaphore_mem>>) src(%arg9 : memref<125x128xf32, #tpu.memory_space<vmem>>) dst(%dma_wait3A_155 : memref<10000x128xf32, #tpu.memory_space<vmem_shared>>)
        tpu.yield
      }) : () -> ()
      %scan3A_142 = arith.constant 0 : i32
      scf.yield %scan3A_142 : i32
    }
    %scan3A_44 = arith.constant 19 : i32
    %dma_wait3A = arith.constant 38 : i32
    %dma_wait3A_45 = arith.constant 0 : i32
    %dma_wait3A_46 = tpu.memref_slice %arg6[%dma_wait3A, %dma_wait3A_45] : memref<40x125xi32, #tpu.memory_space<vmem>> -> memref<1x125xi32, #tpu.memory_space<vmem>>
    %dma_wait3A_47 = tpu.memref_squeeze %dma_wait3A_46 : memref<1x125xi32, #tpu.memory_space<vmem>> -> memref<125xi32, #tpu.memory_space<vmem>>
    %dma_wait3A_48 = arith.constant 0 : i32
    %dma_wait3A_49 = arith.constant 0 : i32
    %dma_wait3A_50 = tpu.memref_slice %arg2[%dma_wait3A_48, %dma_wait3A_49] : memref<10000x128xf32, #tpu.memory_space<hbm>> -> memref<10000x128xf32, #tpu.memory_space<hbm>>
    tpu.wait_indirect_dma semaphore(%arg11 : memref<!tpu.dma_semaphore, #tpu.memory_space<semaphore_mem>>) src(%dma_wait3A_50 : memref<10000x128xf32, #tpu.memory_space<hbm>>) dst(%arg8 : memref<125x128xf32, #tpu.memory_space<vmem>>)
    %dma_start3A_51 = arith.constant 39 : i32
    %dma_start3A_52 = arith.constant 0 : i32
    %dma_start3A_53 = tpu.memref_slice %arg6[%dma_start3A_51, %dma_start3A_52] : memref<40x125xi32, #tpu.memory_space<vmem>> -> memref<1x125xi32, #tpu.memory_space<vmem>>
    %dma_start3A_54 = tpu.memref_squeeze %dma_start3A_53 : memref<1x125xi32, #tpu.memory_space<vmem>> -> memref<125xi32, #tpu.memory_space<vmem>>
    %dma_start3A_55 = arith.constant 0 : i32
    %dma_start3A_56 = arith.constant 0 : i32
    %dma_start3A_57 = tpu.memref_slice %arg2[%dma_start3A_55, %dma_start3A_56] : memref<10000x128xf32, #tpu.memory_space<hbm>> -> memref<10000x128xf32, #tpu.memory_space<hbm>>
    tpu.enqueue_indirect_dma source(%dma_start3A_57 : memref<10000x128xf32, #tpu.memory_space<hbm>>) target(%arg9 : memref<125x128xf32, #tpu.memory_space<vmem>>) offsets(%dma_start3A_54 : memref<125xi32, #tpu.memory_space<vmem>>) semaphore(%arg11 : memref<!tpu.dma_semaphore, #tpu.memory_space<semaphore_mem>>)
    %run_scoped3A = arith.constant 38 : i32
    "tpu.region"() ({
      %run_scoped3A_110 = tpu.sem_alloc : memref<!tpu.dma_semaphore, #tpu.memory_space<semaphore_mem>>
      %dma_start3A_111 = arith.constant 0 : i32
      %dma_start3A_112 = tpu.memref_slice %arg7[%run_scoped3A, %dma_start3A_111] : memref<40x125xi32, #tpu.memory_space<vmem>> -> memref<1x125xi32, #tpu.memory_space<vmem>>
      %dma_start3A_113 = tpu.memref_squeeze %dma_start3A_112 : memref<1x125xi32, #tpu.memory_space<vmem>> -> memref<125xi32, #tpu.memory_space<vmem>>
      %dma_start3A_114 = arith.constant 0 : i32
      %dma_start3A_115 = arith.constant 0 : i32
      %dma_start3A_116 = tpu.memref_slice %arg10[%dma_start3A_114, %dma_start3A_115] : memref<10000x128xf32, #tpu.memory_space<vmem_shared>> -> memref<10000x128xf32, #tpu.memory_space<vmem_shared>>
      tpu.enqueue_indirect_dma source(%arg8 : memref<125x128xf32, #tpu.memory_space<vmem>>) target(%dma_start3A_116 : memref<10000x128xf32, #tpu.memory_space<vmem_shared>>) offsets(%dma_start3A_113 : memref<125xi32, #tpu.memory_space<vmem>>) semaphore(%run_scoped3A_110 : memref<!tpu.dma_semaphore, #tpu.memory_space<semaphore_mem>>) {add = true}
      %dma_wait3A_117 = arith.constant 0 : i32
      %dma_wait3A_118 = tpu.memref_slice %arg7[%run_scoped3A, %dma_wait3A_117] : memref<40x125xi32, #tpu.memory_space<vmem>> -> memref<1x125xi32, #tpu.memory_space<vmem>>
      %dma_wait3A_119 = tpu.memref_squeeze %dma_wait3A_118 : memref<1x125xi32, #tpu.memory_space<vmem>> -> memref<125xi32, #tpu.memory_space<vmem>>
      %dma_wait3A_120 = arith.constant 0 : i32
      %dma_wait3A_121 = arith.constant 0 : i32
      %dma_wait3A_122 = tpu.memref_slice %arg10[%dma_wait3A_120, %dma_wait3A_121] : memref<10000x128xf32, #tpu.memory_space<vmem_shared>> -> memref<10000x128xf32, #tpu.memory_space<vmem_shared>>
      tpu.wait_indirect_dma semaphore(%run_scoped3A_110 : memref<!tpu.dma_semaphore, #tpu.memory_space<semaphore_mem>>) src(%arg8 : memref<125x128xf32, #tpu.memory_space<vmem>>) dst(%dma_wait3A_122 : memref<10000x128xf32, #tpu.memory_space<vmem_shared>>)
      tpu.yield
    }) : () -> ()
    %dma_wait3A_58 = arith.constant 39 : i32
    %dma_wait3A_59 = arith.constant 0 : i32
    %dma_wait3A_60 = tpu.memref_slice %arg6[%dma_wait3A_58, %dma_wait3A_59] : memref<40x125xi32, #tpu.memory_space<vmem>> -> memref<1x125xi32, #tpu.memory_space<vmem>>
    %dma_wait3A_61 = tpu.memref_squeeze %dma_wait3A_60 : memref<1x125xi32, #tpu.memory_space<vmem>> -> memref<125xi32, #tpu.memory_space<vmem>>
    %dma_wait3A_62 = arith.constant 0 : i32
    %dma_wait3A_63 = arith.constant 0 : i32
    %dma_wait3A_64 = tpu.memref_slice %arg2[%dma_wait3A_62, %dma_wait3A_63] : memref<10000x128xf32, #tpu.memory_space<hbm>> -> memref<10000x128xf32, #tpu.memory_space<hbm>>
    tpu.wait_indirect_dma semaphore(%arg11 : memref<!tpu.dma_semaphore, #tpu.memory_space<semaphore_mem>>) src(%dma_wait3A_64 : memref<10000x128xf32, #tpu.memory_space<hbm>>) dst(%arg9 : memref<125x128xf32, #tpu.memory_space<vmem>>)
    %run_scoped3A_65 = arith.constant 39 : i32
    "tpu.region"() ({
      %run_scoped3A_110 = tpu.sem_alloc : memref<!tpu.dma_semaphore, #tpu.memory_space<semaphore_mem>>
      %dma_start3A_111 = arith.constant 0 : i32
      %dma_start3A_112 = tpu.memref_slice %arg7[%run_scoped3A_65, %dma_start3A_111] : memref<40x125xi32, #tpu.memory_space<vmem>> -> memref<1x125xi32, #tpu.memory_space<vmem>>
      %dma_start3A_113 = tpu.memref_squeeze %dma_start3A_112 : memref<1x125xi32, #tpu.memory_space<vmem>> -> memref<125xi32, #tpu.memory_space<vmem>>
      %dma_start3A_114 = arith.constant 0 : i32
      %dma_start3A_115 = arith.constant 0 : i32
      %dma_start3A_116 = tpu.memref_slice %arg10[%dma_start3A_114, %dma_start3A_115] : memref<10000x128xf32, #tpu.memory_space<vmem_shared>> -> memref<10000x128xf32, #tpu.memory_space<vmem_shared>>
      tpu.enqueue_indirect_dma source(%arg9 : memref<125x128xf32, #tpu.memory_space<vmem>>) target(%dma_start3A_116 : memref<10000x128xf32, #tpu.memory_space<vmem_shared>>) offsets(%dma_start3A_113 : memref<125xi32, #tpu.memory_space<vmem>>) semaphore(%run_scoped3A_110 : memref<!tpu.dma_semaphore, #tpu.memory_space<semaphore_mem>>) {add = true}
      %dma_wait3A_117 = arith.constant 0 : i32
      %dma_wait3A_118 = tpu.memref_slice %arg7[%run_scoped3A_65, %dma_wait3A_117] : memref<40x125xi32, #tpu.memory_space<vmem>> -> memref<1x125xi32, #tpu.memory_space<vmem>>
      %dma_wait3A_119 = tpu.memref_squeeze %dma_wait3A_118 : memref<1x125xi32, #tpu.memory_space<vmem>> -> memref<125xi32, #tpu.memory_space<vmem>>
      %dma_wait3A_120 = arith.constant 0 : i32
      %dma_wait3A_121 = arith.constant 0 : i32
      %dma_wait3A_122 = tpu.memref_slice %arg10[%dma_wait3A_120, %dma_wait3A_121] : memref<10000x128xf32, #tpu.memory_space<vmem_shared>> -> memref<10000x128xf32, #tpu.memory_space<vmem_shared>>
      tpu.wait_indirect_dma semaphore(%run_scoped3A_110 : memref<!tpu.dma_semaphore, #tpu.memory_space<semaphore_mem>>) src(%arg9 : memref<125x128xf32, #tpu.memory_space<vmem>>) dst(%dma_wait3A_122 : memref<10000x128xf32, #tpu.memory_space<vmem_shared>>)
      tpu.yield
    }) : () -> ()
    %mul3A_66 = arith.constant 80 : i32
    %mul3A_67 = arith.muli %add3A, %mul3A_66 : i32
    %add3A_68 = arith.constant 40 : i32
    %add3A_69 = arith.addi %mul3A_67, %add3A_68 : i32
    "tpu.region"() ({
      %run_scoped3A_110 = tpu.sem_alloc : memref<!tpu.dma_semaphore, #tpu.memory_space<semaphore_mem>>
      %dma_start3A_111 = arith.constant 0 : i32
      %dma_start3A_112 = tpu.memref_slice %arg3[%add3A_69, %dma_start3A_111] : memref<2560x125xi32, #tpu.memory_space<hbm>> -> memref<40x125xi32, #tpu.memory_space<hbm>>
      %dma_start3A_113 = arith.constant 0 : i32
      %dma_start3A_114 = tpu.memref_slice %arg3[%add3A_69, %dma_start3A_113] : memref<2560x125xi32, #tpu.memory_space<hbm>> -> memref<40x125xi32, #tpu.memory_space<hbm>>
      tpu.enqueue_dma source(%dma_start3A_114 : memref<40x125xi32, #tpu.memory_space<hbm>>) target(%arg6 : memref<40x125xi32, #tpu.memory_space<vmem>>) target_semaphore(%run_scoped3A_110 : memref<!tpu.dma_semaphore, #tpu.memory_space<semaphore_mem>>)
      %dma_wait3A_115 = arith.constant 0 : i32
      %dma_wait3A_116 = tpu.memref_slice %arg3[%add3A_69, %dma_wait3A_115] : memref<2560x125xi32, #tpu.memory_space<hbm>> -> memref<40x125xi32, #tpu.memory_space<hbm>>
      %dma_wait3A_117 = arith.constant 0 : i32
      %dma_wait3A_118 = tpu.memref_slice %arg3[%add3A_69, %dma_wait3A_117] : memref<2560x125xi32, #tpu.memory_space<hbm>> -> memref<40x125xi32, #tpu.memory_space<hbm>>
      tpu.wait_dma2 semaphore(%run_scoped3A_110 : memref<!tpu.dma_semaphore, #tpu.memory_space<semaphore_mem>>) src(%dma_wait3A_118 : memref<40x125xi32, #tpu.memory_space<hbm>>) dst(%arg6 : memref<40x125xi32, #tpu.memory_space<vmem>>)
      tpu.yield
    }) : () -> ()
    "tpu.region"() ({
      %run_scoped3A_110 = tpu.sem_alloc : memref<!tpu.dma_semaphore, #tpu.memory_space<semaphore_mem>>
      %dma_start3A_111 = arith.constant 0 : i32
      %dma_start3A_112 = tpu.memref_slice %arg4[%add3A_69, %dma_start3A_111] : memref<2560x125xi32, #tpu.memory_space<hbm>> -> memref<40x125xi32, #tpu.memory_space<hbm>>
      %dma_start3A_113 = arith.constant 0 : i32
      %dma_start3A_114 = tpu.memref_slice %arg4[%add3A_69, %dma_start3A_113] : memref<2560x125xi32, #tpu.memory_space<hbm>> -> memref<40x125xi32, #tpu.memory_space<hbm>>
      tpu.enqueue_dma source(%dma_start3A_114 : memref<40x125xi32, #tpu.memory_space<hbm>>) target(%arg7 : memref<40x125xi32, #tpu.memory_space<vmem>>) target_semaphore(%run_scoped3A_110 : memref<!tpu.dma_semaphore, #tpu.memory_space<semaphore_mem>>)
      %dma_wait3A_115 = arith.constant 0 : i32
      %dma_wait3A_116 = tpu.memref_slice %arg4[%add3A_69, %dma_wait3A_115] : memref<2560x125xi32, #tpu.memory_space<hbm>> -> memref<40x125xi32, #tpu.memory_space<hbm>>
      %dma_wait3A_117 = arith.constant 0 : i32
      %dma_wait3A_118 = tpu.memref_slice %arg4[%add3A_69, %dma_wait3A_117] : memref<2560x125xi32, #tpu.memory_space<hbm>> -> memref<40x125xi32, #tpu.memory_space<hbm>>
      tpu.wait_dma2 semaphore(%run_scoped3A_110 : memref<!tpu.dma_semaphore, #tpu.memory_space<semaphore_mem>>) src(%dma_wait3A_118 : memref<40x125xi32, #tpu.memory_space<hbm>>) dst(%arg7 : memref<40x125xi32, #tpu.memory_space<vmem>>)
      tpu.yield
    }) : () -> ()
    %dma_start3A_70 = arith.constant 0 : i32
    %dma_start3A_71 = arith.constant 0 : i32
    %dma_start3A_72 = tpu.memref_slice %arg6[%dma_start3A_70, %dma_start3A_71] : memref<40x125xi32, #tpu.memory_space<vmem>> -> memref<1x125xi32, #tpu.memory_space<vmem>>
    %dma_start3A_73 = tpu.memref_squeeze %dma_start3A_72 : memref<1x125xi32, #tpu.memory_space<vmem>> -> memref<125xi32, #tpu.memory_space<vmem>>
    %dma_start3A_74 = arith.constant 0 : i32
    %dma_start3A_75 = arith.constant 0 : i32
    %dma_start3A_76 = tpu.memref_slice %arg2[%dma_start3A_74, %dma_start3A_75] : memref<10000x128xf32, #tpu.memory_space<hbm>> -> memref<10000x128xf32, #tpu.memory_space<hbm>>
    tpu.enqueue_indirect_dma source(%dma_start3A_76 : memref<10000x128xf32, #tpu.memory_space<hbm>>) target(%arg8 : memref<125x128xf32, #tpu.memory_space<vmem>>) offsets(%dma_start3A_73 : memref<125xi32, #tpu.memory_space<vmem>>) semaphore(%arg11 : memref<!tpu.dma_semaphore, #tpu.memory_space<semaphore_mem>>)
    %scan3A_77 = arith.constant 0 : i32
    %scan3A_78 = arith.constant 0 : i32
    %scan3A_79 = arith.constant 19 : i32
    %scan3A_80 = arith.addi %scan3A_78, %scan3A_79 : i32
    %scan3A_81 = arith.constant 1 : i32
    %scan3A_82 = scf.for %scan3A_110 = %scan3A_78 to %scan3A_80 step %scan3A_81 iter_args(%scan3A_111 = %scan3A_77) -> (i32)  : i32 {
      %mul3A_112 = arith.constant 2 : i32
      %mul3A_113 = arith.muli %mul3A_112, %scan3A_110 : i32
      %add3A_114 = arith.constant 1 : i32
      %add3A_115 = arith.addi %mul3A_113, %add3A_114 : i32
      %dma_wait3A_116 = arith.constant 0 : i32
      %dma_wait3A_117 = tpu.memref_slice %arg6[%mul3A_113, %dma_wait3A_116] : memref<40x125xi32, #tpu.memory_space<vmem>> -> memref<1x125xi32, #tpu.memory_space<vmem>>
      %dma_wait3A_118 = tpu.memref_squeeze %dma_wait3A_117 : memref<1x125xi32, #tpu.memory_space<vmem>> -> memref<125xi32, #tpu.memory_space<vmem>>
      %dma_wait3A_119 = arith.constant 0 : i32
      %dma_wait3A_120 = arith.constant 0 : i32
      %dma_wait3A_121 = tpu.memref_slice %arg2[%dma_wait3A_119, %dma_wait3A_120] : memref<10000x128xf32, #tpu.memory_space<hbm>> -> memref<10000x128xf32, #tpu.memory_space<hbm>>
      tpu.wait_indirect_dma semaphore(%arg11 : memref<!tpu.dma_semaphore, #tpu.memory_space<semaphore_mem>>) src(%dma_wait3A_121 : memref<10000x128xf32, #tpu.memory_space<hbm>>) dst(%arg8 : memref<125x128xf32, #tpu.memory_space<vmem>>)
      %dma_start3A_122 = arith.constant 0 : i32
      %dma_start3A_123 = tpu.memref_slice %arg6[%add3A_115, %dma_start3A_122] : memref<40x125xi32, #tpu.memory_space<vmem>> -> memref<1x125xi32, #tpu.memory_space<vmem>>
      %dma_start3A_124 = tpu.memref_squeeze %dma_start3A_123 : memref<1x125xi32, #tpu.memory_space<vmem>> -> memref<125xi32, #tpu.memory_space<vmem>>
      %dma_start3A_125 = arith.constant 0 : i32
      %dma_start3A_126 = arith.constant 0 : i32
      %dma_start3A_127 = tpu.memref_slice %arg2[%dma_start3A_125, %dma_start3A_126] : memref<10000x128xf32, #tpu.memory_space<hbm>> -> memref<10000x128xf32, #tpu.memory_space<hbm>>
      tpu.enqueue_indirect_dma source(%dma_start3A_127 : memref<10000x128xf32, #tpu.memory_space<hbm>>) target(%arg9 : memref<125x128xf32, #tpu.memory_space<vmem>>) offsets(%dma_start3A_124 : memref<125xi32, #tpu.memory_space<vmem>>) semaphore(%arg11 : memref<!tpu.dma_semaphore, #tpu.memory_space<semaphore_mem>>)
      "tpu.region"() ({
        %run_scoped3A_143 = tpu.sem_alloc : memref<!tpu.dma_semaphore, #tpu.memory_space<semaphore_mem>>
        %dma_start3A_144 = arith.constant 0 : i32
        %dma_start3A_145 = tpu.memref_slice %arg7[%mul3A_113, %dma_start3A_144] : memref<40x125xi32, #tpu.memory_space<vmem>> -> memref<1x125xi32, #tpu.memory_space<vmem>>
        %dma_start3A_146 = tpu.memref_squeeze %dma_start3A_145 : memref<1x125xi32, #tpu.memory_space<vmem>> -> memref<125xi32, #tpu.memory_space<vmem>>
        %dma_start3A_147 = arith.constant 0 : i32
        %dma_start3A_148 = arith.constant 0 : i32
        %dma_start3A_149 = tpu.memref_slice %arg10[%dma_start3A_147, %dma_start3A_148] : memref<10000x128xf32, #tpu.memory_space<vmem_shared>> -> memref<10000x128xf32, #tpu.memory_space<vmem_shared>>
        tpu.enqueue_indirect_dma source(%arg8 : memref<125x128xf32, #tpu.memory_space<vmem>>) target(%dma_start3A_149 : memref<10000x128xf32, #tpu.memory_space<vmem_shared>>) offsets(%dma_start3A_146 : memref<125xi32, #tpu.memory_space<vmem>>) semaphore(%run_scoped3A_143 : memref<!tpu.dma_semaphore, #tpu.memory_space<semaphore_mem>>) {add = true}
        %dma_wait3A_150 = arith.constant 0 : i32
        %dma_wait3A_151 = tpu.memref_slice %arg7[%mul3A_113, %dma_wait3A_150] : memref<40x125xi32, #tpu.memory_space<vmem>> -> memref<1x125xi32, #tpu.memory_space<vmem>>
        %dma_wait3A_152 = tpu.memref_squeeze %dma_wait3A_151 : memref<1x125xi32, #tpu.memory_space<vmem>> -> memref<125xi32, #tpu.memory_space<vmem>>
        %dma_wait3A_153 = arith.constant 0 : i32
        %dma_wait3A_154 = arith.constant 0 : i32
        %dma_wait3A_155 = tpu.memref_slice %arg10[%dma_wait3A_153, %dma_wait3A_154] : memref<10000x128xf32, #tpu.memory_space<vmem_shared>> -> memref<10000x128xf32, #tpu.memory_space<vmem_shared>>
        tpu.wait_indirect_dma semaphore(%run_scoped3A_143 : memref<!tpu.dma_semaphore, #tpu.memory_space<semaphore_mem>>) src(%arg8 : memref<125x128xf32, #tpu.memory_space<vmem>>) dst(%dma_wait3A_155 : memref<10000x128xf32, #tpu.memory_space<vmem_shared>>)
        tpu.yield
      }) : () -> ()
      %dma_wait3A_128 = arith.constant 0 : i32
      %dma_wait3A_129 = tpu.memref_slice %arg6[%add3A_115, %dma_wait3A_128] : memref<40x125xi32, #tpu.memory_space<vmem>> -> memref<1x125xi32, #tpu.memory_space<vmem>>
      %dma_wait3A_130 = tpu.memref_squeeze %dma_wait3A_129 : memref<1x125xi32, #tpu.memory_space<vmem>> -> memref<125xi32, #tpu.memory_space<vmem>>
      %dma_wait3A_131 = arith.constant 0 : i32
      %dma_wait3A_132 = arith.constant 0 : i32
      %dma_wait3A_133 = tpu.memref_slice %arg2[%dma_wait3A_131, %dma_wait3A_132] : memref<10000x128xf32, #tpu.memory_space<hbm>> -> memref<10000x128xf32, #tpu.memory_space<hbm>>
      tpu.wait_indirect_dma semaphore(%arg11 : memref<!tpu.dma_semaphore, #tpu.memory_space<semaphore_mem>>) src(%dma_wait3A_133 : memref<10000x128xf32, #tpu.memory_space<hbm>>) dst(%arg9 : memref<125x128xf32, #tpu.memory_space<vmem>>)
      %add3A_134 = arith.constant 1 : i32
      %add3A_135 = arith.addi %add3A_115, %add3A_134 : i32
      %dma_start3A_136 = arith.constant 0 : i32
      %dma_start3A_137 = tpu.memref_slice %arg6[%add3A_135, %dma_start3A_136] : memref<40x125xi32, #tpu.memory_space<vmem>> -> memref<1x125xi32, #tpu.memory_space<vmem>>
      %dma_start3A_138 = tpu.memref_squeeze %dma_start3A_137 : memref<1x125xi32, #tpu.memory_space<vmem>> -> memref<125xi32, #tpu.memory_space<vmem>>
      %dma_start3A_139 = arith.constant 0 : i32
      %dma_start3A_140 = arith.constant 0 : i32
      %dma_start3A_141 = tpu.memref_slice %arg2[%dma_start3A_139, %dma_start3A_140] : memref<10000x128xf32, #tpu.memory_space<hbm>> -> memref<10000x128xf32, #tpu.memory_space<hbm>>
      tpu.enqueue_indirect_dma source(%dma_start3A_141 : memref<10000x128xf32, #tpu.memory_space<hbm>>) target(%arg8 : memref<125x128xf32, #tpu.memory_space<vmem>>) offsets(%dma_start3A_138 : memref<125xi32, #tpu.memory_space<vmem>>) semaphore(%arg11 : memref<!tpu.dma_semaphore, #tpu.memory_space<semaphore_mem>>)
      "tpu.region"() ({
        %run_scoped3A_143 = tpu.sem_alloc : memref<!tpu.dma_semaphore, #tpu.memory_space<semaphore_mem>>
        %dma_start3A_144 = arith.constant 0 : i32
        %dma_start3A_145 = tpu.memref_slice %arg7[%add3A_115, %dma_start3A_144] : memref<40x125xi32, #tpu.memory_space<vmem>> -> memref<1x125xi32, #tpu.memory_space<vmem>>
        %dma_start3A_146 = tpu.memref_squeeze %dma_start3A_145 : memref<1x125xi32, #tpu.memory_space<vmem>> -> memref<125xi32, #tpu.memory_space<vmem>>
        %dma_start3A_147 = arith.constant 0 : i32
        %dma_start3A_148 = arith.constant 0 : i32
        %dma_start3A_149 = tpu.memref_slice %arg10[%dma_start3A_147, %dma_start3A_148] : memref<10000x128xf32, #tpu.memory_space<vmem_shared>> -> memref<10000x128xf32, #tpu.memory_space<vmem_shared>>
        tpu.enqueue_indirect_dma source(%arg9 : memref<125x128xf32, #tpu.memory_space<vmem>>) target(%dma_start3A_149 : memref<10000x128xf32, #tpu.memory_space<vmem_shared>>) offsets(%dma_start3A_146 : memref<125xi32, #tpu.memory_space<vmem>>) semaphore(%run_scoped3A_143 : memref<!tpu.dma_semaphore, #tpu.memory_space<semaphore_mem>>) {add = true}
        %dma_wait3A_150 = arith.constant 0 : i32
        %dma_wait3A_151 = tpu.memref_slice %arg7[%add3A_115, %dma_wait3A_150] : memref<40x125xi32, #tpu.memory_space<vmem>> -> memref<1x125xi32, #tpu.memory_space<vmem>>
        %dma_wait3A_152 = tpu.memref_squeeze %dma_wait3A_151 : memref<1x125xi32, #tpu.memory_space<vmem>> -> memref<125xi32, #tpu.memory_space<vmem>>
        %dma_wait3A_153 = arith.constant 0 : i32
        %dma_wait3A_154 = arith.constant 0 : i32
        %dma_wait3A_155 = tpu.memref_slice %arg10[%dma_wait3A_153, %dma_wait3A_154] : memref<10000x128xf32, #tpu.memory_space<vmem_shared>> -> memref<10000x128xf32, #tpu.memory_space<vmem_shared>>
        tpu.wait_indirect_dma semaphore(%run_scoped3A_143 : memref<!tpu.dma_semaphore, #tpu.memory_space<semaphore_mem>>) src(%arg9 : memref<125x128xf32, #tpu.memory_space<vmem>>) dst(%dma_wait3A_155 : memref<10000x128xf32, #tpu.memory_space<vmem_shared>>)
        tpu.yield
      }) : () -> ()
      %scan3A_142 = arith.constant 0 : i32
      scf.yield %scan3A_142 : i32
    }
    %scan3A_83 = arith.constant 19 : i32
    %dma_wait3A_84 = arith.constant 38 : i32
    %dma_wait3A_85 = arith.constant 0 : i32
    %dma_wait3A_86 = tpu.memref_slice %arg6[%dma_wait3A_84, %dma_wait3A_85] : memref<40x125xi32, #tpu.memory_space<vmem>> -> memref<1x125xi32, #tpu.memory_space<vmem>>
    %dma_wait3A_87 = tpu.memref_squeeze %dma_wait3A_86 : memref<1x125xi32, #tpu.memory_space<vmem>> -> memref<125xi32, #tpu.memory_space<vmem>>
    %dma_wait3A_88 = arith.constant 0 : i32
    %dma_wait3A_89 = arith.constant 0 : i32
    %dma_wait3A_90 = tpu.memref_slice %arg2[%dma_wait3A_88, %dma_wait3A_89] : memref<10000x128xf32, #tpu.memory_space<hbm>> -> memref<10000x128xf32, #tpu.memory_space<hbm>>
    tpu.wait_indirect_dma semaphore(%arg11 : memref<!tpu.dma_semaphore, #tpu.memory_space<semaphore_mem>>) src(%dma_wait3A_90 : memref<10000x128xf32, #tpu.memory_space<hbm>>) dst(%arg8 : memref<125x128xf32, #tpu.memory_space<vmem>>)
    %dma_start3A_91 = arith.constant 39 : i32
    %dma_start3A_92 = arith.constant 0 : i32
    %dma_start3A_93 = tpu.memref_slice %arg6[%dma_start3A_91, %dma_start3A_92] : memref<40x125xi32, #tpu.memory_space<vmem>> -> memref<1x125xi32, #tpu.memory_space<vmem>>
    %dma_start3A_94 = tpu.memref_squeeze %dma_start3A_93 : memref<1x125xi32, #tpu.memory_space<vmem>> -> memref<125xi32, #tpu.memory_space<vmem>>
    %dma_start3A_95 = arith.constant 0 : i32
    %dma_start3A_96 = arith.constant 0 : i32
    %dma_start3A_97 = tpu.memref_slice %arg2[%dma_start3A_95, %dma_start3A_96] : memref<10000x128xf32, #tpu.memory_space<hbm>> -> memref<10000x128xf32, #tpu.memory_space<hbm>>
    tpu.enqueue_indirect_dma source(%dma_start3A_97 : memref<10000x128xf32, #tpu.memory_space<hbm>>) target(%arg9 : memref<125x128xf32, #tpu.memory_space<vmem>>) offsets(%dma_start3A_94 : memref<125xi32, #tpu.memory_space<vmem>>) semaphore(%arg11 : memref<!tpu.dma_semaphore, #tpu.memory_space<semaphore_mem>>)
    %run_scoped3A_98 = arith.constant 38 : i32
    "tpu.region"() ({
      %run_scoped3A_110 = tpu.sem_alloc : memref<!tpu.dma_semaphore, #tpu.memory_space<semaphore_mem>>
      %dma_start3A_111 = arith.constant 0 : i32
      %dma_start3A_112 = tpu.memref_slice %arg7[%run_scoped3A_98, %dma_start3A_111] : memref<40x125xi32, #tpu.memory_space<vmem>> -> memref<1x125xi32, #tpu.memory_space<vmem>>
      %dma_start3A_113 = tpu.memref_squeeze %dma_start3A_112 : memref<1x125xi32, #tpu.memory_space<vmem>> -> memref<125xi32, #tpu.memory_space<vmem>>
      %dma_start3A_114 = arith.constant 0 : i32
      %dma_start3A_115 = arith.constant 0 : i32
      %dma_start3A_116 = tpu.memref_slice %arg10[%dma_start3A_114, %dma_start3A_115] : memref<10000x128xf32, #tpu.memory_space<vmem_shared>> -> memref<10000x128xf32, #tpu.memory_space<vmem_shared>>
      tpu.enqueue_indirect_dma source(%arg8 : memref<125x128xf32, #tpu.memory_space<vmem>>) target(%dma_start3A_116 : memref<10000x128xf32, #tpu.memory_space<vmem_shared>>) offsets(%dma_start3A_113 : memref<125xi32, #tpu.memory_space<vmem>>) semaphore(%run_scoped3A_110 : memref<!tpu.dma_semaphore, #tpu.memory_space<semaphore_mem>>) {add = true}
      %dma_wait3A_117 = arith.constant 0 : i32
      %dma_wait3A_118 = tpu.memref_slice %arg7[%run_scoped3A_98, %dma_wait3A_117] : memref<40x125xi32, #tpu.memory_space<vmem>> -> memref<1x125xi32, #tpu.memory_space<vmem>>
      %dma_wait3A_119 = tpu.memref_squeeze %dma_wait3A_118 : memref<1x125xi32, #tpu.memory_space<vmem>> -> memref<125xi32, #tpu.memory_space<vmem>>
      %dma_wait3A_120 = arith.constant 0 : i32
      %dma_wait3A_121 = arith.constant 0 : i32
      %dma_wait3A_122 = tpu.memref_slice %arg10[%dma_wait3A_120, %dma_wait3A_121] : memref<10000x128xf32, #tpu.memory_space<vmem_shared>> -> memref<10000x128xf32, #tpu.memory_space<vmem_shared>>
      tpu.wait_indirect_dma semaphore(%run_scoped3A_110 : memref<!tpu.dma_semaphore, #tpu.memory_space<semaphore_mem>>) src(%arg8 : memref<125x128xf32, #tpu.memory_space<vmem>>) dst(%dma_wait3A_122 : memref<10000x128xf32, #tpu.memory_space<vmem_shared>>)
      tpu.yield
    }) : () -> ()
    %dma_wait3A_99 = arith.constant 39 : i32
    %dma_wait3A_100 = arith.constant 0 : i32
    %dma_wait3A_101 = tpu.memref_slice %arg6[%dma_wait3A_99, %dma_wait3A_100] : memref<40x125xi32, #tpu.memory_space<vmem>> -> memref<1x125xi32, #tpu.memory_space<vmem>>
    %dma_wait3A_102 = tpu.memref_squeeze %dma_wait3A_101 : memref<1x125xi32, #tpu.memory_space<vmem>> -> memref<125xi32, #tpu.memory_space<vmem>>
    %dma_wait3A_103 = arith.constant 0 : i32
    %dma_wait3A_104 = arith.constant 0 : i32
    %dma_wait3A_105 = tpu.memref_slice %arg2[%dma_wait3A_103, %dma_wait3A_104] : memref<10000x128xf32, #tpu.memory_space<hbm>> -> memref<10000x128xf32, #tpu.memory_space<hbm>>
    tpu.wait_indirect_dma semaphore(%arg11 : memref<!tpu.dma_semaphore, #tpu.memory_space<semaphore_mem>>) src(%dma_wait3A_105 : memref<10000x128xf32, #tpu.memory_space<hbm>>) dst(%arg9 : memref<125x128xf32, #tpu.memory_space<vmem>>)
    %run_scoped3A_106 = arith.constant 39 : i32
    "tpu.region"() ({
      %run_scoped3A_110 = tpu.sem_alloc : memref<!tpu.dma_semaphore, #tpu.memory_space<semaphore_mem>>
      %dma_start3A_111 = arith.constant 0 : i32
      %dma_start3A_112 = tpu.memref_slice %arg7[%run_scoped3A_106, %dma_start3A_111] : memref<40x125xi32, #tpu.memory_space<vmem>> -> memref<1x125xi32, #tpu.memory_space<vmem>>
      %dma_start3A_113 = tpu.memref_squeeze %dma_start3A_112 : memref<1x125xi32, #tpu.memory_space<vmem>> -> memref<125xi32, #tpu.memory_space<vmem>>
      %dma_start3A_114 = arith.constant 0 : i32
      %dma_start3A_115 = arith.constant 0 : i32
      %dma_start3A_116 = tpu.memref_slice %arg10[%dma_start3A_114, %dma_start3A_115] : memref<10000x128xf32, #tpu.memory_space<vmem_shared>> -> memref<10000x128xf32, #tpu.memory_space<vmem_shared>>
      tpu.enqueue_indirect_dma source(%arg9 : memref<125x128xf32, #tpu.memory_space<vmem>>) target(%dma_start3A_116 : memref<10000x128xf32, #tpu.memory_space<vmem_shared>>) offsets(%dma_start3A_113 : memref<125xi32, #tpu.memory_space<vmem>>) semaphore(%run_scoped3A_110 : memref<!tpu.dma_semaphore, #tpu.memory_space<semaphore_mem>>) {add = true}
      %dma_wait3A_117 = arith.constant 0 : i32
      %dma_wait3A_118 = tpu.memref_slice %arg7[%run_scoped3A_106, %dma_wait3A_117] : memref<40x125xi32, #tpu.memory_space<vmem>> -> memref<1x125xi32, #tpu.memory_space<vmem>>
      %dma_wait3A_119 = tpu.memref_squeeze %dma_wait3A_118 : memref<1x125xi32, #tpu.memory_space<vmem>> -> memref<125xi32, #tpu.memory_space<vmem>>
      %dma_wait3A_120 = arith.constant 0 : i32
      %dma_wait3A_121 = arith.constant 0 : i32
      %dma_wait3A_122 = tpu.memref_slice %arg10[%dma_wait3A_120, %dma_wait3A_121] : memref<10000x128xf32, #tpu.memory_space<vmem_shared>> -> memref<10000x128xf32, #tpu.memory_space<vmem_shared>>
      tpu.wait_indirect_dma semaphore(%run_scoped3A_110 : memref<!tpu.dma_semaphore, #tpu.memory_space<semaphore_mem>>) src(%arg9 : memref<125x128xf32, #tpu.memory_space<vmem>>) dst(%dma_wait3A_122 : memref<10000x128xf32, #tpu.memory_space<vmem_shared>>)
      tpu.yield
    }) : () -> ()
    %barrier3A_107 = arith.constant 0 : index
    tpu.barrier barrier_id(%barrier3A_107)
    %mul3A_108 = arith.constant 625 : i32
    %mul3A_109 = arith.muli %arg1, %mul3A_108 : i32
    "tpu.region"() ({
      %run_scoped3A_110 = tpu.sem_alloc : memref<!tpu.dma_semaphore, #tpu.memory_space<semaphore_mem>>
      %dma_start3A_111 = arith.constant 0 : i32
      %dma_start3A_112 = tpu.memref_slice %arg5[%arg0, %mul3A_109, %dma_start3A_111] : memref<2x10000x128xf32, #tpu.memory_space<hbm>> -> memref<1x625x128xf32, #tpu.memory_space<hbm>>
      %dma_start3A_113 = tpu.memref_squeeze %dma_start3A_112 : memref<1x625x128xf32, #tpu.memory_space<hbm>> -> memref<625x128xf32, #tpu.memory_space<hbm>>
      %dma_start3A_114 = arith.constant 0 : i32
      %dma_start3A_115 = tpu.memref_slice %arg10[%mul3A_109, %dma_start3A_114] : memref<10000x128xf32, #tpu.memory_space<vmem_shared>> -> memref<625x128xf32, #tpu.memory_space<vmem_shared>>
      tpu.enqueue_dma source(%dma_start3A_115 : memref<625x128xf32, #tpu.memory_space<vmem_shared>>) target(%dma_start3A_113 : memref<625x128xf32, #tpu.memory_space<hbm>>) target_semaphore(%run_scoped3A_110 : memref<!tpu.dma_semaphore, #tpu.memory_space<semaphore_mem>>)
      %dma_wait3A_116 = arith.constant 0 : i32
      %dma_wait3A_117 = tpu.memref_slice %arg5[%arg0, %mul3A_109, %dma_wait3A_116] : memref<2x10000x128xf32, #tpu.memory_space<hbm>> -> memref<1x625x128xf32, #tpu.memory_space<hbm>>
      %dma_wait3A_118 = tpu.memref_squeeze %dma_wait3A_117 : memref<1x625x128xf32, #tpu.memory_space<hbm>> -> memref<625x128xf32, #tpu.memory_space<hbm>>
      %dma_wait3A_119 = arith.constant 0 : i32
      %dma_wait3A_120 = tpu.memref_slice %arg10[%mul3A_109, %dma_wait3A_119] : memref<10000x128xf32, #tpu.memory_space<vmem_shared>> -> memref<625x128xf32, #tpu.memory_space<vmem_shared>>
      tpu.wait_dma2 semaphore(%run_scoped3A_110 : memref<!tpu.dma_semaphore, #tpu.memory_space<semaphore_mem>>) src(%dma_wait3A_120 : memref<625x128xf32, #tpu.memory_space<vmem_shared>>) dst(%dma_wait3A_118 : memref<625x128xf32, #tpu.memory_space<hbm>>)
      tpu.yield
    }) : () -> ()
    return
  }
}

module attributes {stable_mosaic.version = 14 : i64} {
  func.func @_scale_body(%arg0: i32, %arg1: memref<1000x128xf32, #tpu.memory_space<vmem>>, %arg2: memref<2x1000x16xf32, #tpu.memory_space<vmem>>, %arg3: memref<1000x128xf32, #tpu.memory_space<vmem>>) attributes {dimension_semantics = [#tpu.dimension_semantics<arbitrary>], iteration_bounds = array<i64: 10>, scalar_prefetch = 0 : i64, scratch_operands = 0 : i64, tpu.core_type = #tpu.core_type<tc>, window_params = [{transform_indices = @transform_0, window_bounds = array<i64: 1000, 128>}, {transform_indices = @transform_1, window_bounds = array<i64: 2, 1000, 16>}, {transform_indices = @transform_2, window_bounds = array<i64: 1000, 128>}]} {
    %get3A = arith.constant 0 : index
    %get3A_0 = arith.constant 0 : index
    %get3A_1 = vector.load %arg1[%get3A, %get3A_0] : memref<1000x128xf32, #tpu.memory_space<vmem>>, vector<1000x128xf32>
    %get3A_2 = arith.constant 0 : index
    %get3A_3 = arith.constant 0 : index
    %get3A_4 = arith.constant 0 : index
    %get3A_5 = vector.load %arg2[%get3A_2, %get3A_3, %get3A_4] : memref<2x1000x16xf32, #tpu.memory_space<vmem>>, vector<1x1000x1xf32>
    %get3A_6 = vector.shape_cast %get3A_5 : vector<1x1000x1xf32> to vector<1000x1xf32>
    %get3A_7 = arith.constant 1 : index
    %get3A_8 = arith.constant 0 : index
    %get3A_9 = arith.constant 0 : index
    %get3A_10 = vector.load %arg2[%get3A_7, %get3A_8, %get3A_9] : memref<2x1000x16xf32, #tpu.memory_space<vmem>>, vector<1x1000x1xf32>
    %get3A_11 = vector.shape_cast %get3A_10 : vector<1x1000x1xf32> to vector<1000x1xf32>
    %add3A = arith.addf %get3A_6, %get3A_11 : vector<1000x1xf32>
    %max3A = arith.constant 1.000000e+00 : f32
    %max3A_12 = vector.broadcast %max3A : f32 to vector<1000x1xf32>
    %max3A_13 = arith.maximumf %add3A, %max3A_12 : vector<1000x1xf32>
    %rsqrt3A = math.rsqrt %max3A_13 : vector<1000x1xf32>
    %mul3A = vector.broadcast %rsqrt3A : vector<1000x1xf32> to vector<1000x128xf32>
    %mul3A_14 = arith.mulf %get3A_1, %mul3A : vector<1000x128xf32>
    %swap3A = arith.constant 0 : index
    %swap3A_15 = arith.constant 0 : index
    %swap3A_16 = vector.load %arg3[%swap3A, %swap3A_15] : memref<1000x128xf32, #tpu.memory_space<vmem>>, vector<1000x128xf32>
    tpu.vector_store %arg3[%swap3A, %swap3A_15], %mul3A_14 {strides = array<i32>} : memref<1000x128xf32, #tpu.memory_space<vmem>>, vector<1000x128xf32>,
    return
  }
  func.func @transform_0(%arg0: i32) -> (i32, i32) {
    %c0_i32 = arith.constant 0 : i32
    %c0_i32_0 = arith.constant 0 : i32
    return %arg0, %c0_i32 : i32, i32
  }
  func.func @transform_1(%arg0: i32) -> (i32, i32, i32) {
    %c0_i32 = arith.constant 0 : i32
    %c0_i32_0 = arith.constant 0 : i32
    %c0_i32_1 = arith.constant 0 : i32
    return %c0_i32, %arg0, %c0_i32_0 : i32, i32, i32
  }
  func.func @transform_2(%arg0: i32) -> (i32, i32) {
    %c0_i32 = arith.constant 0 : i32
    %c0_i32_0 = arith.constant 0 : i32
    return %arg0, %c0_i32 : i32, i32
  }
}

module attributes {stable_mosaic.version = 14 : i64} {
  func.func @_mid_body(%arg0: i32, %arg1: memref<2x1000x128xf32, #tpu.memory_space<vmem>>, %arg2: memref<2x1000x16xf32, #tpu.memory_space<vmem>>, %arg3: memref<128x128xf32, #tpu.memory_space<vmem>>, %arg4: memref<1x128xf32, #tpu.memory_space<vmem>>, %arg5: memref<128x64xf32, #tpu.memory_space<vmem>>, %arg6: memref<1000x64xf32, #tpu.memory_space<vmem>>) attributes {dimension_semantics = [#tpu.dimension_semantics<arbitrary>], iteration_bounds = array<i64: 10>, scalar_prefetch = 0 : i64, scratch_operands = 0 : i64, tpu.core_type = #tpu.core_type<tc>, window_params = [{transform_indices = @transform_0, window_bounds = array<i64: 2, 1000, 128>}, {transform_indices = @transform_1, window_bounds = array<i64: 2, 1000, 16>}, {pipeline_mode = #tpu.pipeline_mode<synchronous>, transform_indices = @transform_2, window_bounds = array<i64: 128, 128>}, {pipeline_mode = #tpu.pipeline_mode<synchronous>, transform_indices = @transform_3, window_bounds = array<i64: 1, 128>}, {pipeline_mode = #tpu.pipeline_mode<synchronous>, transform_indices = @transform_4, window_bounds = array<i64: 128, 64>}, {transform_indices = @transform_5, window_bounds = array<i64: 1000, 64>}]} {
    %get3A = arith.constant 0 : index
    %get3A_0 = arith.constant 0 : index
    %get3A_1 = arith.constant 8 : index
    %get3A_2 = vector.load %arg2[%get3A, %get3A_0, %get3A_1] : memref<2x1000x16xf32, #tpu.memory_space<vmem>>, vector<1x1000x1xf32>
    %get3A_3 = vector.shape_cast %get3A_2 : vector<1x1000x1xf32> to vector<1000x1xf32>
    %get3A_4 = arith.constant 1 : index
    %get3A_5 = arith.constant 0 : index
    %get3A_6 = arith.constant 8 : index
    %get3A_7 = vector.load %arg2[%get3A_4, %get3A_5, %get3A_6] : memref<2x1000x16xf32, #tpu.memory_space<vmem>>, vector<1x1000x1xf32>
    %get3A_8 = vector.shape_cast %get3A_7 : vector<1x1000x1xf32> to vector<1000x1xf32>
    %add3A = arith.addf %get3A_3, %get3A_8 : vector<1000x1xf32>
    %max3A = arith.constant 1.000000e+00 : f32
    %max3A_9 = vector.broadcast %max3A : f32 to vector<1000x1xf32>
    %max3A_10 = arith.maximumf %add3A, %max3A_9 : vector<1000x1xf32>
    %rsqrt3A = math.rsqrt %max3A_10 : vector<1000x1xf32>
    %get3A_11 = arith.constant 0 : index
    %get3A_12 = arith.constant 0 : index
    %get3A_13 = arith.constant 0 : index
    %get3A_14 = vector.load %arg2[%get3A_11, %get3A_12, %get3A_13] : memref<2x1000x16xf32, #tpu.memory_space<vmem>>, vector<1x1000x1xf32>
    %get3A_15 = vector.shape_cast %get3A_14 : vector<1x1000x1xf32> to vector<1000x1xf32>
    %get3A_16 = arith.constant 1 : index
    %get3A_17 = arith.constant 0 : index
    %get3A_18 = arith.constant 0 : index
    %get3A_19 = vector.load %arg2[%get3A_16, %get3A_17, %get3A_18] : memref<2x1000x16xf32, #tpu.memory_space<vmem>>, vector<1x1000x1xf32>
    %get3A_20 = vector.shape_cast %get3A_19 : vector<1x1000x1xf32> to vector<1000x1xf32>
    %add3A_21 = arith.addf %get3A_15, %get3A_20 : vector<1000x1xf32>
    %max3A_22 = arith.constant 1.000000e+00 : f32
    %max3A_23 = vector.broadcast %max3A_22 : f32 to vector<1000x1xf32>
    %max3A_24 = arith.maximumf %add3A_21, %max3A_23 : vector<1000x1xf32>
    %rsqrt3A_25 = math.rsqrt %max3A_24 : vector<1000x1xf32>
    %get3A_26 = arith.constant 0 : index
    %get3A_27 = arith.constant 0 : index
    %get3A_28 = arith.constant 0 : index
    %get3A_29 = vector.load %arg1[%get3A_26, %get3A_27, %get3A_28] : memref<2x1000x128xf32, #tpu.memory_space<vmem>>, vector<1x1000x128xf32>
    %get3A_30 = vector.shape_cast %get3A_29 : vector<1x1000x128xf32> to vector<1000x128xf32>
    %get3A_31 = arith.constant 1 : index
    %get3A_32 = arith.constant 0 : index
    %get3A_33 = arith.constant 0 : index
    %get3A_34 = vector.load %arg1[%get3A_31, %get3A_32, %get3A_33] : memref<2x1000x128xf32, #tpu.memory_space<vmem>>, vector<1x1000x128xf32>
    %get3A_35 = vector.shape_cast %get3A_34 : vector<1x1000x128xf32> to vector<1000x128xf32>
    %add3A_36 = arith.addf %get3A_30, %get3A_35 : vector<1000x128xf32>
    %mul3A = vector.broadcast %rsqrt3A : vector<1000x1xf32> to vector<1000x128xf32>
    %mul3A_37 = arith.mulf %add3A_36, %mul3A : vector<1000x128xf32>
    %get3A_38 = arith.constant 0 : index
    %get3A_39 = arith.constant 0 : index
    %get3A_40 = vector.load %arg3[%get3A_38, %get3A_39] : memref<128x128xf32, #tpu.memory_space<vmem>>, vector<128x128xf32>
    %dot_general3A = arith.constant dense<0.000000e+00> : vector<1000x128xf32>
    %dot_general3A_41 = tpu.matmul %mul3A_37, %get3A_40, %dot_general3A {dimension_numbers = #tpu.dot_dimension_numbers<[1], [0], [0], [1], [0, 0, 1, 1], [], []>, transpose_lhs_hint = false} : vector<1000x128xf32>, vector<128x128xf32>, vector<1000x128xf32> -> vector<1000x128xf32>
    %get3A_42 = arith.constant 0 : index
    %get3A_43 = arith.constant 0 : index
    %get3A_44 = vector.load %arg4[%get3A_42, %get3A_43] : memref<1x128xf32, #tpu.memory_space<vmem>>, vector<1x128xf32>
    %add3A_45 = vector.broadcast %get3A_44 : vector<1x128xf32> to vector<1000x128xf32>
    %add3A_46 = arith.addf %dot_general3A_41, %add3A_45 : vector<1000x128xf32>
    %max3A_47 = arith.constant 0.000000e+00 : f32
    %max3A_48 = vector.broadcast %max3A_47 : f32 to vector<1000x128xf32>
    %max3A_49 = arith.maximumf %add3A_46, %max3A_48 : vector<1000x128xf32>
    %mul3A_50 = vector.broadcast %rsqrt3A_25 : vector<1000x1xf32> to vector<1000x128xf32>
    %mul3A_51 = arith.mulf %max3A_49, %mul3A_50 : vector<1000x128xf32>
    %get3A_52 = arith.constant 0 : index
    %get3A_53 = arith.constant 0 : index
    %get3A_54 = vector.load %arg5[%get3A_52, %get3A_53] : memref<128x64xf32, #tpu.memory_space<vmem>>, vector<128x64xf32>
    %dot_general3A_55 = arith.constant dense<0.000000e+00> : vector<1000x64xf32>
    %dot_general3A_56 = tpu.matmul %mul3A_51, %get3A_54, %dot_general3A_55 {dimension_numbers = #tpu.dot_dimension_numbers<[1], [0], [0], [1], [0, 0, 1, 1], [], []>, transpose_lhs_hint = false} : vector<1000x128xf32>, vector<128x64xf32>, vector<1000x64xf32> -> vector<1000x64xf32>
    %swap3A = arith.constant 0 : index
    %swap3A_57 = arith.constant 0 : index
    %swap3A_58 = vector.load %arg6[%swap3A, %swap3A_57] : memref<1000x64xf32, #tpu.memory_space<vmem>>, vector<1000x64xf32>
    tpu.vector_store %arg6[%swap3A, %swap3A_57], %dot_general3A_56 {strides = array<i32>} : memref<1000x64xf32, #tpu.memory_space<vmem>>, vector<1000x64xf32>,
    return
  }
  func.func @transform_0(%arg0: i32) -> (i32, i32, i32) {
    %c0_i32 = arith.constant 0 : i32
    %c0_i32_0 = arith.constant 0 : i32
    %c0_i32_1 = arith.constant 0 : i32
    return %c0_i32, %arg0, %c0_i32_0 : i32, i32, i32
  }
  func.func @transform_1(%arg0: i32) -> (i32, i32, i32) {
    %c0_i32 = arith.constant 0 : i32
    %c0_i32_0 = arith.constant 0 : i32
    %c0_i32_1 = arith.constant 0 : i32
    return %c0_i32, %arg0, %c0_i32_0 : i32, i32, i32
  }
  func.func @transform_2(%arg0: i32) -> (i32, i32) {
    %c0_i32 = arith.constant 0 : i32
    %c0_i32_0 = arith.constant 0 : i32
    %c0_i32_1 = arith.constant 0 : i32
    return %c0_i32, %c0_i32_0 : i32, i32
  }
  func.func @transform_3(%arg0: i32) -> (i32, i32) {
    %c0_i32 = arith.constant 0 : i32
    %c0_i32_0 = arith.constant 0 : i32
    %c0_i32_1 = arith.constant 0 : i32
    return %c0_i32, %c0_i32_0 : i32, i32
  }
  func.func @transform_4(%arg0: i32) -> (i32, i32) {
    %c0_i32 = arith.constant 0 : i32
    %c0_i32_0 = arith.constant 0 : i32
    %c0_i32_1 = arith.constant 0 : i32
    return %c0_i32, %c0_i32_0 : i32, i32
  }
  func.func @transform_5(%arg0: i32) -> (i32, i32) {
    %c0_i32 = arith.constant 0 : i32
    %c0_i32_0 = arith.constant 0 : i32
    return %arg0, %c0_i32 : i32, i32
  }
}

module attributes {stable_mosaic.version = 14 : i64} {
  func.func @_out_body(%arg0: i32, %arg1: memref<2x1000x64xf32, #tpu.memory_space<vmem>>, %arg2: memref<2x1000x16xf32, #tpu.memory_space<vmem>>, %arg3: memref<1x64xf32, #tpu.memory_space<vmem>>, %arg4: memref<1000x64xf32, #tpu.memory_space<vmem>>) attributes {dimension_semantics = [#tpu.dimension_semantics<arbitrary>], iteration_bounds = array<i64: 10>, scalar_prefetch = 0 : i64, scratch_operands = 0 : i64, tpu.core_type = #tpu.core_type<tc>, window_params = [{transform_indices = @transform_0, window_bounds = array<i64: 2, 1000, 64>}, {transform_indices = @transform_1, window_bounds = array<i64: 2, 1000, 16>}, {pipeline_mode = #tpu.pipeline_mode<synchronous>, transform_indices = @transform_2, window_bounds = array<i64: 1, 64>}, {transform_indices = @transform_3, window_bounds = array<i64: 1000, 64>}]} {
    %get3A = arith.constant 0 : index
    %get3A_0 = arith.constant 0 : index
    %get3A_1 = arith.constant 0 : index
    %get3A_2 = vector.load %arg1[%get3A, %get3A_0, %get3A_1] : memref<2x1000x64xf32, #tpu.memory_space<vmem>>, vector<1x1000x64xf32>
    %get3A_3 = vector.shape_cast %get3A_2 : vector<1x1000x64xf32> to vector<1000x64xf32>
    %get3A_4 = arith.constant 1 : index
    %get3A_5 = arith.constant 0 : index
    %get3A_6 = arith.constant 0 : index
    %get3A_7 = vector.load %arg1[%get3A_4, %get3A_5, %get3A_6] : memref<2x1000x64xf32, #tpu.memory_space<vmem>>, vector<1x1000x64xf32>
    %get3A_8 = vector.shape_cast %get3A_7 : vector<1x1000x64xf32> to vector<1000x64xf32>
    %add3A = arith.addf %get3A_3, %get3A_8 : vector<1000x64xf32>
    %get3A_9 = arith.constant 0 : index
    %get3A_10 = arith.constant 0 : index
    %get3A_11 = arith.constant 8 : index
    %get3A_12 = vector.load %arg2[%get3A_9, %get3A_10, %get3A_11] : memref<2x1000x16xf32, #tpu.memory_space<vmem>>, vector<1x1000x1xf32>
    %get3A_13 = vector.shape_cast %get3A_12 : vector<1x1000x1xf32> to vector<1000x1xf32>
    %get3A_14 = arith.constant 1 : index
    %get3A_15 = arith.constant 0 : index
    %get3A_16 = arith.constant 8 : index
    %get3A_17 = vector.load %arg2[%get3A_14, %get3A_15, %get3A_16] : memref<2x1000x16xf32, #tpu.memory_space<vmem>>, vector<1x1000x1xf32>
    %get3A_18 = vector.shape_cast %get3A_17 : vector<1x1000x1xf32> to vector<1000x1xf32>
    %add3A_19 = arith.addf %get3A_13, %get3A_18 : vector<1000x1xf32>
    %max3A = arith.constant 1.000000e+00 : f32
    %max3A_20 = vector.broadcast %max3A : f32 to vector<1000x1xf32>
    %max3A_21 = arith.maximumf %add3A_19, %max3A_20 : vector<1000x1xf32>
    %rsqrt3A = math.rsqrt %max3A_21 : vector<1000x1xf32>
    %mul3A = vector.broadcast %rsqrt3A : vector<1000x1xf32> to vector<1000x64xf32>
    %mul3A_22 = arith.mulf %add3A, %mul3A : vector<1000x64xf32>
    %get3A_23 = arith.constant 0 : index
    %get3A_24 = arith.constant 0 : index
    %get3A_25 = vector.load %arg3[%get3A_23, %get3A_24] : memref<1x64xf32, #tpu.memory_space<vmem>>, vector<1x64xf32>
    %add3A_26 = vector.broadcast %get3A_25 : vector<1x64xf32> to vector<1000x64xf32>
    %add3A_27 = arith.addf %mul3A_22, %add3A_26 : vector<1000x64xf32>
    %swap3A = arith.constant 0 : index
    %swap3A_28 = arith.constant 0 : index
    %swap3A_29 = vector.load %arg4[%swap3A, %swap3A_28] : memref<1000x64xf32, #tpu.memory_space<vmem>>, vector<1000x64xf32>
    tpu.vector_store %arg4[%swap3A, %swap3A_28], %add3A_27 {strides = array<i32>} : memref<1000x64xf32, #tpu.memory_space<vmem>>, vector<1000x64xf32>,
    return
  }
  func.func @transform_0(%arg0: i32) -> (i32, i32, i32) {
    %c0_i32 = arith.constant 0 : i32
    %c0_i32_0 = arith.constant 0 : i32
    %c0_i32_1 = arith.constant 0 : i32
    return %c0_i32, %arg0, %c0_i32_0 : i32, i32, i32
  }
  func.func @transform_1(%arg0: i32) -> (i32, i32, i32) {
    %c0_i32 = arith.constant 0 : i32
    %c0_i32_0 = arith.constant 0 : i32
    %c0_i32_1 = arith.constant 0 : i32
    return %c0_i32, %arg0, %c0_i32_0 : i32, i32, i32
  }
  func.func @transform_2(%arg0: i32) -> (i32, i32) {
    %c0_i32 = arith.constant 0 : i32
    %c0_i32_0 = arith.constant 0 : i32
    %c0_i32_1 = arith.constant 0 : i32
    return %c0_i32, %c0_i32_0 : i32, i32
  }
  func.func @transform_3(%arg0: i32) -> (i32, i32) {
    %c0_i32 = arith.constant 0 : i32
    %c0_i32_0 = arith.constant 0 : i32
    return %arg0, %c0_i32 : i32, i32
  }
}

</mosaic_0001>

<sc_bundles>
// kernel: kernel.11.cloned.1.call-start
scs
__scs_entry_jumppad:
0x0: {  	(pc) =	sbr.rel $0x88, $3  }
0x1: {  	(tag) =	ssettag $0x0;
	lr =	simm.s32 $0x1  }
0x2: {  	[smem:$0x3F9B] =	sst lr;
	_ =	strace $0xD0000000  }
0x3: {  	_ = 	snop  }
0x4: {  	_ = 	snop  }
0x5: {  	_ = 	snop  }
0x6: {  	_ = 	snop  }
0x7: {  	_ = 	snop  }
__scs_overlays_trampoline_lowered:
0x8: {  	[smem:$0x3FAA] =	sst s0  }
0x9: {  	[smem:$0x3FAB] =	sst s1  }
0xa: {  	[smem:$0x3FAC] =	sst s2  }
0xb: {  	[smem:$0x3FAD] =	sst s3  }
0xc: {  	[smem:$0x3FAE] =	sst s4  }
0xd: {  	[smem:$0x3FAF] =	sst s5  }
0xe: {  	[smem:$0x3FB0] =	sst s6  }
0xf: {  	[smem:$0x3FB1] =	sst s7  }
0x10: {  	[smem:$0x3FB2] =	sst s8  }
0x11: {  	[smem:$0x3FB3] =	sst s9;
	s0 =	simm.s32 @!p0 $0x0  }
0x12: {  	s1 =	sld [smem:$0x3F99];
	s0 =	simm.s32 @p0 $0x1  }
0x13: {  	[smem:$0x3FB4] =	sst s0;
	s0 =	simm.s32 @!p1 $0x0  }
0x14: {  	s2 =	sld [smem:$0x3F98];
	s0 =	simm.s32 @p1 $0x1  }
0x15: {  	[smem:$0x3FB5] =	sst s0;
	s0 =	simm.s32 @!p2 $0x0  }
0x16: {  	s3 =	sld [smem:$0x3FDB];
	s0 =	simm.s32 @p2 $0x1  }
0x17: {  	s4 =	simm.s32 $0x1BF5;
	[smem:$0x3FB7] =	sst s0  }
0x18: {  	s0 =	sld [smem:$0x3F9A];
	_ =	swait.ge [sflag:s4], $0x0  }
0x19: {  	s7 =	sld [smem:$0x3F9B]  }
0x1a: {  	s8 =	sadd.s32 $0xFFFFE003, lr  }
0x1b: {  	s9 =	sadd.s32 $0xFFFFFEF7, lr;
	s5 =	simm.s32 $0xFFFFFFFF;
	p2 =	slt.u32 s8, $0xFFFFF086  }
0x1c: {  	p1 =	slt.u32 s9, $0xF7A;
	s5 =	simm.s32 @!p2 $0x0  }
0x1d: {  	s5 =	simm.s32 @p1 $0x1;
	p0 =	seq.s32 s7, s2  }
0x1e: {  	s7 =	smul.u32 @!p0 $0xF7A, s2;
	p2 =	seq.s32 @!p0 s5, $0x0  }
0x1f: {  	s9 =	smul.u32 $0xF7A, s1;
	s8 =	simm.s32 @!p0 $0x1BF5;
	p2 =	por !p2, p0  }
0x20: {  	[sflag:s8] =	ssyncset.s32 @!p0 $0xFFFFF086;
	s6 =	sadd.s32 @!p0 s3, s7;
	s7 =	simm.s32 @!p0 $0x108  }
0x21: {  	s3 =	sadd.s32 s3, s9;
	s6 =	sadd.s32 @!p0 $0x88, s6;
	s7 =	simm.s32 @p2 $0x1082  }
0x22: {  	[simem:s7], [sflag:s8] =	dma.local @!p0 [hbm:s6], $0xF7A  }
0x23: {  	s9 =	sor.u32 $0xD0000000, s2;
	s6 =	simm.s32 $0x108;
	_ =	swait.ge @!p0 [sflag:s8], $0x0  }
0x24: {  	s3 =	sadd.s32 $0x88, s3;
	s6 =	simm.s32 @!p1 $0x1082;
	[sflag:s4] =	ssyncset.s32 $0xFFFFF086  }
0x25: {  	[simem:s6], [sflag:s4] =	dma.local [hbm:s3], $0xF7A  }
0x26: {  	[smem:$0x3F9B] =	sst s1;
	(tag) =	ssettag s2;
	_ =	strace s9  }
0x27: {  	s1 =	sld [smem:$0x3FAB]  }
0x28: {  	s2 =	sld [smem:$0x3FAC]  }
0x29: {  	s4 =	sld [smem:$0x3FAE]  }
0x2a: {  	p0 =	seq.s32 s5, $0x0;
	s5 =	sld [smem:$0x3FAF]  }
0x2b: {  	s6 =	sld [smem:$0x3FB0]  }
0x2c: {  	s7 =	sld [smem:$0x3FB1]  }
0x2d: {  	s3 =	simm.s32 $0x108;
	s8 =	sld [smem:$0x3FB2]  }
0x2e: {  	s3 =	simm.s32 @!p0 $0x1082;
	s9 =	sld [smem:$0x3FB3]  }
0x2f: {  	lr =	sadd.s32 s0, s3;
	s0 =	sld [smem:$0x3FAA]  }
0x30: {  	s3 =	sld [smem:$0x3FAD]  }
0x31: {  	[smem:$0x3FB6] =	sst s10  }
0x32: {  	s10 =	sld [smem:$0x3FB4];
	_ =	sdelay $0x3  }
0x33: {  	p0 =	seq.s32 s10, $0x1;
	s10 =	sld [smem:$0x3FB6];
	_ =	sdelay $0x3  }
0x34: {  	[smem:$0x3FB6] =	sst s10  }
0x35: {  	s10 =	sld [smem:$0x3FB5];
	_ =	sdelay $0x3  }
0x36: {  	p1 =	seq.s32 s10, $0x1;
	s10 =	sld [smem:$0x3FB6];
	_ =	sdelay $0x3  }
0x37: {  	[smem:$0x3FB6] =	sst s10  }
0x38: {  	s10 =	sld [smem:$0x3FB7]  }
0x39: {  	_ = 	snop;
	(pc) =	sbr.ind lr, $3  }
0x3a: {  	_ = 	snop  }
0x3b: {  	_ = 	snop  }
0x3c: {  	p2 =	seq.s32 s10, $0x1;
	s10 =	sld [smem:$0x3FB6]  }
0x3d: {  	_ =	shalt  }
0x3e: {  	_ =	shalt  }
0x3f: {  	_ =	shalt  }
0x40: {  	_ =	shalt  }
0x41: {  	_ =	shalt  }
0x42: {  	_ =	shalt  }
0x43: {  	_ =	shalt  }
0x44: {  	_ =	shalt  }
0x45: {  	_ =	shalt  }
0x46: {  	_ =	shalt  }
0x47: {  	_ =	shalt  }
0x48: {  	_ =	shalt  }
0x49: {  	_ =	shalt  }
0x4a: {  	_ =	shalt  }
0x4b: {  	_ =	shalt  }
0x4c: {  	_ =	shalt  }
0x4d: {  	_ =	shalt  }
0x4e: {  	_ =	shalt  }
0x4f: {  	_ =	shalt  }
0x50: {  	_ =	shalt  }
0x51: {  	_ =	shalt  }
0x52: {  	_ =	shalt  }
0x53: {  	_ =	shalt  }
0x54: {  	_ =	shalt  }
0x55: {  	_ =	shalt  }
0x56: {  	_ =	shalt  }
0x57: {  	_ =	shalt  }
0x58: {  	_ =	shalt  }
0x59: {  	_ =	shalt  }
0x5a: {  	_ =	shalt  }
0x5b: {  	_ =	shalt  }
0x5c: {  	_ =	shalt  }
0x5d: {  	_ =	shalt  }
0x5e: {  	_ =	shalt  }
0x5f: {  	_ =	shalt  }
0x60: {  	_ =	shalt  }
0x61: {  	_ =	shalt  }
0x62: {  	_ =	shalt  }
0x63: {  	_ =	shalt  }
0x64: {  	_ =	shalt  }
0x65: {  	_ =	shalt  }
0x66: {  	_ =	shalt  }
0x67: {  	_ =	shalt  }
0x68: {  	_ =	shalt  }
0x69: {  	_ =	shalt  }
0x6a: {  	_ =	shalt  }
0x6b: {  	_ =	shalt  }
0x6c: {  	_ =	shalt  }
0x6d: {  	_ =	shalt  }
0x6e: {  	_ =	shalt  }
0x6f: {  	_ =	shalt  }
0x70: {  	_ =	shalt  }
0x71: {  	_ =	shalt  }
0x72: {  	_ =	shalt  }
0x73: {  	_ =	shalt  }
0x74: {  	_ =	shalt  }
0x75: {  	_ =	shalt  }
0x76: {  	_ =	shalt  }
0x77: {  	_ =	shalt  }
0x78: {  	_ =	shalt  }
0x79: {  	_ =	shalt  }
0x7a: {  	_ =	shalt  }
0x7b: {  	_ =	shalt  }
0x7c: {  	_ =	shalt  }
0x7d: {  	_ =	shalt  }
0x7e: {  	_ =	shalt  }
0x7f: {  	_ =	shalt  }
0x80: {  	_ =	shalt  }
0x81: {  	_ =	shalt  }
0x82: {  	_ =	shalt  }
0x83: {  	_ =	shalt  }
0x84: {  	_ =	shalt  }
0x85: {  	_ =	shalt  }
0x86: {  	_ =	shalt  }
0x87: {  	_ =	shalt  }
.Lfunc_end0:
.L_simem_size_0:
called_computation.1_lowered:
.L_overlay_start_0:
0x88: {  	s2 =	sld [smem:$0x3FD9]  }
0x89: {  	s3 =	sld [smem:$0x3FFE];
	_ =	sdelay $0x1  }
0x8a: {  	s1 =	srdreg.scid  }
0x8b: {  	s0 =	sand.u32 $0x1, s1  }
0x8c: {  	s16 =	sshll.u32 s0, $0xA;
	s2 =	sadd.s32 s3, s2  }
0x8d: {  	s2 =	sadd.s32 s2, s16  }
0x8e: {  	[smem:$0x3FC2] =	sst s2  }
0x8f: {  	_ = 	snop  }
0x90: {  	(tm) =	ssettm $0x1  }
0x91: {  	s17 =	sld [smem:$0x3FFB];
	_ =	sdelay $0x3  }
0x92: {  	_ =	strace s17  }
0x93: {  	s2 =	sld [smem:$0x3FFC];
	_ =	sdelay $0x3  }
0x94: {  	_ =	strace s2  }
0x95: {  	s2 =	sld [smem:$0x3FFD];
	_ =	sdelay $0x3  }
0x96: {  	_ =	strace s2  }
0x97: {  	_ =	strace $0x8FFFFFFF  }
0x98: {  	s18 =	sld [smem:$0x3FDB];
	_ =	sdelay $0x1  }
0x99: {  	s19 =	simm.s32 $_scs_section_size  }
0x9a: {  	s4 =	simm.s32 $_size__tile_overlayer_lowered;
	s5 =	simm.s32 $_tile_overlayer_lowered  }
0x9b: {  	s22 =	simm.s32 $0x1BFF;
	s21 =	sshll.u32 s5, $0x1;
	s2 =	sadd.s32 s19, s18  }
0x9c: {  	s6 =	simm.s32 $0x0;
	s20 =	sshll.u32 s4, $0x1;
	s4 =	sadd.s32 s21, s2  }
0x9d: {  	[timem:s6], [sflag:s22] =	dma.local [hbm:s4], s20  }
0x9e: {  	_ =	swait.ge [sflag:s22], s20  }
0x9f: {  	s3 =	ssub.s32 $0x0, s20;
	[sflag:s22] =	ssyncset.done $0x0  }
0xa0: {  	[sflag:s22] =	ssyncadd.s32 s3;
	_ =	sdelay $0x1  }
0xa1: {  	s23 =	simm.s32 $0x1B8B  }
0xa2: {  	_ =	swait.ge [sflag:s23], $0x1  }
0xa3: {  	[sflag:s23] =	ssyncset.done $0x0  }
0xa4: {  	s25 =	simm.s32 $0x1B8E;
	s24 =	sld [smem:$0x3FFE];
	[sflag:s23] =	ssyncadd.s32 $0xFFFFFFFF  }
0xa5: {  	s26 =	simm.s32 $execute0_lowered;
	[smem:$0x3FD2] =	sst s25  }
0xa6: {  	s4 =	sshll.u32 s26, $0x1;
	_ =	strace $0x80000049;
	[dreg:$0x1] =	wrdreg $0xFFFFFFFF  }
0xa7: {  	s28 =	simm.s32 $_size_execute0_lowered;
	s2 =	sadd.s32 s2, s4;
	[dreg:$0x0] =	wrdreg $0x0  }
0xa8: {  	s4 =	sshll.u32 s28, $0x1;
	[dreg:$0x2] =	wrdreg s2  }
0xa9: {  	[dreg:$0x3] =	wrdreg s4  }
0xaa: {  	[dreg:$0x4] =	wrdreg $0xC0  }
0xab: {  	_ =	task [dreg:s6], $0x5FFFF  }
0xac: {  	[dreg:$0x1] =	wrdreg $0xFFFFFFFF  }
0xad: {  	[dreg:$0x0] =	wrdreg $0x60  }
0xae: {  	[dreg:$0x2] =	wrdreg s24  }
0xaf: {  	[dreg:$0x3] =	wrdreg $0xA5000  }
0xb0: {  	[dreg:$0x4] =	wrdreg $0x9  }
0xb1: {  	_ =	task.clear_ibuf [dreg:s6], $0x5FFFF;
	_ =	strace $0x90000049  }
0xb2: {  	s29 =	simm.s32 $0x9;
	_ =	strace $0x8000004B  }
0xb3: {  	_ =	swait.ge [sflag:s29], $0x1  }
0xb4: {  	[sflag:s29] =	ssyncadd.s32 $0xFFFFFFFF  }
0xb5: {  	_ =	strace $0x9000004B  }
0xb6: {  	_ =	sfence  }
0xb7: {  	s30 =	sld [smem:$0x0];
	_ =	sdelay $0x2  }
0xb8: {  	s31 =	sshll.u32 s1, $0xD;
	s1 =	sshrl.u32 s1, $0x2  }
0xb9: {  	s3 =	sand.u32 $0x4000, s31;
	s1 =	sadd.s32 s1, s30  }
0xba: {  	s0 =	sor.u32 s3, s0;
	s1 =	sshll.u32 s1, $0x11  }
0xbb: {  	s0 =	sor.u32 s1, s0  }
0xbc: {  	s0 =	sadd.s32 $0x8F2B, s0  }
0xbd: {  	[sflag:s0] =	ssyncadd.remote.s32 $0x1  }
0xbe: {  	_ =	sfence.sel $0xFFFF  }
0xbf: {  	[dreg:$0x0] =	wrdreg $0xFFFFFFFF;
	(pc) =	sbr.abs _section_cstart, $3  }
0xc0: {  	[dreg:$0x1] =	wrdreg $0xFFFFFFFF  }
0xc1: {  	_ =	task.clear_ibuf [dreg:s6], $0x2FFFF;
	_ =	strace $0x9FFFFFFF  }
0xc2: {  	(tm) =	ssettm $0x7FFFFFFF  }
0xc3: {  	_ =	shalt  }
tec
execute0_lowered:
.L_overlay_start_1:
0x0: {  	(tag) =	ssettag $0x1  }
0x1: {  	s5 =	rddreg [dreg:$0x0];
	s1 =	srdreg.scid  }
0x2: {  	s0 =	stileid.u32;
	s2 =	rddreg [dreg:$0x1]  }
0x3: {  	s3 =	simm.s32 $0x0;
	s18 =	simm.s32 $0x1400;
	s19 =	simm.s32 $0x7D  }
0x4: {  	s20 =	simm.s32 $0x1;
	s21 =	simm.s32 $0x6680;
	s22 =	simm.s32 $0x1380  }
0x5: {  	s23 =	simm.s32 $0x2700;
	s6 =	sand.u32 $0x1, s1;
	s1 =	rddreg [dreg:$0x2]  }
0x6: {  	s24 =	simm.s32 $0x2780;
	s7 =	smul.u32 $0x13880, s0;
	[smem:$0x7FF] =	sst s3  }
0x7: {  	s4 =	sadd.s32 $0x63C00, s5;
	s12 =	sadd.s32 $0xBA00, s5;
	s9 =	smul.u32 $0x4E200, s0  }
0x8: {  	s13 =	sadd.s32 $0x1A00, s5;
	s8 =	smul.u32 $0x138800, s6;
	s28 =	sshll.u32 s6, $0x4  }
0x9: {  	_ =	strace $0x8000004A;
	s6 =	ssub.s32 $0x2, s6;
	s29 =	sor.u32 s0, s28  }
0xa: {  	s30 =	sshrl.u32 s9, $0x2;
	s31 =	sshrl.u32 s6, $0x1;
	s8 =	sadd.s32 s7, s8  }
0xb: {  	s10 =	sadd.s32 s30, s2;
	s11 =	smul.u32 $0x2800, s29;
	s15 =	ssub.s32 s6, s31  }
0xc: {  	s16 =	smul.u32 $0x500, s29;
	s8 =	sshrl.u32 s8, $0x3;
	s6 =	sadd.s32 $0x3E80, s10  }
0xd: {  	s9 =	sadd.s32 $0xFA00, s10;
	s15 =	smax.u32 s15, $0x1;
	s14 =	sadd.s32 s8, s5  }
0xe: {  	s5 =	sadd.s32 s7, s2;
	s7 =	sadd.s32 $0x7D00, s10;
	s11 =	sshrl.u32 s11, $0x3  }
0xf: {  	s8 =	sadd.s32 $0xBB80, s10;
	s10 =	sadd.s32 s12, s16;
	s17 =	sadd.s32 $0x280, s11  }
0x10: {  	s11 =	sadd.s32 s13, s16;
	s14 =	sadd.s32 $0x8AE00, s14;
	s16 =	simm.s32 $0x2800  }
0x11: {  	v0 =	vimm.f32 $0.0e+00;
	s12 =	sadd.s32 s12, s17;
	s13 =	sadd.s32 s13, s17;
	s17 =	simm.s32 $0x2  }
.LBB2_1:
0x12: {  	s25 =	simm.s32 $0x70;
	s26 =	simm.s32 $0x3C0  }
.LBB2_2:
0x13: {  	p0 =	sne.s32 s26, $0xF9C0;
	[tilespmem:s25+$0x2800] =	vst v0  }
0x14: {  	[tilespmem:s25+$0x2790] =	vst v0  }
0x15: {  	[tilespmem:s25+$0x27A0] =	vst v0  }
.Ltmp0:
0x16: {  	[tilespmem:s25+$0x27B0] =	vst v0;
	(pc) =	sbr.rel @p0 .LBB2_2-.Ltmp0, $4  }
0x17: {  	[tilespmem:s25+$0x27C0] =	vst v0  }
0x18: {  	[tilespmem:s25+$0x27D0] =	vst v0  }
0x19: {  	[tilespmem:s25+$0x27E0] =	vst v0  }
0x1a: {  	[tilespmem:s25+$0x27F0] =	vst v0;
	s25 =	sshra.s32 s26, $0x2;
	s26 =	sadd.s32 $0x200, s26  }
0x1b: {  	[tilespmem:s25+$0x2800] =	vst v0  }
0x1c: {  	[tilespmem:s25+$0x2790] =	vst v0  }
0x1d: {  	[tilespmem:s25+$0x27A0] =	vst v0  }
0x1e: {  	[tilespmem:s25+$0x27B0] =	vst v0  }
0x1f: {  	[tilespmem:s25+$0x27C0] =	vst v0  }
0x20: {  	[tilespmem:s25+$0x27D0] =	vst v0  }
0x21: {  	[tilespmem:s25+$0x27E0] =	vst v0  }
0x22: {  	[tilespmem:s25+$0x27F0] =	vst v0  }
0x23: {  	[spmem:s5] =	stream.linear.scatter [tilespmem:s16], [sflag:$0x2], $0x3E80, $0x38;
	[tilespmem:$0x1DD80] =	vst v63  }
0x24: {  	_ =	swait.ge [sflag:s17], $0x3E80  }
0x25: {  	[sflag:s17] =	ssyncset.done $0x0  }
0x26: {  	[sflag:s17] =	ssyncadd.s32 $0xFFFFC180  }
0x27: {  	[spmem:s6] =	stream.linear.scatter [tilespmem:s16], [sflag:$0x2], $0x3E80, $0x38;
	[tilespmem:$0x1DD80] =	vst v63  }
0x28: {  	_ =	swait.ge [sflag:s17], $0x3E80  }
0x29: {  	[sflag:s17] =	ssyncset.done $0x0  }
0x2a: {  	[sflag:s17] =	ssyncadd.s32 $0xFFFFC180  }
0x2b: {  	[spmem:s7] =	stream.linear.scatter [tilespmem:s16], [sflag:$0x2], $0x3E80, $0x38;
	[tilespmem:$0x1DD80] =	vst v63  }
0x2c: {  	_ =	swait.ge [sflag:s17], $0x3E80  }
0x2d: {  	[sflag:s17] =	ssyncset.done $0x0  }
0x2e: {  	[sflag:s17] =	ssyncadd.s32 $0xFFFFC180  }
0x2f: {  	[spmem:s8] =	stream.linear.scatter [tilespmem:s16], [sflag:$0x2], $0x3E80, $0x38;
	[tilespmem:$0x1DD80] =	vst v63  }
0x30: {  	_ =	swait.ge [sflag:s17], $0x3E80  }
0x31: {  	[sflag:s17] =	ssyncset.done $0x0  }
0x32: {  	[sflag:s17] =	ssyncadd.s32 $0xFFFFC180  }
0x33: {  	[spmem:s9] =	stream.linear.scatter [tilespmem:s16], [sflag:$0x2], $0x3E80, $0x38;
	[tilespmem:$0x1DD80] =	vst v63  }
0x34: {  	_ =	swait.ge [sflag:s17], $0x3E80  }
0x35: {  	[sflag:s17] =	ssyncset.done $0x0  }
0x36: {  	[sflag:s17] =	ssyncadd.s32 $0xFFFFC180  }
0x37: {  	s26 =	simm.s32 $0x0;
	[bflag:$0x0] =	sbarrier.arrive $0xFFFF  }
0x38: {  	[tilespmem:s26], [sflag:$0x2] =	stream.linear.gather [hbm4b:s10+s26], $0x1400, $0x38;
	[tilespmem:$0x1DD80] =	vst v63  }
0x39: {  	_ =	swait.ge [sflag:s17], $0x1400  }
0x3a: {  	[sflag:s17] =	ssyncset.done $0x0  }
0x3b: {  	[sflag:s17] =	ssyncadd.s32 $0xFFFFEC00  }
0x3c: {  	[tilespmem:s18], [sflag:$0x2] =	stream.linear.gather [hbm4b:s11+s26], $0x1400, $0x38;
	[tilespmem:$0x1DD80] =	vst v63  }
0x3d: {  	_ =	swait.ge [sflag:s17], $0x1400  }
0x3e: {  	[sflag:s17] =	ssyncset.done $0x0  }
0x3f: {  	[sflag:s17] =	ssyncadd.s32 $0xFFFFEC00  }
0x40: {  	[tilespmem:s16], [sflag:$0x1] =	stream.indirect.gather [hbm4b:s4+s19], $0x80, s26, s19, $0xb8;
	[tilespmem:$0x1DD80] =	vst v63  }
0x41: {  	_ =	swait.ge [sflag:s20], $0x3E80  }
0x42: {  	[sflag:s20] =	ssyncset.done $0x0  }
0x43: {  	s28 =	simm.s32 $0x80;
	[sflag:s20] =	ssyncadd.s32 $0xFFFFC180  }
0x44: {  	[tilespmem:s21], [sflag:$0x1] =	stream.indirect.gather [hbm4b:s4+s19], $0x80, s28, s19, $0xb8;
	[tilespmem:$0x1DD80] =	vst v63  }
0x45: {  	s29 =	simm.s32 $0x1400  }
0x46: {  	[spmem:s2] =	stream.indirect.scatter.add.f32 [tilespmem:s16], [sflag:$0x2], $0x80, s29, s19, $0xb8;
	[tilespmem:$0x1DD80] =	vst v63  }
0x47: {  	_ =	swait.ge [sflag:s17], $0x3E80  }
0x48: {  	[sflag:s17] =	ssyncset.done $0x0  }
0x49: {  	[sflag:s17] =	ssyncadd.s32 $0xFFFFC180  }
0x4a: {  	_ =	swait.ge [sflag:s20], $0x3E80  }
0x4b: {  	[sflag:s20] =	ssyncset.done $0x0  }
0x4c: {  	s30 =	simm.s32 $0x100;
	[sflag:s20] =	ssyncadd.s32 $0xFFFFC180  }
0x4d: {  	[tilespmem:s16], [sflag:$0x1] =	stream.indirect.gather [hbm4b:s4+s19], $0x80, s30, s19, $0xb8;
	[tilespmem:$0x1DD80] =	vst v63  }
0x4e: {  	s31 =	simm.s32 $0x1480  }
0x4f: {  	[spmem:s2] =	stream.indirect.scatter.add.f32 [tilespmem:s21], [sflag:$0x2], $0x80, s31, s19, $0xb8;
	[tilespmem:$0x1DD80] =	vst v63  }
0x50: {  	_ =	swait.ge [sflag:s17], $0x3E80  }
0x51: {  	s25 =	simm.s32 $0x400;
	[sflag:s17] =	ssyncset.done $0x0  }
.LBB2_4:
0x52: {  	p0 =	sne.s32 s25, $0x4800  }
0x53: {  	[sflag:s17] =	ssyncadd.s32 $0xFFFFC180;
	s26 =	smov.u32 s25;
	s25 =	sadd.s32 $0x400, s25  }
0x54: {  	_ = 	snop  }
0x55: {  	_ =	swait.ge [sflag:s20], $0x3E80  }
0x56: {  	s26 =	sshra.s32 s26, $0x2;
	[sflag:s20] =	ssyncset.done $0x0  }
0x57: {  	s28 =	sadd.s32 $0x80, s26;
	[sflag:s20] =	ssyncadd.s32 $0xFFFFC180  }
0x58: {  	[tilespmem:s21], [sflag:$0x1] =	stream.indirect.gather [hbm4b:s4+s19], $0x80, s28, s19, $0xb8;
	[tilespmem:$0x1DD80] =	vst v63  }
0x59: {  	s28 =	sadd.s32 $0x1400, s26  }
0x5a: {  	[spmem:s2] =	stream.indirect.scatter.add.f32 [tilespmem:s16], [sflag:$0x2], $0x80, s28, s19, $0xb8;
	[tilespmem:$0x1DD80] =	vst v63  }
0x5b: {  	_ =	swait.ge [sflag:s17], $0x3E80  }
0x5c: {  	[sflag:s17] =	ssyncset.done $0x0  }
0x5d: {  	[sflag:s17] =	ssyncadd.s32 $0xFFFFC180  }
0x5e: {  	_ =	swait.ge [sflag:s20], $0x3E80  }
0x5f: {  	[sflag:s20] =	ssyncset.done $0x0  }
0x60: {  	s28 =	sadd.s32 $0x100, s26;
	[sflag:s20] =	ssyncadd.s32 $0xFFFFC180  }
0x61: {  	[tilespmem:s16], [sflag:$0x1] =	stream.indirect.gather [hbm4b:s4+s19], $0x80, s28, s19, $0xb8;
	[tilespmem:$0x1DD80] =	vst v63  }
.Ltmp1:
0x62: {  	_ = 	snop;
	(pc) =	sbr.rel @p0 .LBB2_4-.Ltmp1, $4  }
0x63: {  	s26 =	sadd.s32 $0x1480, s26  }
0x64: {  	[spmem:s2] =	stream.indirect.scatter.add.f32 [tilespmem:s21], [sflag:$0x2], $0x80, s26, s19, $0xb8;
	[tilespmem:$0x1DD80] =	vst v63  }
0x65: {  	_ =	swait.ge [sflag:s17], $0x3E80  }
0x66: {  	[sflag:s17] =	ssyncset.done $0x0  }
0x67: {  	[sflag:s17] =	ssyncadd.s32 $0xFFFFC180  }
0x68: {  	_ =	swait.ge [sflag:s20], $0x3E80  }
0x69: {  	[sflag:s20] =	ssyncset.done $0x0  }
0x6a: {  	[sflag:s20] =	ssyncadd.s32 $0xFFFFC180  }
0x6b: {  	[tilespmem:s21], [sflag:$0x1] =	stream.indirect.gather [hbm4b:s4+s19], $0x80, s22, s19, $0xb8;
	[tilespmem:$0x1DD80] =	vst v63  }
0x6c: {  	_ = 	snop  }
0x6d: {  	[spmem:s2] =	stream.indirect.scatter.add.f32 [tilespmem:s16], [sflag:$0x2], $0x80, s23, s19, $0xb8;
	[tilespmem:$0x1DD80] =	vst v63  }
0x6e: {  	_ =	swait.ge [sflag:s17], $0x3E80  }
0x6f: {  	[sflag:s17] =	ssyncset.done $0x0  }
0x70: {  	[sflag:s17] =	ssyncadd.s32 $0xFFFFC180  }
0x71: {  	_ =	swait.ge [sflag:s20], $0x3E80  }
0x72: {  	[sflag:s20] =	ssyncset.done $0x0  }
0x73: {  	[sflag:s20] =	ssyncadd.s32 $0xFFFFC180  }
0x74: {  	[spmem:s2] =	stream.indirect.scatter.add.f32 [tilespmem:s21], [sflag:$0x2], $0x80, s24, s19, $0xb8;
	[tilespmem:$0x1DD80] =	vst v63  }
0x75: {  	_ =	swait.ge [sflag:s17], $0x3E80  }
0x76: {  	[sflag:s17] =	ssyncset.done $0x0  }
0x77: {  	s25 =	simm.s32 $0x0;
	[sflag:s17] =	ssyncadd.s32 $0xFFFFC180  }
0x78: {  	[tilespmem:s25], [sflag:$0x2] =	stream.linear.gather [hbm4b:s12+s25], $0x1400, $0x38;
	[tilespmem:$0x1DD80] =	vst v63  }
0x79: {  	_ =	swait.ge [sflag:s17], $0x1400  }
0x7a: {  	[sflag:s17] =	ssyncset.done $0x0  }
0x7b: {  	[sflag:s17] =	ssyncadd.s32 $0xFFFFEC00  }
0x7c: {  	[tilespmem:s18], [sflag:$0x2] =	stream.linear.gather [hbm4b:s13+s25], $0x1400, $0x38;
	[tilespmem:$0x1DD80] =	vst v63  }
0x7d: {  	_ =	swait.ge [sflag:s17], $0x1400  }
0x7e: {  	[sflag:s17] =	ssyncset.done $0x0  }
0x7f: {  	[sflag:s17] =	ssyncadd.s32 $0xFFFFEC00  }
0x80: {  	[tilespmem:s16], [sflag:$0x1] =	stream.indirect.gather [hbm4b:s4+s19], $0x80, s25, s19, $0xb8;
	[tilespmem:$0x1DD80] =	vst v63  }
0x81: {  	_ =	swait.ge [sflag:s20], $0x3E80  }
0x82: {  	[sflag:s20] =	ssyncset.done $0x0  }
0x83: {  	s28 =	simm.s32 $0x80;
	[sflag:s20] =	ssyncadd.s32 $0xFFFFC180  }
0x84: {  	[tilespmem:s21], [sflag:$0x1] =	stream.indirect.gather [hbm4b:s4+s19], $0x80, s28, s19, $0xb8;
	[tilespmem:$0x1DD80] =	vst v63  }
0x85: {  	s29 =	simm.s32 $0x1400  }
0x86: {  	[spmem:s2] =	stream.indirect.scatter.add.f32 [tilespmem:s16], [sflag:$0x2], $0x80, s29, s19, $0xb8;
	[tilespmem:$0x1DD80] =	vst v63  }
0x87: {  	_ =	swait.ge [sflag:s17], $0x3E80  }
0x88: {  	[sflag:s17] =	ssyncset.done $0x0  }
0x89: {  	[sflag:s17] =	ssyncadd.s32 $0xFFFFC180  }
0x8a: {  	_ =	swait.ge [sflag:s20], $0x3E80  }
0x8b: {  	[sflag:s20] =	ssyncset.done $0x0  }
0x8c: {  	s30 =	simm.s32 $0x100;
	[sflag:s20] =	ssyncadd.s32 $0xFFFFC180  }
0x8d: {  	[tilespmem:s16], [sflag:$0x1] =	stream.indirect.gather [hbm4b:s4+s19], $0x80, s30, s19, $0xb8;
	[tilespmem:$0x1DD80] =	vst v63  }
0x8e: {  	s31 =	simm.s32 $0x1480  }
0x8f: {  	[spmem:s2] =	stream.indirect.scatter.add.f32 [tilespmem:s21], [sflag:$0x2], $0x80, s31, s19, $0xb8;
	[tilespmem:$0x1DD80] =	vst v63  }
0x90: {  	_ =	swait.ge [sflag:s17], $0x3E80  }
0x91: {  	s25 =	simm.s32 $0x400;
	[sflag:s17] =	ssyncset.done $0x0  }
.LBB2_6:
0x92: {  	p0 =	sne.s32 s25, $0x4800  }
0x93: {  	[sflag:s17] =	ssyncadd.s32 $0xFFFFC180;
	s26 =	smov.u32 s25;
	s25 =	sadd.s32 $0x400, s25  }
0x94: {  	_ = 	snop  }
0x95: {  	_ =	swait.ge [sflag:s20], $0x3E80  }
0x96: {  	s26 =	sshra.s32 s26, $0x2;
	[sflag:s20] =	ssyncset.done $0x0  }
0x97: {  	s28 =	sadd.s32 $0x80, s26;
	[sflag:s20] =	ssyncadd.s32 $0xFFFFC180  }
0x98: {  	[tilespmem:s21], [sflag:$0x1] =	stream.indirect.gather [hbm4b:s4+s19], $0x80, s28, s19, $0xb8;
	[tilespmem:$0x1DD80] =	vst v63  }
0x99: {  	s28 =	sadd.s32 $0x1400, s26  }
0x9a: {  	[spmem:s2] =	stream.indirect.scatter.add.f32 [tilespmem:s16], [sflag:$0x2], $0x80, s28, s19, $0xb8;
	[tilespmem:$0x1DD80] =	vst v63  }
0x9b: {  	_ =	swait.ge [sflag:s17], $0x3E80  }
0x9c: {  	[sflag:s17] =	ssyncset.done $0x0  }
0x9d: {  	[sflag:s17] =	ssyncadd.s32 $0xFFFFC180  }
0x9e: {  	_ =	swait.ge [sflag:s20], $0x3E80  }
0x9f: {  	[sflag:s20] =	ssyncset.done $0x0  }
0xa0: {  	s28 =	sadd.s32 $0x100, s26;
	[sflag:s20] =	ssyncadd.s32 $0xFFFFC180  }
0xa1: {  	[tilespmem:s16], [sflag:$0x1] =	stream.indirect.gather [hbm4b:s4+s19], $0x80, s28, s19, $0xb8;
	[tilespmem:$0x1DD80] =	vst v63  }
.Ltmp2:
0xa2: {  	_ = 	snop;
	(pc) =	sbr.rel @p0 .LBB2_6-.Ltmp2, $4  }
0xa3: {  	s26 =	sadd.s32 $0x1480, s26  }
0xa4: {  	[spmem:s2] =	stream.indirect.scatter.add.f32 [tilespmem:s21], [sflag:$0x2], $0x80, s26, s19, $0xb8;
	[tilespmem:$0x1DD80] =	vst v63  }
0xa5: {  	_ =	swait.ge [sflag:s17], $0x3E80  }
0xa6: {  	[sflag:s17] =	ssyncset.done $0x0  }
0xa7: {  	[sflag:s17] =	ssyncadd.s32 $0xFFFFC180  }
0xa8: {  	_ =	swait.ge [sflag:s20], $0x3E80  }
0xa9: {  	[sflag:s20] =	ssyncset.done $0x0  }
0xaa: {  	[sflag:s20] =	ssyncadd.s32 $0xFFFFC180  }
0xab: {  	[tilespmem:s21], [sflag:$0x1] =	stream.indirect.gather [hbm4b:s4+s19], $0x80, s22, s19, $0xb8;
	[tilespmem:$0x1DD80] =	vst v63  }
0xac: {  	_ = 	snop  }
0xad: {  	[spmem:s2] =	stream.indirect.scatter.add.f32 [tilespmem:s16], [sflag:$0x2], $0x80, s23, s19, $0xb8;
	[tilespmem:$0x1DD80] =	vst v63  }
0xae: {  	_ =	swait.ge [sflag:s17], $0x3E80  }
0xaf: {  	[sflag:s17] =	ssyncset.done $0x0  }
0xb0: {  	[sflag:s17] =	ssyncadd.s32 $0xFFFFC180  }
0xb1: {  	_ =	swait.ge [sflag:s20], $0x3E80  }
0xb2: {  	[sflag:s20] =	ssyncset.done $0x0  }
0xb3: {  	[sflag:s20] =	ssyncadd.s32 $0xFFFFC180  }
0xb4: {  	[spmem:s2] =	stream.indirect.scatter.add.f32 [tilespmem:s21], [sflag:$0x2], $0x80, s24, s19, $0xb8;
	[tilespmem:$0x1DD80] =	vst v63  }
0xb5: {  	_ =	swait.ge [sflag:s17], $0x3E80  }
0xb6: {  	s25 =	sshll.u32 s0, $0x6;
	s3 =	sadd.s32 $0x1, s3;
	[sflag:s17] =	ssyncset.done $0x0  }
0xb7: {  	s26 =	sshrl.u32 s5, $0x3;
	p0 =	sne.s32 s3, s15;
	[sflag:s17] =	ssyncadd.s32 $0xFFFFC180  }
.Ltmp3:
0xb8: {  	s25 =	sor.u32 $0x1C02, s25;
	[bflag:$0x0] =	sbarrier.arrive $0xFFFF;
	(pc) =	sbr.rel @p0 .LBB2_1-.Ltmp3, $4  }
0xb9: {  	[hbm:s14], [sflag:s25] =	dma.local [spmem:s26], $0x2710  }
0xba: {  	_ =	swait.ge [sflag:s17], $0x2710  }
0xbb: {  	[sflag:s17] =	ssyncset.done $0x0  }
0xbc: {  	[sflag:s17] =	ssyncadd.s32 $0xFFFFD8F0  }
0xbd: {  	_ =	sfence.sel $0x180000  }
0xbe: {  	[bflag:$0x0] =	sbarrier.arrive $0xFFFF  }
0xbf: {  	p0 =	sne.s32 s0, $0x0;
	_ =	strace $0x9000004A  }
0xc0: {  	s0 =	sadd.s32 @!p0 $0x100000, s1;
	[bflag:$0x2] =	sbarrier.arrive $0xFFFF  }
0xc1: {  	[sflag:s0] =	ssyncadd.tile.s32 @!p0 $0x1;
	_ =	shalt  }
.Lfunc_end2:
_tile_overlayer_lowered:
.L_overlay_start_2:
0xc2: {  	(tag) =	ssettag $0x2  }
0xc3: {  	s0 =	rddreg [dreg:$0x0];
	s2 =	stileid.u32  }
0xc4: {  	s1 =	rddreg [dreg:$0x1];
	p0 =	sne.s32 s2, $0x0  }
0xc5: {  	s3 =	rddreg [dreg:$0x2];
	[bflag:$0x3] =	sbarrier.arrive $0xFFFF;
	s2 =	simm.s32 @!p0 $0x1C02  }
0xc6: {  	[timem:s3], [sflag:s2] =	dma.local @!p0 [hbm:s0], s1  }
0xc7: {  	s0 =	simm.s32 @!p0 $0x2  }
0xc8: {  	_ =	swait.ge @!p0 [sflag:s0], s1  }
0xc9: {  	s1 =	ssub.s32 @!p0 $0x0, s1;
	[sflag:s0] =	ssyncset.done @!p0 $0x0  }
0xca: {  	[sflag:s0] =	ssyncadd.s32 @!p0 s1  }
0xcb: {  	[bflag:$0x3] =	sbarrier.arrive $0xFFFF  }
0xcc: {  	_ =	shalt  }

// kernel: kernel.14.cloned.1.call-start
scs
__scs_entry_jumppad:
0x0: {  	(pc) =	sbr.rel $0x88, $3  }
0x1: {  	(tag) =	ssettag $0x0;
	lr =	simm.s32 $0x1  }
0x2: {  	[smem:$0x3F9B] =	sst lr;
	_ =	strace $0xD0000000  }
0x3: {  	_ = 	snop  }
0x4: {  	_ = 	snop  }
0x5: {  	_ = 	snop  }
0x6: {  	_ = 	snop  }
0x7: {  	_ = 	snop  }
__scs_overlays_trampoline_lowered:
0x8: {  	[smem:$0x3FAA] =	sst s0  }
0x9: {  	[smem:$0x3FAB] =	sst s1  }
0xa: {  	[smem:$0x3FAC] =	sst s2  }
0xb: {  	[smem:$0x3FAD] =	sst s3  }
0xc: {  	[smem:$0x3FAE] =	sst s4  }
0xd: {  	[smem:$0x3FAF] =	sst s5  }
0xe: {  	[smem:$0x3FB0] =	sst s6  }
0xf: {  	[smem:$0x3FB1] =	sst s7  }
0x10: {  	[smem:$0x3FB2] =	sst s8  }
0x11: {  	[smem:$0x3FB3] =	sst s9;
	s0 =	simm.s32 @!p0 $0x0  }
0x12: {  	s1 =	sld [smem:$0x3F99];
	s0 =	simm.s32 @p0 $0x1  }
0x13: {  	[smem:$0x3FB4] =	sst s0;
	s0 =	simm.s32 @!p1 $0x0  }
0x14: {  	s2 =	sld [smem:$0x3F98];
	s0 =	simm.s32 @p1 $0x1  }
0x15: {  	[smem:$0x3FB5] =	sst s0;
	s0 =	simm.s32 @!p2 $0x0  }
0x16: {  	s3 =	sld [smem:$0x3FDB];
	s0 =	simm.s32 @p2 $0x1  }
0x17: {  	s4 =	simm.s32 $0x1BF5;
	[smem:$0x3FB7] =	sst s0  }
0x18: {  	s0 =	sld [smem:$0x3F9A];
	_ =	swait.ge [sflag:s4], $0x0  }
0x19: {  	s7 =	sld [smem:$0x3F9B]  }
0x1a: {  	s8 =	sadd.s32 $0xFFFFE003, lr  }
0x1b: {  	s9 =	sadd.s32 $0xFFFFFEF7, lr;
	s5 =	simm.s32 $0xFFFFFFFF;
	p2 =	slt.u32 s8, $0xFFFFF086  }
0x1c: {  	p1 =	slt.u32 s9, $0xF7A;
	s5 =	simm.s32 @!p2 $0x0  }
0x1d: {  	s5 =	simm.s32 @p1 $0x1;
	p0 =	seq.s32 s7, s2  }
0x1e: {  	s7 =	smul.u32 @!p0 $0xF7A, s2;
	p2 =	seq.s32 @!p0 s5, $0x0  }
0x1f: {  	s9 =	smul.u32 $0xF7A, s1;
	s8 =	simm.s32 @!p0 $0x1BF5;
	p2 =	por !p2, p0  }
0x20: {  	[sflag:s8] =	ssyncset.s32 @!p0 $0xFFFFF086;
	s6 =	sadd.s32 @!p0 s3, s7;
	s7 =	simm.s32 @!p0 $0x108  }
0x21: {  	s3 =	sadd.s32 s3, s9;
	s6 =	sadd.s32 @!p0 $0x88, s6;
	s7 =	simm.s32 @p2 $0x1082  }
0x22: {  	[simem:s7], [sflag:s8] =	dma.local @!p0 [hbm:s6], $0xF7A  }
0x23: {  	s9 =	sor.u32 $0xD0000000, s2;
	s6 =	simm.s32 $0x108;
	_ =	swait.ge @!p0 [sflag:s8], $0x0  }
0x24: {  	s3 =	sadd.s32 $0x88, s3;
	s6 =	simm.s32 @!p1 $0x1082;
	[sflag:s4] =	ssyncset.s32 $0xFFFFF086  }
0x25: {  	[simem:s6], [sflag:s4] =	dma.local [hbm:s3], $0xF7A  }
0x26: {  	[smem:$0x3F9B] =	sst s1;
	(tag) =	ssettag s2;
	_ =	strace s9  }
0x27: {  	s1 =	sld [smem:$0x3FAB]  }
0x28: {  	s2 =	sld [smem:$0x3FAC]  }
0x29: {  	s4 =	sld [smem:$0x3FAE]  }
0x2a: {  	p0 =	seq.s32 s5, $0x0;
	s5 =	sld [smem:$0x3FAF]  }
0x2b: {  	s6 =	sld [smem:$0x3FB0]  }
0x2c: {  	s7 =	sld [smem:$0x3FB1]  }
0x2d: {  	s3 =	simm.s32 $0x108;
	s8 =	sld [smem:$0x3FB2]  }
0x2e: {  	s3 =	simm.s32 @!p0 $0x1082;
	s9 =	sld [smem:$0x3FB3]  }
0x2f: {  	lr =	sadd.s32 s0, s3;
	s0 =	sld [smem:$0x3FAA]  }
0x30: {  	s3 =	sld [smem:$0x3FAD]  }
0x31: {  	[smem:$0x3FB6] =	sst s10  }
0x32: {  	s10 =	sld [smem:$0x3FB4];
	_ =	sdelay $0x3  }
0x33: {  	p0 =	seq.s32 s10, $0x1;
	s10 =	sld [smem:$0x3FB6];
	_ =	sdelay $0x3  }
0x34: {  	[smem:$0x3FB6] =	sst s10  }
0x35: {  	s10 =	sld [smem:$0x3FB5];
	_ =	sdelay $0x3  }
0x36: {  	p1 =	seq.s32 s10, $0x1;
	s10 =	sld [smem:$0x3FB6];
	_ =	sdelay $0x3  }
0x37: {  	[smem:$0x3FB6] =	sst s10  }
0x38: {  	s10 =	sld [smem:$0x3FB7]  }
0x39: {  	_ = 	snop;
	(pc) =	sbr.ind lr, $3  }
0x3a: {  	_ = 	snop  }
0x3b: {  	_ = 	snop  }
0x3c: {  	p2 =	seq.s32 s10, $0x1;
	s10 =	sld [smem:$0x3FB6]  }
0x3d: {  	_ =	shalt  }
0x3e: {  	_ =	shalt  }
0x3f: {  	_ =	shalt  }
0x40: {  	_ =	shalt  }
0x41: {  	_ =	shalt  }
0x42: {  	_ =	shalt  }
0x43: {  	_ =	shalt  }
0x44: {  	_ =	shalt  }
0x45: {  	_ =	shalt  }
0x46: {  	_ =	shalt  }
0x47: {  	_ =	shalt  }
0x48: {  	_ =	shalt  }
0x49: {  	_ =	shalt  }
0x4a: {  	_ =	shalt  }
0x4b: {  	_ =	shalt  }
0x4c: {  	_ =	shalt  }
0x4d: {  	_ =	shalt  }
0x4e: {  	_ =	shalt  }
0x4f: {  	_ =	shalt  }
0x50: {  	_ =	shalt  }
0x51: {  	_ =	shalt  }
0x52: {  	_ =	shalt  }
0x53: {  	_ =	shalt  }
0x54: {  	_ =	shalt  }
0x55: {  	_ =	shalt  }
0x56: {  	_ =	shalt  }
0x57: {  	_ =	shalt  }
0x58: {  	_ =	shalt  }
0x59: {  	_ =	shalt  }
0x5a: {  	_ =	shalt  }
0x5b: {  	_ =	shalt  }
0x5c: {  	_ =	shalt  }
0x5d: {  	_ =	shalt  }
0x5e: {  	_ =	shalt  }
0x5f: {  	_ =	shalt  }
0x60: {  	_ =	shalt  }
0x61: {  	_ =	shalt  }
0x62: {  	_ =	shalt  }
0x63: {  	_ =	shalt  }
0x64: {  	_ =	shalt  }
0x65: {  	_ =	shalt  }
0x66: {  	_ =	shalt  }
0x67: {  	_ =	shalt  }
0x68: {  	_ =	shalt  }
0x69: {  	_ =	shalt  }
0x6a: {  	_ =	shalt  }
0x6b: {  	_ =	shalt  }
0x6c: {  	_ =	shalt  }
0x6d: {  	_ =	shalt  }
0x6e: {  	_ =	shalt  }
0x6f: {  	_ =	shalt  }
0x70: {  	_ =	shalt  }
0x71: {  	_ =	shalt  }
0x72: {  	_ =	shalt  }
0x73: {  	_ =	shalt  }
0x74: {  	_ =	shalt  }
0x75: {  	_ =	shalt  }
0x76: {  	_ =	shalt  }
0x77: {  	_ =	shalt  }
0x78: {  	_ =	shalt  }
0x79: {  	_ =	shalt  }
0x7a: {  	_ =	shalt  }
0x7b: {  	_ =	shalt  }
0x7c: {  	_ =	shalt  }
0x7d: {  	_ =	shalt  }
0x7e: {  	_ =	shalt  }
0x7f: {  	_ =	shalt  }
0x80: {  	_ =	shalt  }
0x81: {  	_ =	shalt  }
0x82: {  	_ =	shalt  }
0x83: {  	_ =	shalt  }
0x84: {  	_ =	shalt  }
0x85: {  	_ =	shalt  }
0x86: {  	_ =	shalt  }
0x87: {  	_ =	shalt  }
.Lfunc_end0:
.L_simem_size_0:
called_computation.2_lowered:
.L_overlay_start_0:
0x88: {  	s2 =	sld [smem:$0x3FD9]  }
0x89: {  	s3 =	sld [smem:$0x3FFE];
	_ =	sdelay $0x1  }
0x8a: {  	s1 =	srdreg.scid  }
0x8b: {  	s0 =	sand.u32 $0x1, s1  }
0x8c: {  	s17 =	sshll.u32 s0, $0xA;
	s2 =	sadd.s32 s3, s2  }
0x8d: {  	s2 =	sadd.s32 s2, s17  }
0x8e: {  	[smem:$0x3FC2] =	sst s2  }
0x8f: {  	_ = 	snop  }
0x90: {  	s2 =	sld [smem:$0x3FD0];
	(tm) =	ssettm $0x1  }
0x91: {  	s18 =	sld [smem:$0x3FFB];
	_ =	sdelay $0x3  }
0x92: {  	_ =	strace s18  }
0x93: {  	s3 =	sld [smem:$0x3FFC];
	_ =	sdelay $0x3  }
0x94: {  	_ =	strace s3  }
0x95: {  	s3 =	sld [smem:$0x3FFD];
	_ =	sdelay $0x3  }
0x96: {  	_ =	strace s3  }
0x97: {  	_ =	strace $0x8FFFFFFF  }
0x98: {  	s19 =	sld [smem:$0x3FDB];
	_ =	sdelay $0x1  }
0x99: {  	s4 =	simm.s32 $_scs_section_size  }
0x9a: {  	s5 =	simm.s32 $_size__tile_overlayer_lowered;
	s6 =	simm.s32 $_tile_overlayer_lowered  }
0x9b: {  	s22 =	simm.s32 $0x1BFF;
	s21 =	sshll.u32 s6, $0x1;
	s3 =	sadd.s32 s4, s19  }
0x9c: {  	s7 =	simm.s32 $0x0;
	s20 =	sshll.u32 s5, $0x1;
	s5 =	sadd.s32 s21, s3  }
0x9d: {  	[timem:s7], [sflag:s22] =	dma.local [hbm:s5], s20  }
0x9e: {  	_ =	swait.ge [sflag:s22], s20  }
0x9f: {  	s4 =	ssub.s32 $0x0, s20;
	[sflag:s22] =	ssyncset.done $0x0  }
0xa0: {  	[sflag:s22] =	ssyncadd.s32 s4;
	_ =	sdelay $0x1  }
0xa1: {  	s23 =	simm.s32 $0x1B8B  }
0xa2: {  	_ =	swait.ge [sflag:s23], $0x1  }
0xa3: {  	[sflag:s23] =	ssyncset.done $0x0  }
0xa4: {  	s25 =	simm.s32 $0x1B8E;
	s24 =	sld [smem:$0x3FFE];
	[sflag:s23] =	ssyncadd.s32 $0xFFFFFFFF  }
0xa5: {  	s26 =	simm.s32 $execute0_lowered;
	[smem:$0x3FD2] =	sst s25  }
0xa6: {  	s5 =	sshll.u32 s26, $0x1;
	_ =	strace $0x8000004C;
	[dreg:$0x1] =	wrdreg $0xFFFFFFFF  }
0xa7: {  	s28 =	simm.s32 $_size_execute0_lowered;
	s3 =	sadd.s32 s3, s5;
	[dreg:$0x0] =	wrdreg $0x0  }
0xa8: {  	s5 =	sshll.u32 s28, $0x1;
	[dreg:$0x2] =	wrdreg s3  }
0xa9: {  	[dreg:$0x3] =	wrdreg s5  }
0xaa: {  	[dreg:$0x4] =	wrdreg $0xC0  }
0xab: {  	_ =	task [dreg:s7], $0x5FFFF  }
0xac: {  	[dreg:$0x1] =	wrdreg $0xFFFFFFFF  }
0xad: {  	[dreg:$0x0] =	wrdreg $0x60  }
0xae: {  	[dreg:$0x2] =	wrdreg s2  }
0xaf: {  	[dreg:$0x3] =	wrdreg s24  }
0xb0: {  	[dreg:$0x4] =	wrdreg $0x102C00  }
0xb1: {  	[dreg:$0x5] =	wrdreg $0x66800  }
0xb2: {  	[dreg:$0x6] =	wrdreg $0x9  }
0xb3: {  	_ =	task.clear_ibuf [dreg:s7], $0x7FFFF;
	_ =	strace $0x9000004C  }
0xb4: {  	s29 =	simm.s32 $0x9;
	_ =	strace $0x8000004E  }
0xb5: {  	_ =	swait.ge [sflag:s29], $0x1  }
0xb6: {  	[sflag:s29] =	ssyncadd.s32 $0xFFFFFFFF  }
0xb7: {  	_ =	strace $0x9000004E  }
0xb8: {  	_ =	sfence  }
0xb9: {  	s30 =	sld [smem:$0x0];
	_ =	sdelay $0x2  }
0xba: {  	s31 =	sshll.u32 s1, $0xD;
	s1 =	sshrl.u32 s1, $0x2  }
0xbb: {  	s3 =	sand.u32 $0x4000, s31;
	s1 =	sadd.s32 s1, s30  }
0xbc: {  	s0 =	sor.u32 s3, s0;
	s1 =	sshll.u32 s1, $0x11  }
0xbd: {  	s0 =	sor.u32 s1, s0  }
0xbe: {  	s0 =	sadd.s32 $0x8F2B, s0  }
0xbf: {  	[sflag:s0] =	ssyncadd.remote.s32 $0x1  }
0xc0: {  	_ =	sfence.sel $0xFFFF  }
0xc1: {  	[dreg:$0x0] =	wrdreg $0xFFFFFFFF;
	(pc) =	sbr.abs _section_cstart, $3  }
0xc2: {  	[dreg:$0x1] =	wrdreg $0xFFFFFFFF  }
0xc3: {  	_ =	task.clear_ibuf [dreg:s7], $0x2FFFF;
	_ =	strace $0x9FFFFFFF  }
0xc4: {  	(tm) =	ssettm $0x7FFFFFFF  }
0xc5: {  	_ =	shalt  }
tec
execute0_lowered:
.L_overlay_start_1:
0x0: {  	(tag) =	ssettag $0x1  }
0x1: {  	s5 =	rddreg [dreg:$0x0]  }
0x2: {  	s6 =	rddreg [dreg:$0x1]  }
0x3: {  	s2 =	rddreg [dreg:$0x2]  }
0x4: {  	s1 =	srdreg.scid;
	s0 =	stileid.u32  }
0x5: {  	s3 =	rddreg [dreg:$0x3];
	s4 =	simm.s32 $0x0;
	s20 =	simm.s32 $0x2800  }
0x6: {  	s21 =	simm.s32 $0x1400;
	s22 =	simm.s32 $0x7D;
	s23 =	simm.s32 $0x1  }
0x7: {  	s28 =	simm.s32 $0x2780;
	s7 =	sand.u32 $0x1, s1;
	s1 =	rddreg [dreg:$0x4]  }
0x8: {  	s8 =	smul.u32 $0x9C40, s0;
	[smem:$0x7FF] =	sst s4;
	s14 =	sadd.s32 $0xBA00, s6  }
0x9: {  	s15 =	sadd.s32 $0x1A00, s6;
	s26 =	smul.u32 $0x27100, s0;
	s31 =	sshll.u32 s0, $0x6  }
0xa: {  	s9 =	smul.u32 $0x9C400, s7;
	s10 =	ssub.s32 $0x2, s7;
	s25 =	sshll.u32 s7, $0x4  }
0xb: {  	_ =	strace $0x8000004D;
	s24 =	sshrl.u32 s10, $0x1;
	s29 =	sor.u32 s0, s25  }
0xc: {  	s18 =	sadd.s32 s8, s2;
	s30 =	sshrl.u32 s8, $0x3;
	s7 =	sshrl.u32 s26, $0x2  }
0xd: {  	s25 =	simm.s32 $0x1380;
	s26 =	simm.s32 $0x2700;
	s9 =	sadd.s32 s8, s9  }
0xe: {  	s17 =	ssub.s32 s10, s24;
	s5 =	sadd.s32 s5, s30;
	s12 =	smul.u32 $0x2800, s29  }
0xf: {  	s11 =	sadd.s32 s7, s3;
	s7 =	sadd.s32 s8, s3;
	s13 =	smul.u32 $0x500, s29  }
0x10: {  	s18 =	sshrl.u32 s18, $0x3;
	s24 =	simm.s32 $0x4740;
	s9 =	sshrl.u32 s9, $0x3  }
0x11: {  	s8 =	sadd.s32 $0x1F40, s11;
	s10 =	sadd.s32 $0x5DC0, s11;
	s17 =	smax.u32 s17, $0x1  }
0x12: {  	s16 =	sadd.s32 s9, s6;
	s6 =	sor.u32 $0x1C02, s31;
	s9 =	sadd.s32 $0x3E80, s11  }
0x13: {  	s19 =	sshrl.u32 s12, $0x3;
	s11 =	sadd.s32 $0x7D00, s11;
	s12 =	sadd.s32 s14, s13  }
0x14: {  	s13 =	sadd.s32 s15, s13;
	s19 =	sadd.s32 $0x280, s19;
	s16 =	sadd.s32 $0x63C00, s16  }
0x15: {  	v0 =	vimm.f32 $0.0e+00;
	s14 =	sadd.s32 s14, s19;
	s15 =	sadd.s32 s15, s19;
	s19 =	simm.s32 $0x2  }
.LBB2_1:
0x16: {  	[spmem:s18], [sflag:s6] =	dma.local [hbm:s5], $0x1388  }
0x17: {  	_ =	swait.ge [sflag:s19], $0x1388  }
0x18: {  	[sflag:s19] =	ssyncset.done $0x0  }
0x19: {  	s30 =	simm.s32 $0x100;
	s29 =	simm.s32 $0x0;
	[sflag:s19] =	ssyncadd.s32 $0xFFFFEC78  }
.LBB2_2:
0x1a: {  	p0 =	sne.s32 s30, $0x7C00;
	[tilespmem:s29+$0x2830] =	vst v0;
	s31 =	smov.u32 s30;
	s30 =	sadd.s32 $0x100, s30  }
.Ltmp0:
0x1b: {  	[tilespmem:s29+$0x2820] =	vst v0;
	(pc) =	sbr.rel @p0 .LBB2_2-.Ltmp0, $3  }
0x1c: {  	[tilespmem:s29+$0x2800] =	vst v0  }
0x1d: {  	[tilespmem:s29+$0x2810] =	vst v0;
	_ =	sdelay $0x1  }
0x1e: {  	s29 =	sshra.s32 s31, $0x2  }
0x1f: {  	[tilespmem:s29+$0x2830] =	vst v0  }
0x20: {  	[tilespmem:s29+$0x2820] =	vst v0  }
0x21: {  	[tilespmem:s29+$0x2800] =	vst v0  }
0x22: {  	[tilespmem:s29+$0x2810] =	vst v0  }
0x23: {  	[spmem:s7] =	stream.linear.scatter [tilespmem:s20], [sflag:$0x2], $0x1F40, $0x38;
	[tilespmem:$0x19F00] =	vst v63  }
0x24: {  	_ =	swait.ge [sflag:s19], $0x1F40  }
0x25: {  	[sflag:s19] =	ssyncset.done $0x0  }
0x26: {  	[sflag:s19] =	ssyncadd.s32 $0xFFFFE0C0  }
0x27: {  	[spmem:s8] =	stream.linear.scatter [tilespmem:s20], [sflag:$0x2], $0x1F40, $0x38;
	[tilespmem:$0x19F00] =	vst v63  }
0x28: {  	_ =	swait.ge [sflag:s19], $0x1F40  }
0x29: {  	[sflag:s19] =	ssyncset.done $0x0  }
0x2a: {  	[sflag:s19] =	ssyncadd.s32 $0xFFFFE0C0  }
0x2b: {  	[spmem:s9] =	stream.linear.scatter [tilespmem:s20], [sflag:$0x2], $0x1F40, $0x38;
	[tilespmem:$0x19F00] =	vst v63  }
0x2c: {  	_ =	swait.ge [sflag:s19], $0x1F40  }
0x2d: {  	[sflag:s19] =	ssyncset.done $0x0  }
0x2e: {  	[sflag:s19] =	ssyncadd.s32 $0xFFFFE0C0  }
0x2f: {  	[spmem:s10] =	stream.linear.scatter [tilespmem:s20], [sflag:$0x2], $0x1F40, $0x38;
	[tilespmem:$0x19F00] =	vst v63  }
0x30: {  	_ =	swait.ge [sflag:s19], $0x1F40  }
0x31: {  	[sflag:s19] =	ssyncset.done $0x0  }
0x32: {  	[sflag:s19] =	ssyncadd.s32 $0xFFFFE0C0  }
0x33: {  	[spmem:s11] =	stream.linear.scatter [tilespmem:s20], [sflag:$0x2], $0x1F40, $0x38;
	[tilespmem:$0x19F00] =	vst v63  }
0x34: {  	_ =	swait.ge [sflag:s19], $0x1F40  }
0x35: {  	[sflag:s19] =	ssyncset.done $0x0  }
0x36: {  	[sflag:s19] =	ssyncadd.s32 $0xFFFFE0C0  }
0x37: {  	s29 =	simm.s32 $0x0;
	[bflag:$0x0] =	sbarrier.arrive $0xFFFF  }
0x38: {  	[tilespmem:s29], [sflag:$0x2] =	stream.linear.gather [hbm4b:s12+s29], $0x1400, $0x38;
	[tilespmem:$0x19F00] =	vst v63  }
0x39: {  	_ =	swait.ge [sflag:s19], $0x1400  }
0x3a: {  	[sflag:s19] =	ssyncset.done $0x0  }
0x3b: {  	[sflag:s19] =	ssyncadd.s32 $0xFFFFEC00  }
0x3c: {  	[tilespmem:s21], [sflag:$0x2] =	stream.linear.gather [hbm4b:s13+s29], $0x1400, $0x38;
	[tilespmem:$0x19F00] =	vst v63  }
0x3d: {  	_ =	swait.ge [sflag:s19], $0x1400  }
0x3e: {  	[sflag:s19] =	ssyncset.done $0x0  }
0x3f: {  	[sflag:s19] =	ssyncadd.s32 $0xFFFFEC00  }
0x40: {  	[tilespmem:s20], [sflag:$0x1] =	stream.indirect.gather [spmem:s2], $0x40, s29, s22, $0xb8;
	[tilespmem:$0x19F00] =	vst v63  }
0x41: {  	_ =	swait.ge [sflag:s23], $0x1F40  }
0x42: {  	[sflag:s23] =	ssyncset.done $0x0  }
0x43: {  	s29 =	simm.s32 $0x80;
	[sflag:s23] =	ssyncadd.s32 $0xFFFFE0C0  }
0x44: {  	[tilespmem:s24], [sflag:$0x1] =	stream.indirect.gather [spmem:s2], $0x40, s29, s22, $0xb8;
	[tilespmem:$0x19F00] =	vst v63  }
0x45: {  	s29 =	simm.s32 $0x1400  }
0x46: {  	[spmem:s3] =	stream.indirect.scatter.add.f32 [tilespmem:s20], [sflag:$0x2], $0x40, s29, s22, $0xb8;
	[tilespmem:$0x19F00] =	vst v63  }
0x47: {  	_ =	swait.ge [sflag:s19], $0x1F40  }
0x48: {  	[sflag:s19] =	ssyncset.done $0x0  }
0x49: {  	[sflag:s19] =	ssyncadd.s32 $0xFFFFE0C0  }
0x4a: {  	_ =	swait.ge [sflag:s23], $0x1F40  }
0x4b: {  	[sflag:s23] =	ssyncset.done $0x0  }
0x4c: {  	s29 =	simm.s32 $0x100;
	[sflag:s23] =	ssyncadd.s32 $0xFFFFE0C0  }
0x4d: {  	[tilespmem:s20], [sflag:$0x1] =	stream.indirect.gather [spmem:s2], $0x40, s29, s22, $0xb8;
	[tilespmem:$0x19F00] =	vst v63  }
0x4e: {  	s29 =	simm.s32 $0x1480  }
0x4f: {  	[spmem:s3] =	stream.indirect.scatter.add.f32 [tilespmem:s24], [sflag:$0x2], $0x40, s29, s22, $0xb8;
	[tilespmem:$0x19F00] =	vst v63  }
0x50: {  	_ =	swait.ge [sflag:s19], $0x1F40  }
0x51: {  	s29 =	simm.s32 $0x400;
	[sflag:s19] =	ssyncset.done $0x0  }
.LBB2_4:
0x52: {  	p0 =	sne.s32 s29, $0x4800  }
0x53: {  	[sflag:s19] =	ssyncadd.s32 $0xFFFFE0C0;
	s30 =	smov.u32 s29;
	s29 =	sadd.s32 $0x400, s29  }
0x54: {  	_ = 	snop  }
0x55: {  	_ =	swait.ge [sflag:s23], $0x1F40  }
0x56: {  	s30 =	sshra.s32 s30, $0x2;
	[sflag:s23] =	ssyncset.done $0x0  }
0x57: {  	s31 =	sadd.s32 $0x80, s30;
	[sflag:s23] =	ssyncadd.s32 $0xFFFFE0C0  }
0x58: {  	[tilespmem:s24], [sflag:$0x1] =	stream.indirect.gather [spmem:s2], $0x40, s31, s22, $0xb8;
	[tilespmem:$0x19F00] =	vst v63  }
0x59: {  	s31 =	sadd.s32 $0x1400, s30  }
0x5a: {  	[spmem:s3] =	stream.indirect.scatter.add.f32 [tilespmem:s20], [sflag:$0x2], $0x40, s31, s22, $0xb8;
	[tilespmem:$0x19F00] =	vst v63  }
0x5b: {  	_ =	swait.ge [sflag:s19], $0x1F40  }
0x5c: {  	[sflag:s19] =	ssyncset.done $0x0  }
0x5d: {  	[sflag:s19] =	ssyncadd.s32 $0xFFFFE0C0  }
0x5e: {  	_ =	swait.ge [sflag:s23], $0x1F40  }
0x5f: {  	[sflag:s23] =	ssyncset.done $0x0  }
0x60: {  	s31 =	sadd.s32 $0x100, s30;
	[sflag:s23] =	ssyncadd.s32 $0xFFFFE0C0  }
0x61: {  	[tilespmem:s20], [sflag:$0x1] =	stream.indirect.gather [spmem:s2], $0x40, s31, s22, $0xb8;
	[tilespmem:$0x19F00] =	vst v63  }
.Ltmp1:
0x62: {  	_ = 	snop;
	(pc) =	sbr.rel @p0 .LBB2_4-.Ltmp1, $4  }
0x63: {  	s30 =	sadd.s32 $0x1480, s30  }
0x64: {  	[spmem:s3] =	stream.indirect.scatter.add.f32 [tilespmem:s24], [sflag:$0x2], $0x40, s30, s22, $0xb8;
	[tilespmem:$0x19F00] =	vst v63  }
0x65: {  	_ =	swait.ge [sflag:s19], $0x1F40  }
0x66: {  	[sflag:s19] =	ssyncset.done $0x0  }
0x67: {  	[sflag:s19] =	ssyncadd.s32 $0xFFFFE0C0  }
0x68: {  	_ =	swait.ge [sflag:s23], $0x1F40  }
0x69: {  	[sflag:s23] =	ssyncset.done $0x0  }
0x6a: {  	[sflag:s23] =	ssyncadd.s32 $0xFFFFE0C0  }
0x6b: {  	[tilespmem:s24], [sflag:$0x1] =	stream.indirect.gather [spmem:s2], $0x40, s25, s22, $0xb8;
	[tilespmem:$0x19F00] =	vst v63  }
0x6c: {  	_ = 	snop  }
0x6d: {  	[spmem:s3] =	stream.indirect.scatter.add.f32 [tilespmem:s20], [sflag:$0x2], $0x40, s26, s22, $0xb8;
	[tilespmem:$0x19F00] =	vst v63  }
0x6e: {  	_ =	swait.ge [sflag:s19], $0x1F40  }
0x6f: {  	[sflag:s19] =	ssyncset.done $0x0  }
0x70: {  	[sflag:s19] =	ssyncadd.s32 $0xFFFFE0C0  }
0x71: {  	_ =	swait.ge [sflag:s23], $0x1F40  }
0x72: {  	[sflag:s23] =	ssyncset.done $0x0  }
0x73: {  	[sflag:s23] =	ssyncadd.s32 $0xFFFFE0C0  }
0x74: {  	[spmem:s3] =	stream.indirect.scatter.add.f32 [tilespmem:s24], [sflag:$0x2], $0x40, s28, s22, $0xb8;
	[tilespmem:$0x19F00] =	vst v63  }
0x75: {  	_ =	swait.ge [sflag:s19], $0x1F40  }
0x76: {  	[sflag:s19] =	ssyncset.done $0x0  }
0x77: {  	s29 =	simm.s32 $0x0;
	[sflag:s19] =	ssyncadd.s32 $0xFFFFE0C0  }
0x78: {  	[tilespmem:s29], [sflag:$0x2] =	stream.linear.gather [hbm4b:s14+s29], $0x1400, $0x38;
	[tilespmem:$0x19F00] =	vst v63  }
0x79: {  	_ =	swait.ge [sflag:s19], $0x1400  }
0x7a: {  	[sflag:s19] =	ssyncset.done $0x0  }
0x7b: {  	[sflag:s19] =	ssyncadd.s32 $0xFFFFEC00  }
0x7c: {  	[tilespmem:s21], [sflag:$0x2] =	stream.linear.gather [hbm4b:s15+s29], $0x1400, $0x38;
	[tilespmem:$0x19F00] =	vst v63  }
0x7d: {  	_ =	swait.ge [sflag:s19], $0x1400  }
0x7e: {  	[sflag:s19] =	ssyncset.done $0x0  }
0x7f: {  	[sflag:s19] =	ssyncadd.s32 $0xFFFFEC00  }
0x80: {  	[tilespmem:s20], [sflag:$0x1] =	stream.indirect.gather [spmem:s2], $0x40, s29, s22, $0xb8;
	[tilespmem:$0x19F00] =	vst v63  }
0x81: {  	_ =	swait.ge [sflag:s23], $0x1F40  }
0x82: {  	[sflag:s23] =	ssyncset.done $0x0  }
0x83: {  	s29 =	simm.s32 $0x80;
	[sflag:s23] =	ssyncadd.s32 $0xFFFFE0C0  }
0x84: {  	[tilespmem:s24], [sflag:$0x1] =	stream.indirect.gather [spmem:s2], $0x40, s29, s22, $0xb8;
	[tilespmem:$0x19F00] =	vst v63  }
0x85: {  	s29 =	simm.s32 $0x1400  }
0x86: {  	[spmem:s3] =	stream.indirect.scatter.add.f32 [tilespmem:s20], [sflag:$0x2], $0x40, s29, s22, $0xb8;
	[tilespmem:$0x19F00] =	vst v63  }
0x87: {  	_ =	swait.ge [sflag:s19], $0x1F40  }
0x88: {  	[sflag:s19] =	ssyncset.done $0x0  }
0x89: {  	[sflag:s19] =	ssyncadd.s32 $0xFFFFE0C0  }
0x8a: {  	_ =	swait.ge [sflag:s23], $0x1F40  }
0x8b: {  	[sflag:s23] =	ssyncset.done $0x0  }
0x8c: {  	s29 =	simm.s32 $0x100;
	[sflag:s23] =	ssyncadd.s32 $0xFFFFE0C0  }
0x8d: {  	[tilespmem:s20], [sflag:$0x1] =	stream.indirect.gather [spmem:s2], $0x40, s29, s22, $0xb8;
	[tilespmem:$0x19F00] =	vst v63  }
0x8e: {  	s29 =	simm.s32 $0x1480  }
0x8f: {  	[spmem:s3] =	stream.indirect.scatter.add.f32 [tilespmem:s24], [sflag:$0x2], $0x40, s29, s22, $0xb8;
	[tilespmem:$0x19F00] =	vst v63  }
0x90: {  	_ =	swait.ge [sflag:s19], $0x1F40  }
0x91: {  	s29 =	simm.s32 $0x400;
	[sflag:s19] =	ssyncset.done $0x0  }
.LBB2_6:
0x92: {  	p0 =	sne.s32 s29, $0x4800  }
0x93: {  	[sflag:s19] =	ssyncadd.s32 $0xFFFFE0C0;
	s30 =	smov.u32 s29;
	s29 =	sadd.s32 $0x400, s29  }
0x94: {  	_ = 	snop  }
0x95: {  	_ =	swait.ge [sflag:s23], $0x1F40  }
0x96: {  	s30 =	sshra.s32 s30, $0x2;
	[sflag:s23] =	ssyncset.done $0x0  }
0x97: {  	s31 =	sadd.s32 $0x80, s30;
	[sflag:s23] =	ssyncadd.s32 $0xFFFFE0C0  }
0x98: {  	[tilespmem:s24], [sflag:$0x1] =	stream.indirect.gather [spmem:s2], $0x40, s31, s22, $0xb8;
	[tilespmem:$0x19F00] =	vst v63  }
0x99: {  	s31 =	sadd.s32 $0x1400, s30  }
0x9a: {  	[spmem:s3] =	stream.indirect.scatter.add.f32 [tilespmem:s20], [sflag:$0x2], $0x40, s31, s22, $0xb8;
	[tilespmem:$0x19F00] =	vst v63  }
0x9b: {  	_ =	swait.ge [sflag:s19], $0x1F40  }
0x9c: {  	[sflag:s19] =	ssyncset.done $0x0  }
0x9d: {  	[sflag:s19] =	ssyncadd.s32 $0xFFFFE0C0  }
0x9e: {  	_ =	swait.ge [sflag:s23], $0x1F40  }
0x9f: {  	[sflag:s23] =	ssyncset.done $0x0  }
0xa0: {  	s31 =	sadd.s32 $0x100, s30;
	[sflag:s23] =	ssyncadd.s32 $0xFFFFE0C0  }
0xa1: {  	[tilespmem:s20], [sflag:$0x1] =	stream.indirect.gather [spmem:s2], $0x40, s31, s22, $0xb8;
	[tilespmem:$0x19F00] =	vst v63  }
.Ltmp2:
0xa2: {  	_ = 	snop;
	(pc) =	sbr.rel @p0 .LBB2_6-.Ltmp2, $4  }
0xa3: {  	s30 =	sadd.s32 $0x1480, s30  }
0xa4: {  	[spmem:s3] =	stream.indirect.scatter.add.f32 [tilespmem:s24], [sflag:$0x2], $0x40, s30, s22, $0xb8;
	[tilespmem:$0x19F00] =	vst v63  }
0xa5: {  	_ =	swait.ge [sflag:s19], $0x1F40  }
0xa6: {  	[sflag:s19] =	ssyncset.done $0x0  }
0xa7: {  	[sflag:s19] =	ssyncadd.s32 $0xFFFFE0C0  }
0xa8: {  	_ =	swait.ge [sflag:s23], $0x1F40  }
0xa9: {  	[sflag:s23] =	ssyncset.done $0x0  }
0xaa: {  	[sflag:s23] =	ssyncadd.s32 $0xFFFFE0C0  }
0xab: {  	[tilespmem:s24], [sflag:$0x1] =	stream.indirect.gather [spmem:s2], $0x40, s25, s22, $0xb8;
	[tilespmem:$0x19F00] =	vst v63  }
0xac: {  	_ = 	snop  }
0xad: {  	[spmem:s3] =	stream.indirect.scatter.add.f32 [tilespmem:s20], [sflag:$0x2], $0x40, s26, s22, $0xb8;
	[tilespmem:$0x19F00] =	vst v63  }
0xae: {  	_ =	swait.ge [sflag:s19], $0x1F40  }
0xaf: {  	[sflag:s19] =	ssyncset.done $0x0  }
0xb0: {  	[sflag:s19] =	ssyncadd.s32 $0xFFFFE0C0  }
0xb1: {  	_ =	swait.ge [sflag:s23], $0x1F40  }
0xb2: {  	[sflag:s23] =	ssyncset.done $0x0  }
0xb3: {  	[sflag:s23] =	ssyncadd.s32 $0xFFFFE0C0  }
0xb4: {  	[spmem:s3] =	stream.indirect.scatter.add.f32 [tilespmem:s24], [sflag:$0x2], $0x40, s28, s22, $0xb8;
	[tilespmem:$0x19F00] =	vst v63  }
0xb5: {  	_ =	swait.ge [sflag:s19], $0x1F40  }
0xb6: {  	s4 =	sadd.s32 $0x1, s4;
	[sflag:s19] =	ssyncset.done $0x0  }
0xb7: {  	p0 =	sne.s32 s4, s17;
	[sflag:s19] =	ssyncadd.s32 $0xFFFFE0C0  }
.Ltmp3:
0xb8: {  	s29 =	sshrl.u32 s7, $0x3;
	[bflag:$0x0] =	sbarrier.arrive $0xFFFF;
	(pc) =	sbr.rel @p0 .LBB2_1-.Ltmp3, $4  }
0xb9: {  	[hbm:s16], [sflag:s6] =	dma.local [spmem:s29], $0x1388  }
0xba: {  	_ =	swait.ge [sflag:s19], $0x1388  }
0xbb: {  	[sflag:s19] =	ssyncset.done $0x0  }
0xbc: {  	[sflag:s19] =	ssyncadd.s32 $0xFFFFEC78  }
0xbd: {  	_ =	sfence.sel $0x180000  }
0xbe: {  	[bflag:$0x0] =	sbarrier.arrive $0xFFFF  }
0xbf: {  	p0 =	sne.s32 s0, $0x0;
	_ =	strace $0x9000004D  }
0xc0: {  	s0 =	sadd.s32 @!p0 $0x100000, s1;
	[bflag:$0x2] =	sbarrier.arrive $0xFFFF  }
0xc1: {  	[sflag:s0] =	ssyncadd.tile.s32 @!p0 $0x1;
	_ =	shalt  }
.Lfunc_end2:
_tile_overlayer_lowered:
.L_overlay_start_2:
0xc2: {  	(tag) =	ssettag $0x2  }
0xc3: {  	s0 =	rddreg [dreg:$0x0];
	s2 =	stileid.u32  }
0xc4: {  	s1 =	rddreg [dreg:$0x1];
	p0 =	sne.s32 s2, $0x0  }
0xc5: {  	s3 =	rddreg [dreg:$0x2];
	[bflag:$0x3] =	sbarrier.arrive $0xFFFF;
	s2 =	simm.s32 @!p0 $0x1C02  }
0xc6: {  	[timem:s3], [sflag:s2] =	dma.local @!p0 [hbm:s0], s1  }
0xc7: {  	s0 =	simm.s32 @!p0 $0x2  }
0xc8: {  	_ =	swait.ge @!p0 [sflag:s0], s1  }
0xc9: {  	s1 =	ssub.s32 @!p0 $0x0, s1;
	[sflag:s0] =	ssyncset.done @!p0 $0x0  }
0xca: {  	[sflag:s0] =	ssyncadd.s32 @!p0 s1  }
0xcb: {  	[bflag:$0x3] =	sbarrier.arrive $0xFFFF  }
0xcc: {  	_ =	shalt  }

// kernel: kernel.8.cloned.1.call-start
scs
__scs_entry_jumppad:
0x0: {  	(pc) =	sbr.rel $0x88, $3  }
0x1: {  	(tag) =	ssettag $0x0;
	lr =	simm.s32 $0x1  }
0x2: {  	[smem:$0x3F9B] =	sst lr;
	_ =	strace $0xD0000000  }
0x3: {  	_ = 	snop  }
0x4: {  	_ = 	snop  }
0x5: {  	_ = 	snop  }
0x6: {  	_ = 	snop  }
0x7: {  	_ = 	snop  }
__scs_overlays_trampoline_lowered:
0x8: {  	[smem:$0x3FAA] =	sst s0  }
0x9: {  	[smem:$0x3FAB] =	sst s1  }
0xa: {  	[smem:$0x3FAC] =	sst s2  }
0xb: {  	[smem:$0x3FAD] =	sst s3  }
0xc: {  	[smem:$0x3FAE] =	sst s4  }
0xd: {  	[smem:$0x3FAF] =	sst s5  }
0xe: {  	[smem:$0x3FB0] =	sst s6  }
0xf: {  	[smem:$0x3FB1] =	sst s7  }
0x10: {  	[smem:$0x3FB2] =	sst s8  }
0x11: {  	[smem:$0x3FB3] =	sst s9;
	s0 =	simm.s32 @!p0 $0x0  }
0x12: {  	s1 =	sld [smem:$0x3F99];
	s0 =	simm.s32 @p0 $0x1  }
0x13: {  	[smem:$0x3FB4] =	sst s0;
	s0 =	simm.s32 @!p1 $0x0  }
0x14: {  	s2 =	sld [smem:$0x3F98];
	s0 =	simm.s32 @p1 $0x1  }
0x15: {  	[smem:$0x3FB5] =	sst s0;
	s0 =	simm.s32 @!p2 $0x0  }
0x16: {  	s3 =	sld [smem:$0x3FDB];
	s0 =	simm.s32 @p2 $0x1  }
0x17: {  	s4 =	simm.s32 $0x1BF5;
	[smem:$0x3FB7] =	sst s0  }
0x18: {  	s0 =	sld [smem:$0x3F9A];
	_ =	swait.ge [sflag:s4], $0x0  }
0x19: {  	s7 =	sld [smem:$0x3F9B]  }
0x1a: {  	s8 =	sadd.s32 $0xFFFFE003, lr  }
0x1b: {  	s9 =	sadd.s32 $0xFFFFFEF7, lr;
	s5 =	simm.s32 $0xFFFFFFFF;
	p2 =	slt.u32 s8, $0xFFFFF086  }
0x1c: {  	p1 =	slt.u32 s9, $0xF7A;
	s5 =	simm.s32 @!p2 $0x0  }
0x1d: {  	s5 =	simm.s32 @p1 $0x1;
	p0 =	seq.s32 s7, s2  }
0x1e: {  	s7 =	smul.u32 @!p0 $0xF7A, s2;
	p2 =	seq.s32 @!p0 s5, $0x0  }
0x1f: {  	s9 =	smul.u32 $0xF7A, s1;
	s8 =	simm.s32 @!p0 $0x1BF5;
	p2 =	por !p2, p0  }
0x20: {  	[sflag:s8] =	ssyncset.s32 @!p0 $0xFFFFF086;
	s6 =	sadd.s32 @!p0 s3, s7;
	s7 =	simm.s32 @!p0 $0x108  }
0x21: {  	s3 =	sadd.s32 s3, s9;
	s6 =	sadd.s32 @!p0 $0x88, s6;
	s7 =	simm.s32 @p2 $0x1082  }
0x22: {  	[simem:s7], [sflag:s8] =	dma.local @!p0 [hbm:s6], $0xF7A  }
0x23: {  	s9 =	sor.u32 $0xD0000000, s2;
	s6 =	simm.s32 $0x108;
	_ =	swait.ge @!p0 [sflag:s8], $0x0  }
0x24: {  	s3 =	sadd.s32 $0x88, s3;
	s6 =	simm.s32 @!p1 $0x1082;
	[sflag:s4] =	ssyncset.s32 $0xFFFFF086  }
0x25: {  	[simem:s6], [sflag:s4] =	dma.local [hbm:s3], $0xF7A  }
0x26: {  	[smem:$0x3F9B] =	sst s1;
	(tag) =	ssettag s2;
	_ =	strace s9  }
0x27: {  	s1 =	sld [smem:$0x3FAB]  }
0x28: {  	s2 =	sld [smem:$0x3FAC]  }
0x29: {  	s4 =	sld [smem:$0x3FAE]  }
0x2a: {  	p0 =	seq.s32 s5, $0x0;
	s5 =	sld [smem:$0x3FAF]  }
0x2b: {  	s6 =	sld [smem:$0x3FB0]  }
0x2c: {  	s7 =	sld [smem:$0x3FB1]  }
0x2d: {  	s3 =	simm.s32 $0x108;
	s8 =	sld [smem:$0x3FB2]  }
0x2e: {  	s3 =	simm.s32 @!p0 $0x1082;
	s9 =	sld [smem:$0x3FB3]  }
0x2f: {  	lr =	sadd.s32 s0, s3;
	s0 =	sld [smem:$0x3FAA]  }
0x30: {  	s3 =	sld [smem:$0x3FAD]  }
0x31: {  	[smem:$0x3FB6] =	sst s10  }
0x32: {  	s10 =	sld [smem:$0x3FB4];
	_ =	sdelay $0x3  }
0x33: {  	p0 =	seq.s32 s10, $0x1;
	s10 =	sld [smem:$0x3FB6];
	_ =	sdelay $0x3  }
0x34: {  	[smem:$0x3FB6] =	sst s10  }
0x35: {  	s10 =	sld [smem:$0x3FB5];
	_ =	sdelay $0x3  }
0x36: {  	p1 =	seq.s32 s10, $0x1;
	s10 =	sld [smem:$0x3FB6];
	_ =	sdelay $0x3  }
0x37: {  	[smem:$0x3FB6] =	sst s10  }
0x38: {  	s10 =	sld [smem:$0x3FB7]  }
0x39: {  	_ = 	snop;
	(pc) =	sbr.ind lr, $3  }
0x3a: {  	_ = 	snop  }
0x3b: {  	_ = 	snop  }
0x3c: {  	p2 =	seq.s32 s10, $0x1;
	s10 =	sld [smem:$0x3FB6]  }
0x3d: {  	_ =	shalt  }
0x3e: {  	_ =	shalt  }
0x3f: {  	_ =	shalt  }
0x40: {  	_ =	shalt  }
0x41: {  	_ =	shalt  }
0x42: {  	_ =	shalt  }
0x43: {  	_ =	shalt  }
0x44: {  	_ =	shalt  }
0x45: {  	_ =	shalt  }
0x46: {  	_ =	shalt  }
0x47: {  	_ =	shalt  }
0x48: {  	_ =	shalt  }
0x49: {  	_ =	shalt  }
0x4a: {  	_ =	shalt  }
0x4b: {  	_ =	shalt  }
0x4c: {  	_ =	shalt  }
0x4d: {  	_ =	shalt  }
0x4e: {  	_ =	shalt  }
0x4f: {  	_ =	shalt  }
0x50: {  	_ =	shalt  }
0x51: {  	_ =	shalt  }
0x52: {  	_ =	shalt  }
0x53: {  	_ =	shalt  }
0x54: {  	_ =	shalt  }
0x55: {  	_ =	shalt  }
0x56: {  	_ =	shalt  }
0x57: {  	_ =	shalt  }
0x58: {  	_ =	shalt  }
0x59: {  	_ =	shalt  }
0x5a: {  	_ =	shalt  }
0x5b: {  	_ =	shalt  }
0x5c: {  	_ =	shalt  }
0x5d: {  	_ =	shalt  }
0x5e: {  	_ =	shalt  }
0x5f: {  	_ =	shalt  }
0x60: {  	_ =	shalt  }
0x61: {  	_ =	shalt  }
0x62: {  	_ =	shalt  }
0x63: {  	_ =	shalt  }
0x64: {  	_ =	shalt  }
0x65: {  	_ =	shalt  }
0x66: {  	_ =	shalt  }
0x67: {  	_ =	shalt  }
0x68: {  	_ =	shalt  }
0x69: {  	_ =	shalt  }
0x6a: {  	_ =	shalt  }
0x6b: {  	_ =	shalt  }
0x6c: {  	_ =	shalt  }
0x6d: {  	_ =	shalt  }
0x6e: {  	_ =	shalt  }
0x6f: {  	_ =	shalt  }
0x70: {  	_ =	shalt  }
0x71: {  	_ =	shalt  }
0x72: {  	_ =	shalt  }
0x73: {  	_ =	shalt  }
0x74: {  	_ =	shalt  }
0x75: {  	_ =	shalt  }
0x76: {  	_ =	shalt  }
0x77: {  	_ =	shalt  }
0x78: {  	_ =	shalt  }
0x79: {  	_ =	shalt  }
0x7a: {  	_ =	shalt  }
0x7b: {  	_ =	shalt  }
0x7c: {  	_ =	shalt  }
0x7d: {  	_ =	shalt  }
0x7e: {  	_ =	shalt  }
0x7f: {  	_ =	shalt  }
0x80: {  	_ =	shalt  }
0x81: {  	_ =	shalt  }
0x82: {  	_ =	shalt  }
0x83: {  	_ =	shalt  }
0x84: {  	_ =	shalt  }
0x85: {  	_ =	shalt  }
0x86: {  	_ =	shalt  }
0x87: {  	_ =	shalt  }
.Lfunc_end0:
.L_simem_size_0:
called_computation_lowered:
.L_overlay_start_0:
0x88: {  	s2 =	sld [smem:$0x3FD9]  }
0x89: {  	s3 =	sld [smem:$0x3FFE];
	_ =	sdelay $0x1  }
0x8a: {  	s1 =	srdreg.scid  }
0x8b: {  	s0 =	sand.u32 $0x1, s1  }
0x8c: {  	s17 =	sshll.u32 s0, $0xA;
	s2 =	sadd.s32 s3, s2  }
0x8d: {  	s2 =	sadd.s32 s2, s17  }
0x8e: {  	[smem:$0x3FC2] =	sst s2  }
0x8f: {  	_ = 	snop  }
0x90: {  	s2 =	sld [smem:$0x3FD0];
	(tm) =	ssettm $0x1  }
0x91: {  	s18 =	sld [smem:$0x3FFB];
	_ =	sdelay $0x3  }
0x92: {  	_ =	strace s18  }
0x93: {  	s3 =	sld [smem:$0x3FFC];
	_ =	sdelay $0x3  }
0x94: {  	_ =	strace s3  }
0x95: {  	s3 =	sld [smem:$0x3FFD];
	_ =	sdelay $0x3  }
0x96: {  	_ =	strace s3  }
0x97: {  	_ =	strace $0x8FFFFFFF  }
0x98: {  	s19 =	sld [smem:$0x3FDB];
	_ =	sdelay $0x1  }
0x99: {  	s4 =	simm.s32 $_scs_section_size  }
0x9a: {  	s5 =	simm.s32 $_size__tile_overlayer_lowered;
	s6 =	simm.s32 $_tile_overlayer_lowered  }
0x9b: {  	s22 =	simm.s32 $0x1BFF;
	s21 =	sshll.u32 s6, $0x1;
	s3 =	sadd.s32 s4, s19  }
0x9c: {  	s7 =	simm.s32 $0x0;
	s20 =	sshll.u32 s5, $0x1;
	s5 =	sadd.s32 s21, s3  }
0x9d: {  	[timem:s7], [sflag:s22] =	dma.local [hbm:s5], s20  }
0x9e: {  	_ =	swait.ge [sflag:s22], s20  }
0x9f: {  	s4 =	ssub.s32 $0x0, s20;
	[sflag:s22] =	ssyncset.done $0x0  }
0xa0: {  	[sflag:s22] =	ssyncadd.s32 s4;
	_ =	sdelay $0x1  }
0xa1: {  	s23 =	simm.s32 $0x1B8B  }
0xa2: {  	_ =	swait.ge [sflag:s23], $0x1  }
0xa3: {  	[sflag:s23] =	ssyncset.done $0x0  }
0xa4: {  	s25 =	simm.s32 $0x1B8E;
	s24 =	sld [smem:$0x3FFE];
	[sflag:s23] =	ssyncadd.s32 $0xFFFFFFFF  }
0xa5: {  	s26 =	simm.s32 $execute0_lowered;
	[smem:$0x3FD2] =	sst s25  }
0xa6: {  	s5 =	sshll.u32 s26, $0x1;
	_ =	strace $0x80000046;
	[dreg:$0x1] =	wrdreg $0xFFFFFFFF  }
0xa7: {  	s28 =	simm.s32 $_size_execute0_lowered;
	s3 =	sadd.s32 s3, s5;
	[dreg:$0x0] =	wrdreg $0x0  }
0xa8: {  	s5 =	sshll.u32 s28, $0x1;
	[dreg:$0x2] =	wrdreg s3  }
0xa9: {  	[dreg:$0x3] =	wrdreg s5  }
0xaa: {  	[dreg:$0x4] =	wrdreg $0xC0  }
0xab: {  	_ =	task [dreg:s7], $0x5FFFF  }
0xac: {  	[dreg:$0x1] =	wrdreg $0xFFFFFFFF  }
0xad: {  	[dreg:$0x0] =	wrdreg $0x60  }
0xae: {  	[dreg:$0x2] =	wrdreg s24  }
0xaf: {  	[dreg:$0x3] =	wrdreg s2  }
0xb0: {  	[dreg:$0x4] =	wrdreg $0x86B00  }
0xb1: {  	[dreg:$0x5] =	wrdreg $0x9  }
0xb2: {  	_ =	task.clear_ibuf [dreg:s7], $0x6FFFF;
	_ =	strace $0x90000046  }
0xb3: {  	s29 =	simm.s32 $0x9;
	_ =	strace $0x80000048  }
0xb4: {  	_ =	swait.ge [sflag:s29], $0x1  }
0xb5: {  	[sflag:s29] =	ssyncadd.s32 $0xFFFFFFFF  }
0xb6: {  	_ =	strace $0x90000048  }
0xb7: {  	_ =	sfence  }
0xb8: {  	s30 =	sld [smem:$0x0];
	_ =	sdelay $0x2  }
0xb9: {  	s31 =	sshll.u32 s1, $0xD;
	s1 =	sshrl.u32 s1, $0x2  }
0xba: {  	s3 =	sand.u32 $0x4000, s31;
	s1 =	sadd.s32 s1, s30  }
0xbb: {  	s0 =	sor.u32 s3, s0;
	s1 =	sshll.u32 s1, $0x11  }
0xbc: {  	s0 =	sor.u32 s1, s0  }
0xbd: {  	s0 =	sadd.s32 $0x8F2B, s0  }
0xbe: {  	[sflag:s0] =	ssyncadd.remote.s32 $0x1  }
0xbf: {  	_ =	sfence.sel $0xFFFF  }
0xc0: {  	[dreg:$0x0] =	wrdreg $0xFFFFFFFF;
	(pc) =	sbr.abs _section_cstart, $3  }
0xc1: {  	[dreg:$0x1] =	wrdreg $0xFFFFFFFF  }
0xc2: {  	_ =	task.clear_ibuf [dreg:s7], $0x2FFFF;
	_ =	strace $0x9FFFFFFF  }
0xc3: {  	(tm) =	ssettm $0x7FFFFFFF  }
tec
execute0_lowered:
.L_overlay_start_1:
0x0: {  	(tag) =	ssettag $0x1  }
0x1: {  	s5 =	rddreg [dreg:$0x0]  }
0x2: {  	s9 =	rddreg [dreg:$0x1]  }
0x3: {  	s0 =	srdreg.scid;
	s2 =	rddreg [dreg:$0x2]  }
0x4: {  	s3 =	simm.s32 $0x0;
	s13 =	simm.s32 $0x5000;
	s14 =	simm.s32 $0x57D0  }
0x5: {  	s15 =	simm.s32 $0x2800;
	s4 =	sand.u32 $0x1, s0;
	s0 =	stileid.u32  }
0x6: {  	s16 =	simm.s32 $0x7D;
	[smem:$0x7FF] =	sst s3;
	s7 =	smul.u32 $0x2710, s0  }
0x7: {  	s1 =	sshll.u32 s4, $0x4;
	s8 =	ssub.s32 $0x2, s4;
	s10 =	smul.u32 $0x27100, s4  }
0x8: {  	s4 =	sadd.s32 $0x15C00, s5;
	s17 =	sshll.u32 s0, $0x6;
	s6 =	sor.u32 s0, s1  }
0x9: {  	s1 =	rddreg [dreg:$0x3];
	_ =	strace $0x80000047;
	s6 =	smul.u32 $0x500, s6  }
0xa: {  	s30 =	sshrl.u32 s8, $0x1;
	s17 =	sor.u32 $0x1C01, s17;
	s31 =	sadd.s32 s7, s10  }
0xb: {  	s12 =	ssub.s32 s8, s30;
	s10 =	sshrl.u32 s31, $0x3;
	s11 =	sadd.s32 s6, s5  }
0xc: {  	s5 =	sadd.s32 $0x15A00, s5;
	s6 =	sadd.s32 s7, s2;
	s9 =	sadd.s32 s9, s10  }
0xd: {  	s10 =	smax.u32 s12, $0x1;
	s12 =	simm.s32 $0x1;
	s7 =	sadd.s32 $0xBA00, s11  }
0xe: {  	v0 =	vimm.f32 $0.0e+00;
	s8 =	sadd.s32 $0x1A00, s11;
	s11 =	simm.s32 $0x5FA0;
	s18 =	sshrl.u32 s6, $0x3  }
.LBB2_1:
0xf: {  	s19 =	simm.s32 $0x40;
	s20 =	simm.s32 $0x0  }
.LBB2_2:
0x10: {  	p0 =	sne.s32 s19, $0x9C00;
	[tilespmem:s20+$0x5FA0] =	vst v0;
	s20 =	smov.u32 s19;
	s19 =	sadd.s32 $0x40, s19  }
.Ltmp0:
0x11: {  	(pc) =	sbr.rel @p0 .LBB2_2-.Ltmp0, $2  }
0x12: {  	_ =	sdelay $0x2  }
0x13: {  	s20 =	sshra.s32 s20, $0x2  }
0x14: {  	[tilespmem:s20+$0x5FA0] =	vst v0  }
0x15: {  	[spmem:s6] =	stream.linear.scatter [tilespmem:s11], [sflag:$0x1], $0x2710, $0x38;
	[tilespmem:$0xADC0] =	vst v63  }
0x16: {  	_ =	swait.ge [sflag:s12], $0x2710  }
0x17: {  	[sflag:s12] =	ssyncset.done $0x0  }
0x18: {  	s19 =	simm.s32 $0x0;
	[sflag:s12] =	ssyncadd.s32 $0xFFFFD8F0  }
0x19: {  	[tilespmem:s13], [sflag:$0x1] =	stream.linear.gather [hbm4b:s4+s19], $0x7D0, $0x38;
	[tilespmem:$0xADC0] =	vst v63  }
0x1a: {  	_ =	swait.ge [sflag:s12], $0x7D0  }
0x1b: {  	[sflag:s12] =	ssyncset.done $0x0  }
0x1c: {  	[sflag:s12] =	ssyncadd.s32 $0xFFFFF830  }
0x1d: {  	[tilespmem:s14], [sflag:$0x1] =	stream.linear.gather [hbm4b:s5+s19], $0x7D0, $0x38;
	[tilespmem:$0xADC0] =	vst v63  }
0x1e: {  	_ =	swait.ge [sflag:s12], $0x7D0  }
0x1f: {  	[sflag:s12] =	ssyncset.done $0x0  }
0x20: {  	[sflag:s12] =	ssyncadd.s32 $0xFFFFF830  }
0x21: {  	[bflag:$0x0] =	sbarrier.arrive $0xFFFF  }
0x22: {  	[tilespmem:s19], [sflag:$0x1] =	stream.linear.gather [hbm4b:s7+s19], $0x2800, $0x38;
	[tilespmem:$0xADC0] =	vst v63  }
0x23: {  	_ =	swait.ge [sflag:s12], $0x2800  }
0x24: {  	[sflag:s12] =	ssyncset.done $0x0  }
0x25: {  	[sflag:s12] =	ssyncadd.s32 $0xFFFFD800  }
0x26: {  	[tilespmem:s15], [sflag:$0x1] =	stream.linear.gather [hbm4b:s8+s19], $0x2800, $0x38;
	[tilespmem:$0xADC0] =	vst v63  }
0x27: {  	_ =	swait.ge [sflag:s12], $0x2800  }
0x28: {  	[sflag:s12] =	ssyncset.done $0x0  }
0x29: {  	s30 =	simm.s32 $0x0;
	[sflag:s12] =	ssyncadd.s32 $0xFFFFD800  }
0x2a: {  	[spmem:s2] =	stream.indirect.scatter.add.f32 [tilespmem:s13], [sflag:$0x1], $0x10, s30, s16, $0xb8;
	[tilespmem:$0xADC0] =	vst v63  }
0x2b: {  	_ =	swait.ge [sflag:s12], $0x7D0  }
0x2c: {  	[sflag:s12] =	ssyncset.done $0x0  }
0x2d: {  	s31 =	simm.s32 $0x2800;
	[sflag:s12] =	ssyncadd.s32 $0xFFFFF830  }
0x2e: {  	[spmem:s2] =	stream.indirect.scatter.add.f32 [tilespmem:s14], [sflag:$0x1], $0x10, s31, s16, $0xb8;
	[tilespmem:$0xADC0] =	vst v63  }
0x2f: {  	_ =	swait.ge [sflag:s12], $0x7D0  }
0x30: {  	s20 =	simm.s32 $0x400;
	s19 =	simm.s32 $0x200;
	[sflag:s12] =	ssyncset.done $0x0  }
.LBB2_4:
0x31: {  	s21 =	sshra.s32 s19, $0x2  }
0x32: {  	[sflag:s12] =	ssyncadd.s32 $0xFFFFF830;
	s19 =	smov.u32 s20;
	s22 =	sadd.s32 $0x200, s20  }
0x33: {  	[spmem:s2] =	stream.indirect.scatter.add.f32 [tilespmem:s13], [sflag:$0x1], $0x10, s21, s16, $0xb8;
	[tilespmem:$0xADC0] =	vst v63  }
0x34: {  	p0 =	sne.s32 s20, $0x9E00;
	_ =	swait.ge [sflag:s12], $0x7D0  }
.Ltmp1:
0x35: {  	[sflag:s12] =	ssyncset.done $0x0;
	(pc) =	sbr.rel @p0 .LBB2_4-.Ltmp1, $4  }
0x36: {  	s20 =	sadd.s32 $0x2800, s21;
	[sflag:s12] =	ssyncadd.s32 $0xFFFFF830  }
0x37: {  	[spmem:s2] =	stream.indirect.scatter.add.f32 [tilespmem:s14], [sflag:$0x1], $0x10, s20, s16, $0xb8;
	[tilespmem:$0xADC0] =	vst v63  }
0x38: {  	_ =	swait.ge [sflag:s12], $0x7D0  }
0x39: {  	s20 =	smov.u32 s22;
	[sflag:s12] =	ssyncset.done $0x0  }
0x3a: {  	s19 =	sshra.s32 s19, $0x2;
	[sflag:s12] =	ssyncadd.s32 $0xFFFFF830  }
0x3b: {  	[spmem:s2] =	stream.indirect.scatter.add.f32 [tilespmem:s13], [sflag:$0x1], $0x10, s19, s16, $0xb8;
	[tilespmem:$0xADC0] =	vst v63  }
0x3c: {  	_ =	swait.ge [sflag:s12], $0x7D0  }
0x3d: {  	[sflag:s12] =	ssyncset.done $0x0  }
0x3e: {  	s19 =	sadd.s32 $0x2800, s19;
	[sflag:s12] =	ssyncadd.s32 $0xFFFFF830  }
0x3f: {  	[spmem:s2] =	stream.indirect.scatter.add.f32 [tilespmem:s14], [sflag:$0x1], $0x10, s19, s16, $0xb8;
	[tilespmem:$0xADC0] =	vst v63  }
0x40: {  	_ =	swait.ge [sflag:s12], $0x7D0  }
0x41: {  	s3 =	sadd.s32 $0x1, s3;
	[sflag:s12] =	ssyncset.done $0x0  }
0x42: {  	p0 =	sne.s32 s3, s10;
	[sflag:s12] =	ssyncadd.s32 $0xFFFFF830  }
.Ltmp2:
0x43: {  	[bflag:$0x0] =	sbarrier.arrive $0xFFFF;
	(pc) =	sbr.rel @p0 .LBB2_1-.Ltmp2, $4  }
0x44: {  	[hbm:s9], [sflag:s17] =	dma.local [spmem:s18], $0x4E2  }
0x45: {  	_ =	swait.ge [sflag:s12], $0x4E2  }
0x46: {  	[sflag:s12] =	ssyncset.done $0x0  }
0x47: {  	[sflag:s12] =	ssyncadd.s32 $0xFFFFFB1E  }
0x48: {  	_ =	sfence.sel $0x180000  }
0x49: {  	[bflag:$0x0] =	sbarrier.arrive $0xFFFF  }
0x4a: {  	p0 =	sne.s32 s0, $0x0;
	_ =	strace $0x90000047  }
0x4b: {  	s0 =	sadd.s32 @!p0 $0x100000, s1;
	[bflag:$0x2] =	sbarrier.arrive $0xFFFF  }
0x4c: {  	[sflag:s0] =	ssyncadd.tile.s32 @!p0 $0x1;
	_ =	shalt  }
.Lfunc_end2:
_tile_overlayer_lowered:
.L_overlay_start_2:
0x4d: {  	(tag) =	ssettag $0x2  }
0x4e: {  	s0 =	rddreg [dreg:$0x0];
	s2 =	stileid.u32  }
0x4f: {  	s1 =	rddreg [dreg:$0x1];
	p0 =	sne.s32 s2, $0x0  }
0x50: {  	s3 =	rddreg [dreg:$0x2];
	[bflag:$0x3] =	sbarrier.arrive $0xFFFF;
	s2 =	simm.s32 @!p0 $0x1C01  }
0x51: {  	[timem:s3], [sflag:s2] =	dma.local @!p0 [hbm:s0], s1  }
0x52: {  	s0 =	simm.s32 @!p0 $0x1  }
0x53: {  	_ =	swait.ge @!p0 [sflag:s0], s1  }
0x54: {  	s1 =	ssub.s32 @!p0 $0x0, s1;
	[sflag:s0] =	ssyncset.done @!p0 $0x0  }
0x55: {  	[sflag:s0] =	ssyncadd.s32 @!p0 s1  }
0x56: {  	[bflag:$0x3] =	sbarrier.arrive $0xFFFF  }
0x57: {  	_ =	shalt  }

</sc_bundles>
